<compile_context>
chip_gen: v7x
topology: tpu7x:2x2x1
jax: 0.10.2.dev20260603
libtpu: 0.0.44.dev20260713+nightly
codegen_flags: <defaults>
</compile_context>

<pallas_src>
import functools

import numpy as np
import jax
import jax.numpy as jnp
from jax import lax
from jax.experimental import pallas as pl
from jax.experimental.pallas import tpu as pltpu
from jax.experimental.pallas import tpu_sc as plsc

_LANES = 16
_NEG_INF = float("-inf")
_NEG_PACKED = int(np.uint32(0xFF80FF80).view(np.int32))


def _pick_chunk(n_half_edges: int) -> int:
    for c in (3200, 1600, 6400, 800, 320, 160):
        if n_half_edges % c == 0 and (n_half_edges // c) % 2 == 0 and c % 160 == 0:
            return c
    raise ValueError(f"no edge chunking for {n_half_edges}")


def _as_bf16x2(x_i32):
    return plsc.bitcast(x_i32, jnp.bfloat16)


def _as_i32(x_bf16):
    return plsc.bitcast(x_bf16, jnp.int32)


def _sc_body(n_pad, chunk, n_chunks, half_edges,
             vcols_hbm, sd_hbm, w_hbm, out_hbm, part_hbm,
             vcol, acc, sd_b0, sd_b1, w_b0, w_b1,
             sem0, sem1):
    cid = lax.axis_index("c")
    sid = lax.axis_index("s")
    pair = cid * 8 + lax.rem(sid, 8)
    half = sid // 8
    ebase = half * half_edges
    sems = (sem0, sem1)
    sd_b = (sd_b0, sd_b1)
    w_b = (w_b0, w_b1)

    pltpu.sync_copy(vcols_hbm.at[pair], vcol)

    def init_body(i, _):
        for u in range(8):
            acc[pl.ds(i * 8 * _LANES + u * _LANES, _LANES)] = jnp.full(
                (_LANES,), _NEG_PACKED, jnp.int32)
        return 0
    lax.fori_loop(0, n_pad // (8 * _LANES), init_body, 0)

    def start(c, slot):
        e0 = ebase + c * chunk
        pltpu.make_async_copy(sd_hbm.at[pl.ds(e0, chunk)], sd_b[slot],
                              sems[slot]).start()
        pltpu.make_async_copy(w_hbm.at[pl.ds(e0, chunk)], w_b[slot],
                              sems[slot]).start()

    def wait(c, slot):
        e0 = ebase + c * chunk
        pltpu.make_async_copy(sd_hbm.at[pl.ds(e0, chunk)], sd_b[slot],
                              sems[slot]).wait()
        pltpu.make_async_copy(w_hbm.at[pl.ds(e0, chunk)], w_b[slot],
                              sems[slot]).wait()

    start(0, 0)

    _UNROLL = 10

    def make_group(slot):
      def group(i, t):
        o = i * (_LANES * _UNROLL)
        U = tuple(range(_UNROLL))
        sds = [sd_b[slot][pl.ds(o + u * _LANES, _LANES)] for u in U]
        wvs = [w_b[slot][pl.ds(o + u * _LANES, _LANES)] for u in U]
        svs = [sds[u] & jnp.int32(0xFFFF) for u in U]
        dvs = [lax.shift_right_logical(sds[u], jnp.int32(16)) for u in U]
        msgs = [_as_bf16x2(plsc.load_gather(vcol, [svs[u]])) * _as_bf16x2(wvs[u])
                for u in U]
        for half_u in (U[:_UNROLL // 2], U[_UNROLL // 2:]):
            olds = {u: plsc.load_gather(acc, [dvs[u]]) for u in half_u}
            for u in half_u:
                new = jnp.maximum(_as_bf16x2(olds[u]), msgs[u])
                plsc.store_scatter(acc, [dvs[u]], _as_i32(new))
        pend = None
        for u in U:
            chk = plsc.load_gather(acc, [dvs[u]])
            p = _as_i32(jnp.maximum(_as_bf16x2(chk), msgs[u])) != chk
            pend = p if pend is None else (pend | p)
        trip = jnp.max(jnp.where(pend, 1, 0))

        def repair_round(tt):
            for u in U:
                cur = plsc.load_gather(acc, [dvs[u]])
                new = _as_i32(jnp.maximum(_as_bf16x2(cur), msgs[u]))
                plsc.store_scatter(acc, [dvs[u]], new, mask=new != cur)
            pend2 = None
            for u in U:
                chk = plsc.load_gather(acc, [dvs[u]])
                p = _as_i32(jnp.maximum(_as_bf16x2(chk), msgs[u])) != chk
                pend2 = p if pend2 is None else (pend2 | p)
            return jnp.max(jnp.where(pend2, 1, 0))
        lax.while_loop(lambda tt: tt > 0, repair_round, trip)
        return t
      return group

    def outer(g, _):
        for b in range(2):
            c = 2 * g + b

            @pl.when(c + 1 < n_chunks)
            def _prefetch():
                start(c + 1, 1 - b)

            wait(c, b)
            lax.fori_loop(0, chunk // (_LANES * _UNROLL), make_group(b), 0)
        return 0
    lax.fori_loop(0, n_chunks // 2, outer, 0)

    @pl.when(half == 1)
    def _publish():
        pltpu.sync_copy(acc, part_hbm.at[pair])
    plsc.subcore_barrier()
    pltpu.sync_copy(part_hbm.at[pair], vcol)

    def comb_body(i, _):
        ds = [pl.ds(i * 8 * _LANES + u * _LANES, _LANES) for u in range(8)]
        a = [acc[d] for d in ds]
        b = [vcol[d] for d in ds]
        for u in range(8):
            acc[ds[u]] = _as_i32(
                jnp.maximum(_as_bf16x2(a[u]), _as_bf16x2(b[u])))
        return 0
    lax.fori_loop(0, n_pad // (8 * _LANES), comb_body, 0)

    def write_half(hi):
        def fin_body(i, _):
            ds = [pl.ds(i * 8 * _LANES + u * _LANES, _LANES) for u in range(8)]
            words = [acc[d] for d in ds]
            for u in range(8):
                if hi:
                    bits = words[u] & jnp.int32(-65536)
                else:
                    bits = lax.shift_left(words[u], jnp.int32(16))
                v = lax.bitcast_convert_type(bits, jnp.float32)
                v = jnp.where(v == _NEG_INF, 0.0, v)
                vcol[ds[u]] = lax.bitcast_convert_type(v, jnp.int32)
            return 0
        lax.fori_loop(0, n_pad // (8 * _LANES), fin_body, 0)

        @pl.when(half == 0)
        def _store():
            pltpu.sync_copy(vcol, out_hbm.at[2 * pair + hi])

    write_half(0)
    write_half(1)


def kernel(V, edge_index, w, V_in, adp):
    del V_in, adp
    _, C, N, D = V.shape
    F = C * D
    E = edge_index.shape[1]
    assert E % 2 == 0 and N <= 1 << 16
    n_pad = ((N + 63) // 64) * 64
    half_edges = E // 2
    chunk = _pick_chunk(half_edges)
    n_chunks = half_edges // chunk

    vcols = jnp.transpose(V.reshape(C, N, D), (0, 2, 1)).reshape(F, N)
    vb = lax.bitcast_convert_type(
        vcols.astype(jnp.bfloat16), jnp.uint16).astype(jnp.uint32)
    packed = (vb[1::2] << 16) | vb[0::2]
    packed = jnp.pad(packed, ((0, 0), (0, n_pad - N))).astype(jnp.int32)
    wb = lax.bitcast_convert_type(w, jnp.int32)
    w_packed = (wb & jnp.int32(-65536)) | lax.shift_right_logical(wb, 16)
    sd = jnp.int32(edge_index[0]) | (jnp.int32(edge_index[1]) << 16)

    mesh = plsc.VectorSubcoreMesh(core_axis_name="c", subcore_axis_name="s")
    body = functools.partial(_sc_body, n_pad, chunk, n_chunks, half_edges)
    run = pl.kernel(
        body,
        out_type=(jax.ShapeDtypeStruct((F, n_pad), jnp.int32),
                  jax.ShapeDtypeStruct((F // 2, n_pad), jnp.int32)),
        mesh=mesh,
        compiler_params=pltpu.CompilerParams(needs_layout_passes=False),
        scratch_types=[
            pltpu.VMEM((n_pad,), jnp.int32),
            pltpu.VMEM((n_pad,), jnp.int32),
            pltpu.VMEM((chunk,), jnp.int32),
            pltpu.VMEM((chunk,), jnp.int32),
            pltpu.VMEM((chunk,), jnp.int32),
            pltpu.VMEM((chunk,), jnp.int32),
            pltpu.SemaphoreType.DMA,
            pltpu.SemaphoreType.DMA,
        ],
    )
    out_raw, _ = run(packed, sd, w_packed)
    out_cols = lax.bitcast_convert_type(out_raw, jnp.float32)
    out = jnp.transpose(out_cols[:, :N].reshape(C, D, N), (0, 2, 1))
    return out[None]

# --- scband reference (transcript-rebuilt; emitter-appended) ---
"""Pipeline reference for scband-v-max-89275190215347 (READ-ONLY COPY).

The authoritative reference and input builder live on the scoring server;
editing this copy changes nothing except your own understanding.
"""

import jax, jax.numpy as jnp
import numpy as np

N_NODES = 50000
N_EDGES = 1600000


def setup_inputs(seed: int = 0) -> dict:
    key = jax.random.key(seed)
    k1, k2, k3, k4, k5 = jax.random.split(key, 5)
    V = jax.random.normal(k1, (1, 4, N_NODES, 8), dtype=jnp.float32)
    edge_index = jax.random.randint(k2, (2, N_EDGES), 0, N_NODES, dtype=jnp.int32)
    w = jax.random.uniform(k3, (N_EDGES,), dtype=jnp.float32)
    V_in = jax.random.normal(k4, (1, 4, N_NODES, 8), dtype=jnp.float32)
    adp = jax.random.normal(k5, (64, 64), dtype=jnp.float32)
    return {"V": V, "edge_index": edge_index, "w": w, "V_in": V_in, "adp": adp}


def reference(V, edge_index, w, V_in, adp):
    # V: [B, C, N, D] -> node-major [N, B, C, D], mirroring V.permute(2, 0, 1, 3)
    Vp = jnp.transpose(V, (2, 0, 1, 3))
    src = edge_index[0]
    dst = edge_index[1]
    # message: u_mul_e('V', 'w', 'M') -> source node feature times scalar edge weight
    msg = Vp[src] * w[:, None, None, None]
    # reduce: fn.max('M', 'V') -> per-dst-node max over incoming edge messages
    agg = jax.ops.segment_max(msg, dst, num_segments=N_NODES)
    # DGL fills nodes with no in-edges with zeros; segment_max yields -inf there
    agg = jnp.where(jnp.isneginf(agg), 0.0, agg)
    # back to [B, C, N, D], mirroring .permute(1, 2, 0, 3)
    out = jnp.transpose(agg, (1, 2, 0, 3))
    return out

if __name__ == "__main__":
    import jax
    _d = setup_inputs()
    print(jax.jit(kernel)(*tuple(_d.values())))

</pallas_src>

<mosaic_0001>
#map = affine_map<(d0, d1) -> (0, 0)>
#map1 = affine_map<(d0, d1) -> (0)>
module attributes {stable_mosaic.version = 14 : i64} {
  func.func @_sc_body(%arg0: i32, %arg1: i32, %arg2: memref<16x50048xi32, #tpu.memory_space<hbm>>, %arg3: memref<1600000xi32, #tpu.memory_space<hbm>>, %arg4: memref<1600000xi32, #tpu.memory_space<hbm>>, %arg5: memref<32x50048xi32, #tpu.memory_space<hbm>>, %arg6: memref<16x50048xi32, #tpu.memory_space<hbm>>, %arg7: memref<50048xi32, #tpu.memory_space<vmem>>, %arg8: memref<50048xi32, #tpu.memory_space<vmem>>, %arg9: memref<3200xi32, #tpu.memory_space<vmem>>, %arg10: memref<3200xi32, #tpu.memory_space<vmem>>, %arg11: memref<3200xi32, #tpu.memory_space<vmem>>, %arg12: memref<3200xi32, #tpu.memory_space<vmem>>, %arg13: memref<!tpu.dma_semaphore, #tpu.memory_space<semaphore_mem>>, %arg14: memref<!tpu.dma_semaphore, #tpu.memory_space<semaphore_mem>>) attributes {dimension_semantics = [#tpu.dimension_semantics<core_parallel>, #tpu.dimension_semantics<subcore_parallel>], iteration_bounds = array<i64: 2, 16>, scalar_prefetch = 0 : i64, scratch_operands = 8 : i64, tpu.core_type = #tpu.core_type<sc_vector_subcore>, window_params = [{transform_indices = #map}, {transform_indices = #map1}, {transform_indices = #map1}, {transform_indices = #map}, {transform_indices = #map}]} {
    %mul3A = arith.constant 8 : i32
    %mul3A_0 = arith.muli %arg0, %mul3A : i32
    %rem3A = arith.constant 8 : i32
    %rem3A_1 = arith.remsi %arg1, %rem3A : i32
    %add3A = arith.addi %mul3A_0, %rem3A_1 : i32
    %jit3A = arith.constant 8 : i32
    %div3A = arith.divsi %arg1, %jit3A : i32
    %sign3A = arith.constant 0 : i32
    %sign3A_2 = arith.cmpi sgt, %arg1, %sign3A : i32
    %sign3A_3 = arith.extui %sign3A_2 : i1 to i32
    %sign3A_4 = arith.constant 0 : i32
    %sign3A_5 = arith.cmpi slt, %arg1, %sign3A_4 : i32
    %sign3A_6 = arith.extui %sign3A_5 : i1 to i32
    %sign3A_7 = arith.subi %sign3A_3, %sign3A_6 : i32
    %sign3A_8 = arith.constant 0 : i32
    %sign3A_9 = arith.cmpi sgt, %jit3A, %sign3A_8 : i32
    %sign3A_10 = arith.extui %sign3A_9 : i1 to i32
    %sign3A_11 = arith.constant 0 : i32
    %sign3A_12 = arith.cmpi slt, %jit3A, %sign3A_11 : i32
    %sign3A_13 = arith.extui %sign3A_12 : i1 to i32
    %sign3A_14 = arith.subi %sign3A_10, %sign3A_13 : i32
    %ne3A = arith.cmpi ne, %sign3A_7, %sign3A_14 : i32
    %rem3A_15 = arith.remsi %arg1, %jit3A : i32
    %ne3A_16 = arith.constant 0 : i32
    %ne3A_17 = arith.cmpi ne, %rem3A_15, %ne3A_16 : i32
    %and3A = arith.andi %ne3A, %ne3A_17 : i1
    %sub3A = arith.constant 1 : i32
    %sub3A_18 = arith.subi %div3A, %sub3A : i32
    %select_n3A = arith.select %and3A, %sub3A_18, %div3A : i32
    %mul3A_19 = arith.constant 800000 : i32
    %mul3A_20 = arith.muli %select_n3A, %mul3A_19 : i32
    "tpu.region"() ({
      %run_scoped3A = tpu.sem_alloc : memref<!tpu.dma_semaphore, #tpu.memory_space<semaphore_mem>>
      %dma_start3A_72 = arith.constant 0 : i32
      %dma_start3A_73 = tpu.memref_slice %arg2[%add3A, %dma_start3A_72] : memref<16x50048xi32, #tpu.memory_space<hbm>> -> memref<1x50048xi32, #tpu.memory_space<hbm>>
      %dma_start3A_74 = tpu.memref_squeeze %dma_start3A_73 : memref<1x50048xi32, #tpu.memory_space<hbm>> -> memref<50048xi32, #tpu.memory_space<hbm>>
      %dma_start3A_75 = arith.constant 0 : i32
      %dma_start3A_76 = tpu.memref_slice %arg2[%add3A, %dma_start3A_75] : memref<16x50048xi32, #tpu.memory_space<hbm>> -> memref<1x50048xi32, #tpu.memory_space<hbm>>
      %dma_start3A_77 = tpu.memref_squeeze %dma_start3A_76 : memref<1x50048xi32, #tpu.memory_space<hbm>> -> memref<50048xi32, #tpu.memory_space<hbm>>
      tpu.enqueue_dma source(%dma_start3A_77 : memref<50048xi32, #tpu.memory_space<hbm>>) target(%arg7 : memref<50048xi32, #tpu.memory_space<vmem>>) target_semaphore(%run_scoped3A : memref<!tpu.dma_semaphore, #tpu.memory_space<semaphore_mem>>)
      %dma_wait3A = arith.constant 0 : i32
      %dma_wait3A_78 = tpu.memref_slice %arg2[%add3A, %dma_wait3A] : memref<16x50048xi32, #tpu.memory_space<hbm>> -> memref<1x50048xi32, #tpu.memory_space<hbm>>
      %dma_wait3A_79 = tpu.memref_squeeze %dma_wait3A_78 : memref<1x50048xi32, #tpu.memory_space<hbm>> -> memref<50048xi32, #tpu.memory_space<hbm>>
      %dma_wait3A_80 = arith.constant 0 : i32
      %dma_wait3A_81 = tpu.memref_slice %arg2[%add3A, %dma_wait3A_80] : memref<16x50048xi32, #tpu.memory_space<hbm>> -> memref<1x50048xi32, #tpu.memory_space<hbm>>
      %dma_wait3A_82 = tpu.memref_squeeze %dma_wait3A_81 : memref<1x50048xi32, #tpu.memory_space<hbm>> -> memref<50048xi32, #tpu.memory_space<hbm>>
      tpu.wait_dma2 semaphore(%run_scoped3A : memref<!tpu.dma_semaphore, #tpu.memory_space<semaphore_mem>>) src(%dma_wait3A_82 : memref<50048xi32, #tpu.memory_space<hbm>>) dst(%arg7 : memref<50048xi32, #tpu.memory_space<vmem>>)
      tpu.yield
    }) : () -> ()
    %scan3A = arith.constant 0 : i32
    %scan3A_21 = arith.constant 0 : i32
    %scan3A_22 = arith.constant 391 : i32
    %scan3A_23 = arith.addi %scan3A_21, %scan3A_22 : i32
    %scan3A_24 = arith.constant 1 : i32
    %scan3A_25 = scf.for %scan3A_72 = %scan3A_21 to %scan3A_23 step %scan3A_24 iter_args(%scan3A_73 = %scan3A) -> (i32)  : i32 {
      %broadcast_in_dim3A = arith.constant -8323200 : i32
      %broadcast_in_dim3A_74 = vector.broadcast %broadcast_in_dim3A : i32 to vector<16xi32>
      %mul3A_75 = arith.constant 8 : i32
      %mul3A_76 = arith.muli %scan3A_72, %mul3A_75 : i32
      %mul3A_77 = arith.constant 16 : i32
      %mul3A_78 = arith.muli %mul3A_76, %mul3A_77 : i32
      %add3A_79 = arith.constant 0 : i32
      %add3A_80 = arith.addi %mul3A_78, %add3A_79 : i32
      %swap3A = arith.index_cast %add3A_80 : i32 to index
      %swap3A_81 = tpu.vector_load %arg8[%swap3A] {strides = array<i32>} : memref<50048xi32, #tpu.memory_space<vmem>>, vector<16xi32>,
      tpu.vector_store %arg8[%swap3A], %broadcast_in_dim3A_74 {strides = array<i32>} : memref<50048xi32, #tpu.memory_space<vmem>>, vector<16xi32>,
      %broadcast_in_dim3A_82 = arith.constant -8323200 : i32
      %broadcast_in_dim3A_83 = vector.broadcast %broadcast_in_dim3A_82 : i32 to vector<16xi32>
      %mul3A_84 = arith.constant 8 : i32
      %mul3A_85 = arith.muli %scan3A_72, %mul3A_84 : i32
      %mul3A_86 = arith.constant 16 : i32
      %mul3A_87 = arith.muli %mul3A_85, %mul3A_86 : i32
      %add3A_88 = arith.constant 16 : i32
      %add3A_89 = arith.addi %mul3A_87, %add3A_88 : i32
      %swap3A_90 = arith.index_cast %add3A_89 : i32 to index
      %swap3A_91 = tpu.vector_load %arg8[%swap3A_90] {strides = array<i32>} : memref<50048xi32, #tpu.memory_space<vmem>>, vector<16xi32>,
      tpu.vector_store %arg8[%swap3A_90], %broadcast_in_dim3A_83 {strides = array<i32>} : memref<50048xi32, #tpu.memory_space<vmem>>, vector<16xi32>,
      %broadcast_in_dim3A_92 = arith.constant -8323200 : i32
      %broadcast_in_dim3A_93 = vector.broadcast %broadcast_in_dim3A_92 : i32 to vector<16xi32>
      %mul3A_94 = arith.constant 8 : i32
      %mul3A_95 = arith.muli %scan3A_72, %mul3A_94 : i32
      %mul3A_96 = arith.constant 16 : i32
      %mul3A_97 = arith.muli %mul3A_95, %mul3A_96 : i32
      %add3A_98 = arith.constant 32 : i32
      %add3A_99 = arith.addi %mul3A_97, %add3A_98 : i32
      %swap3A_100 = arith.index_cast %add3A_99 : i32 to index
      %swap3A_101 = tpu.vector_load %arg8[%swap3A_100] {strides = array<i32>} : memref<50048xi32, #tpu.memory_space<vmem>>, vector<16xi32>,
      tpu.vector_store %arg8[%swap3A_100], %broadcast_in_dim3A_93 {strides = array<i32>} : memref<50048xi32, #tpu.memory_space<vmem>>, vector<16xi32>,
      %broadcast_in_dim3A_102 = arith.constant -8323200 : i32
      %broadcast_in_dim3A_103 = vector.broadcast %broadcast_in_dim3A_102 : i32 to vector<16xi32>
      %mul3A_104 = arith.constant 8 : i32
      %mul3A_105 = arith.muli %scan3A_72, %mul3A_104 : i32
      %mul3A_106 = arith.constant 16 : i32
      %mul3A_107 = arith.muli %mul3A_105, %mul3A_106 : i32
      %add3A_108 = arith.constant 48 : i32
      %add3A_109 = arith.addi %mul3A_107, %add3A_108 : i32
      %swap3A_110 = arith.index_cast %add3A_109 : i32 to index
      %swap3A_111 = tpu.vector_load %arg8[%swap3A_110] {strides = array<i32>} : memref<50048xi32, #tpu.memory_space<vmem>>, vector<16xi32>,
      tpu.vector_store %arg8[%swap3A_110], %broadcast_in_dim3A_103 {strides = array<i32>} : memref<50048xi32, #tpu.memory_space<vmem>>, vector<16xi32>,
      %broadcast_in_dim3A_112 = arith.constant -8323200 : i32
      %broadcast_in_dim3A_113 = vector.broadcast %broadcast_in_dim3A_112 : i32 to vector<16xi32>
      %mul3A_114 = arith.constant 8 : i32
      %mul3A_115 = arith.muli %scan3A_72, %mul3A_114 : i32
      %mul3A_116 = arith.constant 16 : i32
      %mul3A_117 = arith.muli %mul3A_115, %mul3A_116 : i32
      %add3A_118 = arith.constant 64 : i32
      %add3A_119 = arith.addi %mul3A_117, %add3A_118 : i32
      %swap3A_120 = arith.index_cast %add3A_119 : i32 to index
      %swap3A_121 = tpu.vector_load %arg8[%swap3A_120] {strides = array<i32>} : memref<50048xi32, #tpu.memory_space<vmem>>, vector<16xi32>,
      tpu.vector_store %arg8[%swap3A_120], %broadcast_in_dim3A_113 {strides = array<i32>} : memref<50048xi32, #tpu.memory_space<vmem>>, vector<16xi32>,
      %broadcast_in_dim3A_122 = arith.constant -8323200 : i32
      %broadcast_in_dim3A_123 = vector.broadcast %broadcast_in_dim3A_122 : i32 to vector<16xi32>
      %mul3A_124 = arith.constant 8 : i32
      %mul3A_125 = arith.muli %scan3A_72, %mul3A_124 : i32
      %mul3A_126 = arith.constant 16 : i32
      %mul3A_127 = arith.muli %mul3A_125, %mul3A_126 : i32
      %add3A_128 = arith.constant 80 : i32
      %add3A_129 = arith.addi %mul3A_127, %add3A_128 : i32
      %swap3A_130 = arith.index_cast %add3A_129 : i32 to index
      %swap3A_131 = tpu.vector_load %arg8[%swap3A_130] {strides = array<i32>} : memref<50048xi32, #tpu.memory_space<vmem>>, vector<16xi32>,
      tpu.vector_store %arg8[%swap3A_130], %broadcast_in_dim3A_123 {strides = array<i32>} : memref<50048xi32, #tpu.memory_space<vmem>>, vector<16xi32>,
      %broadcast_in_dim3A_132 = arith.constant -8323200 : i32
      %broadcast_in_dim3A_133 = vector.broadcast %broadcast_in_dim3A_132 : i32 to vector<16xi32>
      %mul3A_134 = arith.constant 8 : i32
      %mul3A_135 = arith.muli %scan3A_72, %mul3A_134 : i32
      %mul3A_136 = arith.constant 16 : i32
      %mul3A_137 = arith.muli %mul3A_135, %mul3A_136 : i32
      %add3A_138 = arith.constant 96 : i32
      %add3A_139 = arith.addi %mul3A_137, %add3A_138 : i32
      %swap3A_140 = arith.index_cast %add3A_139 : i32 to index
      %swap3A_141 = tpu.vector_load %arg8[%swap3A_140] {strides = array<i32>} : memref<50048xi32, #tpu.memory_space<vmem>>, vector<16xi32>,
      tpu.vector_store %arg8[%swap3A_140], %broadcast_in_dim3A_133 {strides = array<i32>} : memref<50048xi32, #tpu.memory_space<vmem>>, vector<16xi32>,
      %broadcast_in_dim3A_142 = arith.constant -8323200 : i32
      %broadcast_in_dim3A_143 = vector.broadcast %broadcast_in_dim3A_142 : i32 to vector<16xi32>
      %mul3A_144 = arith.constant 8 : i32
      %mul3A_145 = arith.muli %scan3A_72, %mul3A_144 : i32
      %mul3A_146 = arith.constant 16 : i32
      %mul3A_147 = arith.muli %mul3A_145, %mul3A_146 : i32
      %add3A_148 = arith.constant 112 : i32
      %add3A_149 = arith.addi %mul3A_147, %add3A_148 : i32
      %swap3A_150 = arith.index_cast %add3A_149 : i32 to index
      %swap3A_151 = tpu.vector_load %arg8[%swap3A_150] {strides = array<i32>} : memref<50048xi32, #tpu.memory_space<vmem>>, vector<16xi32>,
      tpu.vector_store %arg8[%swap3A_150], %broadcast_in_dim3A_143 {strides = array<i32>} : memref<50048xi32, #tpu.memory_space<vmem>>, vector<16xi32>,
      %scan3A_152 = arith.constant 0 : i32
      scf.yield %scan3A_152 : i32
    }
    %scan3A_26 = arith.constant 391 : i32
    %add3A_27 = arith.constant 0 : i32
    %add3A_28 = arith.addi %mul3A_20, %add3A_27 : i32
    %dma_start3A = tpu.memref_slice %arg3[%add3A_28] : memref<1600000xi32, #tpu.memory_space<hbm>> -> memref<3200xi32, #tpu.memory_space<hbm>>
    %dma_start3A_29 = tpu.memref_slice %arg3[%add3A_28] : memref<1600000xi32, #tpu.memory_space<hbm>> -> memref<3200xi32, #tpu.memory_space<hbm>>
    tpu.enqueue_dma source(%dma_start3A_29 : memref<3200xi32, #tpu.memory_space<hbm>>) target(%arg9 : memref<3200xi32, #tpu.memory_space<vmem>>) target_semaphore(%arg13 : memref<!tpu.dma_semaphore, #tpu.memory_space<semaphore_mem>>)
    %dma_start3A_30 = tpu.memref_slice %arg4[%add3A_28] : memref<1600000xi32, #tpu.memory_space<hbm>> -> memref<3200xi32, #tpu.memory_space<hbm>>
    %dma_start3A_31 = tpu.memref_slice %arg4[%add3A_28] : memref<1600000xi32, #tpu.memory_space<hbm>> -> memref<3200xi32, #tpu.memory_space<hbm>>
    tpu.enqueue_dma source(%dma_start3A_31 : memref<3200xi32, #tpu.memory_space<hbm>>) target(%arg11 : memref<3200xi32, #tpu.memory_space<vmem>>) target_semaphore(%arg13 : memref<!tpu.dma_semaphore, #tpu.memory_space<semaphore_mem>>)
    %scan3A_32 = arith.constant 0 : i32
    %scan3A_33 = arith.constant 0 : i32
    %scan3A_34 = arith.constant 125 : i32
    %scan3A_35 = arith.addi %scan3A_33, %scan3A_34 : i32
    %scan3A_36 = arith.constant 1 : i32
    %scan3A_37 = scf.for %scan3A_72 = %scan3A_33 to %scan3A_35 step %scan3A_36 iter_args(%scan3A_73 = %scan3A_32) -> (i32)  : i32 {
      %mul3A_74 = arith.constant 2 : i32
      %mul3A_75 = arith.muli %mul3A_74, %scan3A_72 : i32
      %add3A_76 = arith.constant 0 : i32
      %add3A_77 = arith.addi %mul3A_75, %add3A_76 : i32
      %add3A_78 = arith.constant 1 : i32
      %add3A_79 = arith.addi %add3A_77, %add3A_78 : i32
      %lt3A = arith.constant 250 : i32
      %lt3A_80 = arith.cmpi slt, %add3A_79, %lt3A : i32
      %convert_element_type3A_81 = arith.extui %lt3A_80 : i1 to i32
      %cond3A_82 = arith.constant 0 : i32
      %cond3A_83 = arith.cmpi ne, %convert_element_type3A_81, %cond3A_82 : i32
      scf.if %cond3A_83 {
        %add3A_121 = arith.constant 1 : i32
        %add3A_122 = arith.addi %add3A_77, %add3A_121 : i32
        %mul3A_123 = arith.constant 3200 : i32
        %mul3A_124 = arith.muli %add3A_122, %mul3A_123 : i32
        %add3A_125 = arith.addi %mul3A_20, %mul3A_124 : i32
        %dma_start3A_126 = tpu.memref_slice %arg3[%add3A_125] : memref<1600000xi32, #tpu.memory_space<hbm>> -> memref<3200xi32, #tpu.memory_space<hbm>>
        %dma_start3A_127 = tpu.memref_slice %arg3[%add3A_125] : memref<1600000xi32, #tpu.memory_space<hbm>> -> memref<3200xi32, #tpu.memory_space<hbm>>
        tpu.enqueue_dma source(%dma_start3A_127 : memref<3200xi32, #tpu.memory_space<hbm>>) target(%arg10 : memref<3200xi32, #tpu.memory_space<vmem>>) target_semaphore(%arg14 : memref<!tpu.dma_semaphore, #tpu.memory_space<semaphore_mem>>)
        %dma_start3A_128 = tpu.memref_slice %arg4[%add3A_125] : memref<1600000xi32, #tpu.memory_space<hbm>> -> memref<3200xi32, #tpu.memory_space<hbm>>
        %dma_start3A_129 = tpu.memref_slice %arg4[%add3A_125] : memref<1600000xi32, #tpu.memory_space<hbm>> -> memref<3200xi32, #tpu.memory_space<hbm>>
        tpu.enqueue_dma source(%dma_start3A_129 : memref<3200xi32, #tpu.memory_space<hbm>>) target(%arg12 : memref<3200xi32, #tpu.memory_space<vmem>>) target_semaphore(%arg14 : memref<!tpu.dma_semaphore, #tpu.memory_space<semaphore_mem>>)
      } else {
      }
      %mul3A_84 = arith.constant 3200 : i32
      %mul3A_85 = arith.muli %add3A_77, %mul3A_84 : i32
      %add3A_86 = arith.addi %mul3A_20, %mul3A_85 : i32
      %dma_wait3A = tpu.memref_slice %arg3[%add3A_86] : memref<1600000xi32, #tpu.memory_space<hbm>> -> memref<3200xi32, #tpu.memory_space<hbm>>
      %dma_wait3A_87 = tpu.memref_slice %arg3[%add3A_86] : memref<1600000xi32, #tpu.memory_space<hbm>> -> memref<3200xi32, #tpu.memory_space<hbm>>
      tpu.wait_dma2 semaphore(%arg13 : memref<!tpu.dma_semaphore, #tpu.memory_space<semaphore_mem>>) src(%dma_wait3A_87 : memref<3200xi32, #tpu.memory_space<hbm>>) dst(%arg9 : memref<3200xi32, #tpu.memory_space<vmem>>)
      %dma_wait3A_88 = tpu.memref_slice %arg4[%add3A_86] : memref<1600000xi32, #tpu.memory_space<hbm>> -> memref<3200xi32, #tpu.memory_space<hbm>>
      %dma_wait3A_89 = tpu.memref_slice %arg4[%add3A_86] : memref<1600000xi32, #tpu.memory_space<hbm>> -> memref<3200xi32, #tpu.memory_space<hbm>>
      tpu.wait_dma2 semaphore(%arg13 : memref<!tpu.dma_semaphore, #tpu.memory_space<semaphore_mem>>) src(%dma_wait3A_89 : memref<3200xi32, #tpu.memory_space<hbm>>) dst(%arg11 : memref<3200xi32, #tpu.memory_space<vmem>>)
      %scan3A_90 = arith.constant 0 : i32
      %scan3A_91 = arith.constant 0 : i32
      %scan3A_92 = arith.constant 20 : i32
      %scan3A_93 = arith.addi %scan3A_91, %scan3A_92 : i32
      %scan3A_94 = arith.constant 1 : i32
      scf.for %scan3A_121 = %scan3A_91 to %scan3A_93 step %scan3A_94  : i32 {
        %mul3A_122 = arith.constant 160 : i32
        %mul3A_123 = arith.muli %scan3A_121, %mul3A_122 : i32
        %add3A_124 = arith.constant 0 : i32
        %add3A_125 = arith.addi %mul3A_123, %add3A_124 : i32
        %get3A = arith.index_cast %add3A_125 : i32 to index
        %get3A_126 = tpu.vector_load %arg9[%get3A] {strides = array<i32>} : memref<3200xi32, #tpu.memory_space<vmem>>, vector<16xi32>,
        %add3A_127 = arith.constant 16 : i32
        %add3A_128 = arith.addi %mul3A_123, %add3A_127 : i32
        %get3A_129 = arith.index_cast %add3A_128 : i32 to index
        %get3A_130 = tpu.vector_load %arg9[%get3A_129] {strides = array<i32>} : memref<3200xi32, #tpu.memory_space<vmem>>, vector<16xi32>,
        %add3A_131 = arith.constant 32 : i32
        %add3A_132 = arith.addi %mul3A_123, %add3A_131 : i32
        %get3A_133 = arith.index_cast %add3A_132 : i32 to index
        %get3A_134 = tpu.vector_load %arg9[%get3A_133] {strides = array<i32>} : memref<3200xi32, #tpu.memory_space<vmem>>, vector<16xi32>,
        %add3A_135 = arith.constant 48 : i32
        %add3A_136 = arith.addi %mul3A_123, %add3A_135 : i32
        %get3A_137 = arith.index_cast %add3A_136 : i32 to index
        %get3A_138 = tpu.vector_load %arg9[%get3A_137] {strides = array<i32>} : memref<3200xi32, #tpu.memory_space<vmem>>, vector<16xi32>,
        %add3A_139 = arith.constant 64 : i32
        %add3A_140 = arith.addi %mul3A_123, %add3A_139 : i32
        %get3A_141 = arith.index_cast %add3A_140 : i32 to index
        %get3A_142 = tpu.vector_load %arg9[%get3A_141] {strides = array<i32>} : memref<3200xi32, #tpu.memory_space<vmem>>, vector<16xi32>,
        %add3A_143 = arith.constant 80 : i32
        %add3A_144 = arith.addi %mul3A_123, %add3A_143 : i32
        %get3A_145 = arith.index_cast %add3A_144 : i32 to index
        %get3A_146 = tpu.vector_load %arg9[%get3A_145] {strides = array<i32>} : memref<3200xi32, #tpu.memory_space<vmem>>, vector<16xi32>,
        %add3A_147 = arith.constant 96 : i32
        %add3A_148 = arith.addi %mul3A_123, %add3A_147 : i32
        %get3A_149 = arith.index_cast %add3A_148 : i32 to index
        %get3A_150 = tpu.vector_load %arg9[%get3A_149] {strides = array<i32>} : memref<3200xi32, #tpu.memory_space<vmem>>, vector<16xi32>,
        %add3A_151 = arith.constant 112 : i32
        %add3A_152 = arith.addi %mul3A_123, %add3A_151 : i32
        %get3A_153 = arith.index_cast %add3A_152 : i32 to index
        %get3A_154 = tpu.vector_load %arg9[%get3A_153] {strides = array<i32>} : memref<3200xi32, #tpu.memory_space<vmem>>, vector<16xi32>,
        %add3A_155 = arith.constant 128 : i32
        %add3A_156 = arith.addi %mul3A_123, %add3A_155 : i32
        %get3A_157 = arith.index_cast %add3A_156 : i32 to index
        %get3A_158 = tpu.vector_load %arg9[%get3A_157] {strides = array<i32>} : memref<3200xi32, #tpu.memory_space<vmem>>, vector<16xi32>,
        %add3A_159 = arith.constant 144 : i32
        %add3A_160 = arith.addi %mul3A_123, %add3A_159 : i32
        %get3A_161 = arith.index_cast %add3A_160 : i32 to index
        %get3A_162 = tpu.vector_load %arg9[%get3A_161] {strides = array<i32>} : memref<3200xi32, #tpu.memory_space<vmem>>, vector<16xi32>,
        %add3A_163 = arith.constant 0 : i32
        %add3A_164 = arith.addi %mul3A_123, %add3A_163 : i32
        %get3A_165 = arith.index_cast %add3A_164 : i32 to index
        %get3A_166 = tpu.vector_load %arg11[%get3A_165] {strides = array<i32>} : memref<3200xi32, #tpu.memory_space<vmem>>, vector<16xi32>,
        %add3A_167 = arith.constant 16 : i32
        %add3A_168 = arith.addi %mul3A_123, %add3A_167 : i32
        %get3A_169 = arith.index_cast %add3A_168 : i32 to index
        %get3A_170 = tpu.vector_load %arg11[%get3A_169] {strides = array<i32>} : memref<3200xi32, #tpu.memory_space<vmem>>, vector<16xi32>,
        %add3A_171 = arith.constant 32 : i32
        %add3A_172 = arith.addi %mul3A_123, %add3A_171 : i32
        %get3A_173 = arith.index_cast %add3A_172 : i32 to index
        %get3A_174 = tpu.vector_load %arg11[%get3A_173] {strides = array<i32>} : memref<3200xi32, #tpu.memory_space<vmem>>, vector<16xi32>,
        %add3A_175 = arith.constant 48 : i32
        %add3A_176 = arith.addi %mul3A_123, %add3A_175 : i32
        %get3A_177 = arith.index_cast %add3A_176 : i32 to index
        %get3A_178 = tpu.vector_load %arg11[%get3A_177] {strides = array<i32>} : memref<3200xi32, #tpu.memory_space<vmem>>, vector<16xi32>,
        %add3A_179 = arith.constant 64 : i32
        %add3A_180 = arith.addi %mul3A_123, %add3A_179 : i32
        %get3A_181 = arith.index_cast %add3A_180 : i32 to index
        %get3A_182 = tpu.vector_load %arg11[%get3A_181] {strides = array<i32>} : memref<3200xi32, #tpu.memory_space<vmem>>, vector<16xi32>,
        %add3A_183 = arith.constant 80 : i32
        %add3A_184 = arith.addi %mul3A_123, %add3A_183 : i32
        %get3A_185 = arith.index_cast %add3A_184 : i32 to index
        %get3A_186 = tpu.vector_load %arg11[%get3A_185] {strides = array<i32>} : memref<3200xi32, #tpu.memory_space<vmem>>, vector<16xi32>,
        %add3A_187 = arith.constant 96 : i32
        %add3A_188 = arith.addi %mul3A_123, %add3A_187 : i32
        %get3A_189 = arith.index_cast %add3A_188 : i32 to index
        %get3A_190 = tpu.vector_load %arg11[%get3A_189] {strides = array<i32>} : memref<3200xi32, #tpu.memory_space<vmem>>, vector<16xi32>,
        %add3A_191 = arith.constant 112 : i32
        %add3A_192 = arith.addi %mul3A_123, %add3A_191 : i32
        %get3A_193 = arith.index_cast %add3A_192 : i32 to index
        %get3A_194 = tpu.vector_load %arg11[%get3A_193] {strides = array<i32>} : memref<3200xi32, #tpu.memory_space<vmem>>, vector<16xi32>,
        %add3A_195 = arith.constant 128 : i32
        %add3A_196 = arith.addi %mul3A_123, %add3A_195 : i32
        %get3A_197 = arith.index_cast %add3A_196 : i32 to index
        %get3A_198 = tpu.vector_load %arg11[%get3A_197] {strides = array<i32>} : memref<3200xi32, #tpu.memory_space<vmem>>, vector<16xi32>,
        %add3A_199 = arith.constant 144 : i32
        %add3A_200 = arith.addi %mul3A_123, %add3A_199 : i32
        %get3A_201 = arith.index_cast %add3A_200 : i32 to index
        %get3A_202 = tpu.vector_load %arg11[%get3A_201] {strides = array<i32>} : memref<3200xi32, #tpu.memory_space<vmem>>, vector<16xi32>,
        %and3A_203 = arith.constant 65535 : i32
        %and3A_204 = vector.broadcast %and3A_203 : i32 to vector<16xi32>
        %and3A_205 = arith.andi %get3A_126, %and3A_204 : vector<16xi32>
        %and3A_206 = arith.constant 65535 : i32
        %and3A_207 = vector.broadcast %and3A_206 : i32 to vector<16xi32>
        %and3A_208 = arith.andi %get3A_130, %and3A_207 : vector<16xi32>
        %and3A_209 = arith.constant 65535 : i32
        %and3A_210 = vector.broadcast %and3A_209 : i32 to vector<16xi32>
        %and3A_211 = arith.andi %get3A_134, %and3A_210 : vector<16xi32>
        %and3A_212 = arith.constant 65535 : i32
        %and3A_213 = vector.broadcast %and3A_212 : i32 to vector<16xi32>
        %and3A_214 = arith.andi %get3A_138, %and3A_213 : vector<16xi32>
        %and3A_215 = arith.constant 65535 : i32
        %and3A_216 = vector.broadcast %and3A_215 : i32 to vector<16xi32>
        %and3A_217 = arith.andi %get3A_142, %and3A_216 : vector<16xi32>
        %and3A_218 = arith.constant 65535 : i32
        %and3A_219 = vector.broadcast %and3A_218 : i32 to vector<16xi32>
        %and3A_220 = arith.andi %get3A_146, %and3A_219 : vector<16xi32>
        %and3A_221 = arith.constant 65535 : i32
        %and3A_222 = vector.broadcast %and3A_221 : i32 to vector<16xi32>
        %and3A_223 = arith.andi %get3A_150, %and3A_222 : vector<16xi32>
        %and3A_224 = arith.constant 65535 : i32
        %and3A_225 = vector.broadcast %and3A_224 : i32 to vector<16xi32>
        %and3A_226 = arith.andi %get3A_154, %and3A_225 : vector<16xi32>
        %and3A_227 = arith.constant 65535 : i32
        %and3A_228 = vector.broadcast %and3A_227 : i32 to vector<16xi32>
        %and3A_229 = arith.andi %get3A_158, %and3A_228 : vector<16xi32>
        %and3A_230 = arith.constant 65535 : i32
        %and3A_231 = vector.broadcast %and3A_230 : i32 to vector<16xi32>
        %and3A_232 = arith.andi %get3A_162, %and3A_231 : vector<16xi32>
        %shift_right_logical3A = arith.constant 16 : i32
        %shift_right_logical3A_233 = vector.broadcast %shift_right_logical3A : i32 to vector<16xi32>
        %shift_right_logical3A_234 = arith.shrui %get3A_126, %shift_right_logical3A_233 : vector<16xi32>
        %shift_right_logical3A_235 = arith.constant 16 : i32
        %shift_right_logical3A_236 = vector.broadcast %shift_right_logical3A_235 : i32 to vector<16xi32>
        %shift_right_logical3A_237 = arith.shrui %get3A_130, %shift_right_logical3A_236 : vector<16xi32>
        %shift_right_logical3A_238 = arith.constant 16 : i32
        %shift_right_logical3A_239 = vector.broadcast %shift_right_logical3A_238 : i32 to vector<16xi32>
        %shift_right_logical3A_240 = arith.shrui %get3A_134, %shift_right_logical3A_239 : vector<16xi32>
        %shift_right_logical3A_241 = arith.constant 16 : i32
        %shift_right_logical3A_242 = vector.broadcast %shift_right_logical3A_241 : i32 to vector<16xi32>
        %shift_right_logical3A_243 = arith.shrui %get3A_138, %shift_right_logical3A_242 : vector<16xi32>
        %shift_right_logical3A_244 = arith.constant 16 : i32
        %shift_right_logical3A_245 = vector.broadcast %shift_right_logical3A_244 : i32 to vector<16xi32>
        %shift_right_logical3A_246 = arith.shrui %get3A_142, %shift_right_logical3A_245 : vector<16xi32>
        %shift_right_logical3A_247 = arith.constant 16 : i32
        %shift_right_logical3A_248 = vector.broadcast %shift_right_logical3A_247 : i32 to vector<16xi32>
        %shift_right_logical3A_249 = arith.shrui %get3A_146, %shift_right_logical3A_248 : vector<16xi32>
        %shift_right_logical3A_250 = arith.constant 16 : i32
        %shift_right_logical3A_251 = vector.broadcast %shift_right_logical3A_250 : i32 to vector<16xi32>
        %shift_right_logical3A_252 = arith.shrui %get3A_150, %shift_right_logical3A_251 : vector<16xi32>
        %shift_right_logical3A_253 = arith.constant 16 : i32
        %shift_right_logical3A_254 = vector.broadcast %shift_right_logical3A_253 : i32 to vector<16xi32>
        %shift_right_logical3A_255 = arith.shrui %get3A_154, %shift_right_logical3A_254 : vector<16xi32>
        %shift_right_logical3A_256 = arith.constant 16 : i32
        %shift_right_logical3A_257 = vector.broadcast %shift_right_logical3A_256 : i32 to vector<16xi32>
        %shift_right_logical3A_258 = arith.shrui %get3A_158, %shift_right_logical3A_257 : vector<16xi32>
        %shift_right_logical3A_259 = arith.constant 16 : i32
        %shift_right_logical3A_260 = vector.broadcast %shift_right_logical3A_259 : i32 to vector<16xi32>
        %shift_right_logical3A_261 = arith.shrui %get3A_162, %shift_right_logical3A_260 : vector<16xi32>
        %gather3A = tpu.vector_load_idx %arg7[%and3A_205] : memref<50048xi32, #tpu.memory_space<vmem>>[vector<16xi32>], vector<16xi32>,
        %bitcast3A = vector.bitcast %gather3A : vector<16xi32> to vector<32xbf16>
        %bitcast3A_262 = vector.bitcast %get3A_166 : vector<16xi32> to vector<32xbf16>
        %mul3A_263 = arith.mulf %bitcast3A, %bitcast3A_262 : vector<32xbf16>
        %gather3A_264 = tpu.vector_load_idx %arg7[%and3A_208] : memref<50048xi32, #tpu.memory_space<vmem>>[vector<16xi32>], vector<16xi32>,
        %bitcast3A_265 = vector.bitcast %gather3A_264 : vector<16xi32> to vector<32xbf16>
        %bitcast3A_266 = vector.bitcast %get3A_170 : vector<16xi32> to vector<32xbf16>
        %mul3A_267 = arith.mulf %bitcast3A_265, %bitcast3A_266 : vector<32xbf16>
        %gather3A_268 = tpu.vector_load_idx %arg7[%and3A_211] : memref<50048xi32, #tpu.memory_space<vmem>>[vector<16xi32>], vector<16xi32>,
        %bitcast3A_269 = vector.bitcast %gather3A_268 : vector<16xi32> to vector<32xbf16>
        %bitcast3A_270 = vector.bitcast %get3A_174 : vector<16xi32> to vector<32xbf16>
        %mul3A_271 = arith.mulf %bitcast3A_269, %bitcast3A_270 : vector<32xbf16>
        %gather3A_272 = tpu.vector_load_idx %arg7[%and3A_214] : memref<50048xi32, #tpu.memory_space<vmem>>[vector<16xi32>], vector<16xi32>,
        %bitcast3A_273 = vector.bitcast %gather3A_272 : vector<16xi32> to vector<32xbf16>
        %bitcast3A_274 = vector.bitcast %get3A_178 : vector<16xi32> to vector<32xbf16>
        %mul3A_275 = arith.mulf %bitcast3A_273, %bitcast3A_274 : vector<32xbf16>
        %gather3A_276 = tpu.vector_load_idx %arg7[%and3A_217] : memref<50048xi32, #tpu.memory_space<vmem>>[vector<16xi32>], vector<16xi32>,
        %bitcast3A_277 = vector.bitcast %gather3A_276 : vector<16xi32> to vector<32xbf16>
        %bitcast3A_278 = vector.bitcast %get3A_182 : vector<16xi32> to vector<32xbf16>
        %mul3A_279 = arith.mulf %bitcast3A_277, %bitcast3A_278 : vector<32xbf16>
        %gather3A_280 = tpu.vector_load_idx %arg7[%and3A_220] : memref<50048xi32, #tpu.memory_space<vmem>>[vector<16xi32>], vector<16xi32>,
        %bitcast3A_281 = vector.bitcast %gather3A_280 : vector<16xi32> to vector<32xbf16>
        %bitcast3A_282 = vector.bitcast %get3A_186 : vector<16xi32> to vector<32xbf16>
        %mul3A_283 = arith.mulf %bitcast3A_281, %bitcast3A_282 : vector<32xbf16>
        %gather3A_284 = tpu.vector_load_idx %arg7[%and3A_223] : memref<50048xi32, #tpu.memory_space<vmem>>[vector<16xi32>], vector<16xi32>,
        %bitcast3A_285 = vector.bitcast %gather3A_284 : vector<16xi32> to vector<32xbf16>
        %bitcast3A_286 = vector.bitcast %get3A_190 : vector<16xi32> to vector<32xbf16>
        %mul3A_287 = arith.mulf %bitcast3A_285, %bitcast3A_286 : vector<32xbf16>
        %gather3A_288 = tpu.vector_load_idx %arg7[%and3A_226] : memref<50048xi32, #tpu.memory_space<vmem>>[vector<16xi32>], vector<16xi32>,
        %bitcast3A_289 = vector.bitcast %gather3A_288 : vector<16xi32> to vector<32xbf16>
        %bitcast3A_290 = vector.bitcast %get3A_194 : vector<16xi32> to vector<32xbf16>
        %mul3A_291 = arith.mulf %bitcast3A_289, %bitcast3A_290 : vector<32xbf16>
        %gather3A_292 = tpu.vector_load_idx %arg7[%and3A_229] : memref<50048xi32, #tpu.memory_space<vmem>>[vector<16xi32>], vector<16xi32>,
        %bitcast3A_293 = vector.bitcast %gather3A_292 : vector<16xi32> to vector<32xbf16>
        %bitcast3A_294 = vector.bitcast %get3A_198 : vector<16xi32> to vector<32xbf16>
        %mul3A_295 = arith.mulf %bitcast3A_293, %bitcast3A_294 : vector<32xbf16>
        %gather3A_296 = tpu.vector_load_idx %arg7[%and3A_232] : memref<50048xi32, #tpu.memory_space<vmem>>[vector<16xi32>], vector<16xi32>,
        %bitcast3A_297 = vector.bitcast %gather3A_296 : vector<16xi32> to vector<32xbf16>
        %bitcast3A_298 = vector.bitcast %get3A_202 : vector<16xi32> to vector<32xbf16>
        %mul3A_299 = arith.mulf %bitcast3A_297, %bitcast3A_298 : vector<32xbf16>
        %gather3A_300 = tpu.vector_load_idx %arg8[%shift_right_logical3A_234] : memref<50048xi32, #tpu.memory_space<vmem>>[vector<16xi32>], vector<16xi32>,
        %gather3A_301 = tpu.vector_load_idx %arg8[%shift_right_logical3A_237] : memref<50048xi32, #tpu.memory_space<vmem>>[vector<16xi32>], vector<16xi32>,
        %gather3A_302 = tpu.vector_load_idx %arg8[%shift_right_logical3A_240] : memref<50048xi32, #tpu.memory_space<vmem>>[vector<16xi32>], vector<16xi32>,
        %gather3A_303 = tpu.vector_load_idx %arg8[%shift_right_logical3A_243] : memref<50048xi32, #tpu.memory_space<vmem>>[vector<16xi32>], vector<16xi32>,
        %gather3A_304 = tpu.vector_load_idx %arg8[%shift_right_logical3A_246] : memref<50048xi32, #tpu.memory_space<vmem>>[vector<16xi32>], vector<16xi32>,
        %bitcast3A_305 = vector.bitcast %gather3A_300 : vector<16xi32> to vector<32xbf16>
        %max3A = arith.maximumf %bitcast3A_305, %mul3A_263 : vector<32xbf16>
        %bitcast3A_306 = vector.bitcast %max3A : vector<32xbf16> to vector<16xi32>
        tpu.vector_store_idx %arg8[%shift_right_logical3A_234], %bitcast3A_306 : memref<50048xi32, #tpu.memory_space<vmem>>[vector<16xi32>], vector<16xi32>,
        %bitcast3A_307 = vector.bitcast %gather3A_301 : vector<16xi32> to vector<32xbf16>
        %max3A_308 = arith.maximumf %bitcast3A_307, %mul3A_267 : vector<32xbf16>
        %bitcast3A_309 = vector.bitcast %max3A_308 : vector<32xbf16> to vector<16xi32>
        tpu.vector_store_idx %arg8[%shift_right_logical3A_237], %bitcast3A_309 : memref<50048xi32, #tpu.memory_space<vmem>>[vector<16xi32>], vector<16xi32>,
        %bitcast3A_310 = vector.bitcast %gather3A_302 : vector<16xi32> to vector<32xbf16>
        %max3A_311 = arith.maximumf %bitcast3A_310, %mul3A_271 : vector<32xbf16>
        %bitcast3A_312 = vector.bitcast %max3A_311 : vector<32xbf16> to vector<16xi32>
        tpu.vector_store_idx %arg8[%shift_right_logical3A_240], %bitcast3A_312 : memref<50048xi32, #tpu.memory_space<vmem>>[vector<16xi32>], vector<16xi32>,
        %bitcast3A_313 = vector.bitcast %gather3A_303 : vector<16xi32> to vector<32xbf16>
        %max3A_314 = arith.maximumf %bitcast3A_313, %mul3A_275 : vector<32xbf16>
        %bitcast3A_315 = vector.bitcast %max3A_314 : vector<32xbf16> to vector<16xi32>
        tpu.vector_store_idx %arg8[%shift_right_logical3A_243], %bitcast3A_315 : memref<50048xi32, #tpu.memory_space<vmem>>[vector<16xi32>], vector<16xi32>,
        %bitcast3A_316 = vector.bitcast %gather3A_304 : vector<16xi32> to vector<32xbf16>
        %max3A_317 = arith.maximumf %bitcast3A_316, %mul3A_279 : vector<32xbf16>
        %bitcast3A_318 = vector.bitcast %max3A_317 : vector<32xbf16> to vector<16xi32>
        tpu.vector_store_idx %arg8[%shift_right_logical3A_246], %bitcast3A_318 : memref<50048xi32, #tpu.memory_space<vmem>>[vector<16xi32>], vector<16xi32>,
        %gather3A_319 = tpu.vector_load_idx %arg8[%shift_right_logical3A_249] : memref<50048xi32, #tpu.memory_space<vmem>>[vector<16xi32>], vector<16xi32>,
        %gather3A_320 = tpu.vector_load_idx %arg8[%shift_right_logical3A_252] : memref<50048xi32, #tpu.memory_space<vmem>>[vector<16xi32>], vector<16xi32>,
        %gather3A_321 = tpu.vector_load_idx %arg8[%shift_right_logical3A_255] : memref<50048xi32, #tpu.memory_space<vmem>>[vector<16xi32>], vector<16xi32>,
        %gather3A_322 = tpu.vector_load_idx %arg8[%shift_right_logical3A_258] : memref<50048xi32, #tpu.memory_space<vmem>>[vector<16xi32>], vector<16xi32>,
        %gather3A_323 = tpu.vector_load_idx %arg8[%shift_right_logical3A_261] : memref<50048xi32, #tpu.memory_space<vmem>>[vector<16xi32>], vector<16xi32>,
        %bitcast3A_324 = vector.bitcast %gather3A_319 : vector<16xi32> to vector<32xbf16>
        %max3A_325 = arith.maximumf %bitcast3A_324, %mul3A_283 : vector<32xbf16>
        %bitcast3A_326 = vector.bitcast %max3A_325 : vector<32xbf16> to vector<16xi32>
        tpu.vector_store_idx %arg8[%shift_right_logical3A_249], %bitcast3A_326 : memref<50048xi32, #tpu.memory_space<vmem>>[vector<16xi32>], vector<16xi32>,
        %bitcast3A_327 = vector.bitcast %gather3A_320 : vector<16xi32> to vector<32xbf16>
        %max3A_328 = arith.maximumf %bitcast3A_327, %mul3A_287 : vector<32xbf16>
        %bitcast3A_329 = vector.bitcast %max3A_328 : vector<32xbf16> to vector<16xi32>
        tpu.vector_store_idx %arg8[%shift_right_logical3A_252], %bitcast3A_329 : memref<50048xi32, #tpu.memory_space<vmem>>[vector<16xi32>], vector<16xi32>,
        %bitcast3A_330 = vector.bitcast %gather3A_321 : vector<16xi32> to vector<32xbf16>
        %max3A_331 = arith.maximumf %bitcast3A_330, %mul3A_291 : vector<32xbf16>
        %bitcast3A_332 = vector.bitcast %max3A_331 : vector<32xbf16> to vector<16xi32>
        tpu.vector_store_idx %arg8[%shift_right_logical3A_255], %bitcast3A_332 : memref<50048xi32, #tpu.memory_space<vmem>>[vector<16xi32>], vector<16xi32>,
        %bitcast3A_333 = vector.bitcast %gather3A_322 : vector<16xi32> to vector<32xbf16>
        %max3A_334 = arith.maximumf %bitcast3A_333, %mul3A_295 : vector<32xbf16>
        %bitcast3A_335 = vector.bitcast %max3A_334 : vector<32xbf16> to vector<16xi32>
        tpu.vector_store_idx %arg8[%shift_right_logical3A_258], %bitcast3A_335 : memref<50048xi32, #tpu.memory_space<vmem>>[vector<16xi32>], vector<16xi32>,
        %bitcast3A_336 = vector.bitcast %gather3A_323 : vector<16xi32> to vector<32xbf16>
        %max3A_337 = arith.maximumf %bitcast3A_336, %mul3A_299 : vector<32xbf16>
        %bitcast3A_338 = vector.bitcast %max3A_337 : vector<32xbf16> to vector<16xi32>
        tpu.vector_store_idx %arg8[%shift_right_logical3A_261], %bitcast3A_338 : memref<50048xi32, #tpu.memory_space<vmem>>[vector<16xi32>], vector<16xi32>,
        %gather3A_339 = tpu.vector_load_idx %arg8[%shift_right_logical3A_234] : memref<50048xi32, #tpu.memory_space<vmem>>[vector<16xi32>], vector<16xi32>,
        %bitcast3A_340 = vector.bitcast %gather3A_339 : vector<16xi32> to vector<32xbf16>
        %max3A_341 = arith.maximumf %bitcast3A_340, %mul3A_263 : vector<32xbf16>
        %bitcast3A_342 = vector.bitcast %max3A_341 : vector<32xbf16> to vector<16xi32>
        %ne3A_343 = arith.cmpi ne, %bitcast3A_342, %gather3A_339 : vector<16xi32>
        %gather3A_344 = tpu.vector_load_idx %arg8[%shift_right_logical3A_237] : memref<50048xi32, #tpu.memory_space<vmem>>[vector<16xi32>], vector<16xi32>,
        %bitcast3A_345 = vector.bitcast %gather3A_344 : vector<16xi32> to vector<32xbf16>
        %max3A_346 = arith.maximumf %bitcast3A_345, %mul3A_267 : vector<32xbf16>
        %bitcast3A_347 = vector.bitcast %max3A_346 : vector<32xbf16> to vector<16xi32>
        %ne3A_348 = arith.cmpi ne, %bitcast3A_347, %gather3A_344 : vector<16xi32>
        %or3A = arith.ori %ne3A_343, %ne3A_348 : vector<16xi1>
        %gather3A_349 = tpu.vector_load_idx %arg8[%shift_right_logical3A_240] : memref<50048xi32, #tpu.memory_space<vmem>>[vector<16xi32>], vector<16xi32>,
        %bitcast3A_350 = vector.bitcast %gather3A_349 : vector<16xi32> to vector<32xbf16>
        %max3A_351 = arith.maximumf %bitcast3A_350, %mul3A_271 : vector<32xbf16>
        %bitcast3A_352 = vector.bitcast %max3A_351 : vector<32xbf16> to vector<16xi32>
        %ne3A_353 = arith.cmpi ne, %bitcast3A_352, %gather3A_349 : vector<16xi32>
        %or3A_354 = arith.ori %or3A, %ne3A_353 : vector<16xi1>
        %gather3A_355 = tpu.vector_load_idx %arg8[%shift_right_logical3A_243] : memref<50048xi32, #tpu.memory_space<vmem>>[vector<16xi32>], vector<16xi32>,
        %bitcast3A_356 = vector.bitcast %gather3A_355 : vector<16xi32> to vector<32xbf16>
        %max3A_357 = arith.maximumf %bitcast3A_356, %mul3A_275 : vector<32xbf16>
        %bitcast3A_358 = vector.bitcast %max3A_357 : vector<32xbf16> to vector<16xi32>
        %ne3A_359 = arith.cmpi ne, %bitcast3A_358, %gather3A_355 : vector<16xi32>
        %or3A_360 = arith.ori %or3A_354, %ne3A_359 : vector<16xi1>
        %gather3A_361 = tpu.vector_load_idx %arg8[%shift_right_logical3A_246] : memref<50048xi32, #tpu.memory_space<vmem>>[vector<16xi32>], vector<16xi32>,
        %bitcast3A_362 = vector.bitcast %gather3A_361 : vector<16xi32> to vector<32xbf16>
        %max3A_363 = arith.maximumf %bitcast3A_362, %mul3A_279 : vector<32xbf16>
        %bitcast3A_364 = vector.bitcast %max3A_363 : vector<32xbf16> to vector<16xi32>
        %ne3A_365 = arith.cmpi ne, %bitcast3A_364, %gather3A_361 : vector<16xi32>
        %or3A_366 = arith.ori %or3A_360, %ne3A_365 : vector<16xi1>
        %gather3A_367 = tpu.vector_load_idx %arg8[%shift_right_logical3A_249] : memref<50048xi32, #tpu.memory_space<vmem>>[vector<16xi32>], vector<16xi32>,
        %bitcast3A_368 = vector.bitcast %gather3A_367 : vector<16xi32> to vector<32xbf16>
        %max3A_369 = arith.maximumf %bitcast3A_368, %mul3A_283 : vector<32xbf16>
        %bitcast3A_370 = vector.bitcast %max3A_369 : vector<32xbf16> to vector<16xi32>
        %ne3A_371 = arith.cmpi ne, %bitcast3A_370, %gather3A_367 : vector<16xi32>
        %or3A_372 = arith.ori %or3A_366, %ne3A_371 : vector<16xi1>
        %gather3A_373 = tpu.vector_load_idx %arg8[%shift_right_logical3A_252] : memref<50048xi32, #tpu.memory_space<vmem>>[vector<16xi32>], vector<16xi32>,
        %bitcast3A_374 = vector.bitcast %gather3A_373 : vector<16xi32> to vector<32xbf16>
        %max3A_375 = arith.maximumf %bitcast3A_374, %mul3A_287 : vector<32xbf16>
        %bitcast3A_376 = vector.bitcast %max3A_375 : vector<32xbf16> to vector<16xi32>
        %ne3A_377 = arith.cmpi ne, %bitcast3A_376, %gather3A_373 : vector<16xi32>
        %or3A_378 = arith.ori %or3A_372, %ne3A_377 : vector<16xi1>
        %gather3A_379 = tpu.vector_load_idx %arg8[%shift_right_logical3A_255] : memref<50048xi32, #tpu.memory_space<vmem>>[vector<16xi32>], vector<16xi32>,
        %bitcast3A_380 = vector.bitcast %gather3A_379 : vector<16xi32> to vector<32xbf16>
        %max3A_381 = arith.maximumf %bitcast3A_380, %mul3A_291 : vector<32xbf16>
        %bitcast3A_382 = vector.bitcast %max3A_381 : vector<32xbf16> to vector<16xi32>
        %ne3A_383 = arith.cmpi ne, %bitcast3A_382, %gather3A_379 : vector<16xi32>
        %or3A_384 = arith.ori %or3A_378, %ne3A_383 : vector<16xi1>
        %gather3A_385 = tpu.vector_load_idx %arg8[%shift_right_logical3A_258] : memref<50048xi32, #tpu.memory_space<vmem>>[vector<16xi32>], vector<16xi32>,
        %bitcast3A_386 = vector.bitcast %gather3A_385 : vector<16xi32> to vector<32xbf16>
        %max3A_387 = arith.maximumf %bitcast3A_386, %mul3A_295 : vector<32xbf16>
        %bitcast3A_388 = vector.bitcast %max3A_387 : vector<32xbf16> to vector<16xi32>
        %ne3A_389 = arith.cmpi ne, %bitcast3A_388, %gather3A_385 : vector<16xi32>
        %or3A_390 = arith.ori %or3A_384, %ne3A_389 : vector<16xi1>
        %gather3A_391 = tpu.vector_load_idx %arg8[%shift_right_logical3A_261] : memref<50048xi32, #tpu.memory_space<vmem>>[vector<16xi32>], vector<16xi32>,
        %bitcast3A_392 = vector.bitcast %gather3A_391 : vector<16xi32> to vector<32xbf16>
        %max3A_393 = arith.maximumf %bitcast3A_392, %mul3A_299 : vector<32xbf16>
        %bitcast3A_394 = vector.bitcast %max3A_393 : vector<32xbf16> to vector<16xi32>
        %ne3A_395 = arith.cmpi ne, %bitcast3A_394, %gather3A_391 : vector<16xi32>
        %or3A_396 = arith.ori %or3A_390, %ne3A_395 : vector<16xi1>
        %jit3A_397 = arith.constant 1 : i32
        %jit3A_398 = arith.constant 0 : i32
        %broadcast_in_dim3A = vector.broadcast %jit3A_397 : i32 to vector<16xi32>
        %broadcast_in_dim3A_399 = vector.broadcast %jit3A_398 : i32 to vector<16xi32>
        %select_n3A_400 = arith.select %or3A_396, %broadcast_in_dim3A, %broadcast_in_dim3A_399 : vector<16xi1>, vector<16xi32>
        %reduce_max3A = arith.constant true
        %reduce_max3A_401 = vector.broadcast %reduce_max3A : i1 to vector<16xi1>
        %reduce_max3A_402 = arith.constant -2147483648 : i32
        %reduce_max3A_403 = vector.broadcast %reduce_max3A_402 : i32 to vector<16xi32>
        %reduce_max3A_404 = arith.xori %select_n3A_400, %reduce_max3A_403 : vector<16xi32>
        %reduce_max3A_405 = tpu.scan <max>, %reduce_max3A_404 masked %reduce_max3A_401 : vector<16xi32>, vector<16xi1> -> vector<16xi32>
        %reduce_max3A_406 = arith.xori %reduce_max3A_405, %reduce_max3A_403 : vector<16xi32>
        %reduce_max3A_407 = vector.extract %reduce_max3A_406[15] : i32 from vector<16xi32>
        %while3A = scf.while (%while3A_408 = %reduce_max3A_407) : (i32) -> i32 {
          %gt3A = arith.constant 0 : i32
          %gt3A_409 = arith.cmpi sgt, %while3A_408, %gt3A : i32
          scf.condition(%gt3A_409) %while3A_408 : i32
        } do {
        ^bb0(%while3A_408: i32):
          %gather3A_409 = tpu.vector_load_idx %arg8[%shift_right_logical3A_234] : memref<50048xi32, #tpu.memory_space<vmem>>[vector<16xi32>], vector<16xi32>,
          %bitcast3A_410 = vector.bitcast %gather3A_409 : vector<16xi32> to vector<32xbf16>
          %max3A_411 = arith.maximumf %bitcast3A_410, %mul3A_263 : vector<32xbf16>
          %bitcast3A_412 = vector.bitcast %max3A_411 : vector<32xbf16> to vector<16xi32>
          %ne3A_413 = arith.cmpi ne, %bitcast3A_412, %gather3A_409 : vector<16xi32>
          tpu.vector_store_idx %arg8[%shift_right_logical3A_234], %bitcast3A_412 masked %ne3A_413 : memref<50048xi32, #tpu.memory_space<vmem>>[vector<16xi32>], vector<16xi32>, vector<16xi1>
          %gather3A_414 = tpu.vector_load_idx %arg8[%shift_right_logical3A_237] : memref<50048xi32, #tpu.memory_space<vmem>>[vector<16xi32>], vector<16xi32>,
          %bitcast3A_415 = vector.bitcast %gather3A_414 : vector<16xi32> to vector<32xbf16>
          %max3A_416 = arith.maximumf %bitcast3A_415, %mul3A_267 : vector<32xbf16>
          %bitcast3A_417 = vector.bitcast %max3A_416 : vector<32xbf16> to vector<16xi32>
          %ne3A_418 = arith.cmpi ne, %bitcast3A_417, %gather3A_414 : vector<16xi32>
          tpu.vector_store_idx %arg8[%shift_right_logical3A_237], %bitcast3A_417 masked %ne3A_418 : memref<50048xi32, #tpu.memory_space<vmem>>[vector<16xi32>], vector<16xi32>, vector<16xi1>
          %gather3A_419 = tpu.vector_load_idx %arg8[%shift_right_logical3A_240] : memref<50048xi32, #tpu.memory_space<vmem>>[vector<16xi32>], vector<16xi32>,
          %bitcast3A_420 = vector.bitcast %gather3A_419 : vector<16xi32> to vector<32xbf16>
          %max3A_421 = arith.maximumf %bitcast3A_420, %mul3A_271 : vector<32xbf16>
          %bitcast3A_422 = vector.bitcast %max3A_421 : vector<32xbf16> to vector<16xi32>
          %ne3A_423 = arith.cmpi ne, %bitcast3A_422, %gather3A_419 : vector<16xi32>
          tpu.vector_store_idx %arg8[%shift_right_logical3A_240], %bitcast3A_422 masked %ne3A_423 : memref<50048xi32, #tpu.memory_space<vmem>>[vector<16xi32>], vector<16xi32>, vector<16xi1>
          %gather3A_424 = tpu.vector_load_idx %arg8[%shift_right_logical3A_243] : memref<50048xi32, #tpu.memory_space<vmem>>[vector<16xi32>], vector<16xi32>,
          %bitcast3A_425 = vector.bitcast %gather3A_424 : vector<16xi32> to vector<32xbf16>
          %max3A_426 = arith.maximumf %bitcast3A_425, %mul3A_275 : vector<32xbf16>
          %bitcast3A_427 = vector.bitcast %max3A_426 : vector<32xbf16> to vector<16xi32>
          %ne3A_428 = arith.cmpi ne, %bitcast3A_427, %gather3A_424 : vector<16xi32>
          tpu.vector_store_idx %arg8[%shift_right_logical3A_243], %bitcast3A_427 masked %ne3A_428 : memref<50048xi32, #tpu.memory_space<vmem>>[vector<16xi32>], vector<16xi32>, vector<16xi1>
          %gather3A_429 = tpu.vector_load_idx %arg8[%shift_right_logical3A_246] : memref<50048xi32, #tpu.memory_space<vmem>>[vector<16xi32>], vector<16xi32>,
          %bitcast3A_430 = vector.bitcast %gather3A_429 : vector<16xi32> to vector<32xbf16>
          %max3A_431 = arith.maximumf %bitcast3A_430, %mul3A_279 : vector<32xbf16>
          %bitcast3A_432 = vector.bitcast %max3A_431 : vector<32xbf16> to vector<16xi32>
          %ne3A_433 = arith.cmpi ne, %bitcast3A_432, %gather3A_429 : vector<16xi32>
          tpu.vector_store_idx %arg8[%shift_right_logical3A_246], %bitcast3A_432 masked %ne3A_433 : memref<50048xi32, #tpu.memory_space<vmem>>[vector<16xi32>], vector<16xi32>, vector<16xi1>
          %gather3A_434 = tpu.vector_load_idx %arg8[%shift_right_logical3A_249] : memref<50048xi32, #tpu.memory_space<vmem>>[vector<16xi32>], vector<16xi32>,
          %bitcast3A_435 = vector.bitcast %gather3A_434 : vector<16xi32> to vector<32xbf16>
          %max3A_436 = arith.maximumf %bitcast3A_435, %mul3A_283 : vector<32xbf16>
          %bitcast3A_437 = vector.bitcast %max3A_436 : vector<32xbf16> to vector<16xi32>
          %ne3A_438 = arith.cmpi ne, %bitcast3A_437, %gather3A_434 : vector<16xi32>
          tpu.vector_store_idx %arg8[%shift_right_logical3A_249], %bitcast3A_437 masked %ne3A_438 : memref<50048xi32, #tpu.memory_space<vmem>>[vector<16xi32>], vector<16xi32>, vector<16xi1>
          %gather3A_439 = tpu.vector_load_idx %arg8[%shift_right_logical3A_252] : memref<50048xi32, #tpu.memory_space<vmem>>[vector<16xi32>], vector<16xi32>,
          %bitcast3A_440 = vector.bitcast %gather3A_439 : vector<16xi32> to vector<32xbf16>
          %max3A_441 = arith.maximumf %bitcast3A_440, %mul3A_287 : vector<32xbf16>
          %bitcast3A_442 = vector.bitcast %max3A_441 : vector<32xbf16> to vector<16xi32>
          %ne3A_443 = arith.cmpi ne, %bitcast3A_442, %gather3A_439 : vector<16xi32>
          tpu.vector_store_idx %arg8[%shift_right_logical3A_252], %bitcast3A_442 masked %ne3A_443 : memref<50048xi32, #tpu.memory_space<vmem>>[vector<16xi32>], vector<16xi32>, vector<16xi1>
          %gather3A_444 = tpu.vector_load_idx %arg8[%shift_right_logical3A_255] : memref<50048xi32, #tpu.memory_space<vmem>>[vector<16xi32>], vector<16xi32>,
          %bitcast3A_445 = vector.bitcast %gather3A_444 : vector<16xi32> to vector<32xbf16>
          %max3A_446 = arith.maximumf %bitcast3A_445, %mul3A_291 : vector<32xbf16>
          %bitcast3A_447 = vector.bitcast %max3A_446 : vector<32xbf16> to vector<16xi32>
          %ne3A_448 = arith.cmpi ne, %bitcast3A_447, %gather3A_444 : vector<16xi32>
          tpu.vector_store_idx %arg8[%shift_right_logical3A_255], %bitcast3A_447 masked %ne3A_448 : memref<50048xi32, #tpu.memory_space<vmem>>[vector<16xi32>], vector<16xi32>, vector<16xi1>
          %gather3A_449 = tpu.vector_load_idx %arg8[%shift_right_logical3A_258] : memref<50048xi32, #tpu.memory_space<vmem>>[vector<16xi32>], vector<16xi32>,
          %bitcast3A_450 = vector.bitcast %gather3A_449 : vector<16xi32> to vector<32xbf16>
          %max3A_451 = arith.maximumf %bitcast3A_450, %mul3A_295 : vector<32xbf16>
          %bitcast3A_452 = vector.bitcast %max3A_451 : vector<32xbf16> to vector<16xi32>
          %ne3A_453 = arith.cmpi ne, %bitcast3A_452, %gather3A_449 : vector<16xi32>
          tpu.vector_store_idx %arg8[%shift_right_logical3A_258], %bitcast3A_452 masked %ne3A_453 : memref<50048xi32, #tpu.memory_space<vmem>>[vector<16xi32>], vector<16xi32>, vector<16xi1>
          %gather3A_454 = tpu.vector_load_idx %arg8[%shift_right_logical3A_261] : memref<50048xi32, #tpu.memory_space<vmem>>[vector<16xi32>], vector<16xi32>,
          %bitcast3A_455 = vector.bitcast %gather3A_454 : vector<16xi32> to vector<32xbf16>
          %max3A_456 = arith.maximumf %bitcast3A_455, %mul3A_299 : vector<32xbf16>
          %bitcast3A_457 = vector.bitcast %max3A_456 : vector<32xbf16> to vector<16xi32>
          %ne3A_458 = arith.cmpi ne, %bitcast3A_457, %gather3A_454 : vector<16xi32>
          tpu.vector_store_idx %arg8[%shift_right_logical3A_261], %bitcast3A_457 masked %ne3A_458 : memref<50048xi32, #tpu.memory_space<vmem>>[vector<16xi32>], vector<16xi32>, vector<16xi1>
          %gather3A_459 = tpu.vector_load_idx %arg8[%shift_right_logical3A_234] : memref<50048xi32, #tpu.memory_space<vmem>>[vector<16xi32>], vector<16xi32>,
          %bitcast3A_460 = vector.bitcast %gather3A_459 : vector<16xi32> to vector<32xbf16>
          %max3A_461 = arith.maximumf %bitcast3A_460, %mul3A_263 : vector<32xbf16>
          %bitcast3A_462 = vector.bitcast %max3A_461 : vector<32xbf16> to vector<16xi32>
          %ne3A_463 = arith.cmpi ne, %bitcast3A_462, %gather3A_459 : vector<16xi32>
          %gather3A_464 = tpu.vector_load_idx %arg8[%shift_right_logical3A_237] : memref<50048xi32, #tpu.memory_space<vmem>>[vector<16xi32>], vector<16xi32>,
          %bitcast3A_465 = vector.bitcast %gather3A_464 : vector<16xi32> to vector<32xbf16>
          %max3A_466 = arith.maximumf %bitcast3A_465, %mul3A_267 : vector<32xbf16>
          %bitcast3A_467 = vector.bitcast %max3A_466 : vector<32xbf16> to vector<16xi32>
          %ne3A_468 = arith.cmpi ne, %bitcast3A_467, %gather3A_464 : vector<16xi32>
          %or3A_469 = arith.ori %ne3A_463, %ne3A_468 : vector<16xi1>
          %gather3A_470 = tpu.vector_load_idx %arg8[%shift_right_logical3A_240] : memref<50048xi32, #tpu.memory_space<vmem>>[vector<16xi32>], vector<16xi32>,
          %bitcast3A_471 = vector.bitcast %gather3A_470 : vector<16xi32> to vector<32xbf16>
          %max3A_472 = arith.maximumf %bitcast3A_471, %mul3A_271 : vector<32xbf16>
          %bitcast3A_473 = vector.bitcast %max3A_472 : vector<32xbf16> to vector<16xi32>
          %ne3A_474 = arith.cmpi ne, %bitcast3A_473, %gather3A_470 : vector<16xi32>
          %or3A_475 = arith.ori %or3A_469, %ne3A_474 : vector<16xi1>
          %gather3A_476 = tpu.vector_load_idx %arg8[%shift_right_logical3A_243] : memref<50048xi32, #tpu.memory_space<vmem>>[vector<16xi32>], vector<16xi32>,
          %bitcast3A_477 = vector.bitcast %gather3A_476 : vector<16xi32> to vector<32xbf16>
          %max3A_478 = arith.maximumf %bitcast3A_477, %mul3A_275 : vector<32xbf16>
          %bitcast3A_479 = vector.bitcast %max3A_478 : vector<32xbf16> to vector<16xi32>
          %ne3A_480 = arith.cmpi ne, %bitcast3A_479, %gather3A_476 : vector<16xi32>
          %or3A_481 = arith.ori %or3A_475, %ne3A_480 : vector<16xi1>
          %gather3A_482 = tpu.vector_load_idx %arg8[%shift_right_logical3A_246] : memref<50048xi32, #tpu.memory_space<vmem>>[vector<16xi32>], vector<16xi32>,
          %bitcast3A_483 = vector.bitcast %gather3A_482 : vector<16xi32> to vector<32xbf16>
          %max3A_484 = arith.maximumf %bitcast3A_483, %mul3A_279 : vector<32xbf16>
          %bitcast3A_485 = vector.bitcast %max3A_484 : vector<32xbf16> to vector<16xi32>
          %ne3A_486 = arith.cmpi ne, %bitcast3A_485, %gather3A_482 : vector<16xi32>
          %or3A_487 = arith.ori %or3A_481, %ne3A_486 : vector<16xi1>
          %gather3A_488 = tpu.vector_load_idx %arg8[%shift_right_logical3A_249] : memref<50048xi32, #tpu.memory_space<vmem>>[vector<16xi32>], vector<16xi32>,
          %bitcast3A_489 = vector.bitcast %gather3A_488 : vector<16xi32> to vector<32xbf16>
          %max3A_490 = arith.maximumf %bitcast3A_489, %mul3A_283 : vector<32xbf16>
          %bitcast3A_491 = vector.bitcast %max3A_490 : vector<32xbf16> to vector<16xi32>
          %ne3A_492 = arith.cmpi ne, %bitcast3A_491, %gather3A_488 : vector<16xi32>
          %or3A_493 = arith.ori %or3A_487, %ne3A_492 : vector<16xi1>
          %gather3A_494 = tpu.vector_load_idx %arg8[%shift_right_logical3A_252] : memref<50048xi32, #tpu.memory_space<vmem>>[vector<16xi32>], vector<16xi32>,
          %bitcast3A_495 = vector.bitcast %gather3A_494 : vector<16xi32> to vector<32xbf16>
          %max3A_496 = arith.maximumf %bitcast3A_495, %mul3A_287 : vector<32xbf16>
          %bitcast3A_497 = vector.bitcast %max3A_496 : vector<32xbf16> to vector<16xi32>
          %ne3A_498 = arith.cmpi ne, %bitcast3A_497, %gather3A_494 : vector<16xi32>
          %or3A_499 = arith.ori %or3A_493, %ne3A_498 : vector<16xi1>
          %gather3A_500 = tpu.vector_load_idx %arg8[%shift_right_logical3A_255] : memref<50048xi32, #tpu.memory_space<vmem>>[vector<16xi32>], vector<16xi32>,
          %bitcast3A_501 = vector.bitcast %gather3A_500 : vector<16xi32> to vector<32xbf16>
          %max3A_502 = arith.maximumf %bitcast3A_501, %mul3A_291 : vector<32xbf16>
          %bitcast3A_503 = vector.bitcast %max3A_502 : vector<32xbf16> to vector<16xi32>
          %ne3A_504 = arith.cmpi ne, %bitcast3A_503, %gather3A_500 : vector<16xi32>
          %or3A_505 = arith.ori %or3A_499, %ne3A_504 : vector<16xi1>
          %gather3A_506 = tpu.vector_load_idx %arg8[%shift_right_logical3A_258] : memref<50048xi32, #tpu.memory_space<vmem>>[vector<16xi32>], vector<16xi32>,
          %bitcast3A_507 = vector.bitcast %gather3A_506 : vector<16xi32> to vector<32xbf16>
          %max3A_508 = arith.maximumf %bitcast3A_507, %mul3A_295 : vector<32xbf16>
          %bitcast3A_509 = vector.bitcast %max3A_508 : vector<32xbf16> to vector<16xi32>
          %ne3A_510 = arith.cmpi ne, %bitcast3A_509, %gather3A_506 : vector<16xi32>
          %or3A_511 = arith.ori %or3A_505, %ne3A_510 : vector<16xi1>
          %gather3A_512 = tpu.vector_load_idx %arg8[%shift_right_logical3A_261] : memref<50048xi32, #tpu.memory_space<vmem>>[vector<16xi32>], vector<16xi32>,
          %bitcast3A_513 = vector.bitcast %gather3A_512 : vector<16xi32> to vector<32xbf16>
          %max3A_514 = arith.maximumf %bitcast3A_513, %mul3A_299 : vector<32xbf16>
          %bitcast3A_515 = vector.bitcast %max3A_514 : vector<32xbf16> to vector<16xi32>
          %ne3A_516 = arith.cmpi ne, %bitcast3A_515, %gather3A_512 : vector<16xi32>
          %or3A_517 = arith.ori %or3A_511, %ne3A_516 : vector<16xi1>
          %jit3A_518 = arith.constant 1 : i32
          %jit3A_519 = arith.constant 0 : i32
          %broadcast_in_dim3A_520 = vector.broadcast %jit3A_518 : i32 to vector<16xi32>
          %broadcast_in_dim3A_521 = vector.broadcast %jit3A_519 : i32 to vector<16xi32>
          %select_n3A_522 = arith.select %or3A_517, %broadcast_in_dim3A_520, %broadcast_in_dim3A_521 : vector<16xi1>, vector<16xi32>
          %reduce_max3A_523 = arith.constant true
          %reduce_max3A_524 = vector.broadcast %reduce_max3A_523 : i1 to vector<16xi1>
          %reduce_max3A_525 = arith.constant -2147483648 : i32
          %reduce_max3A_526 = vector.broadcast %reduce_max3A_525 : i32 to vector<16xi32>
          %reduce_max3A_527 = arith.xori %select_n3A_522, %reduce_max3A_526 : vector<16xi32>
          %reduce_max3A_528 = tpu.scan <max>, %reduce_max3A_527 masked %reduce_max3A_524 : vector<16xi32>, vector<16xi1> -> vector<16xi32>
          %reduce_max3A_529 = arith.xori %reduce_max3A_528, %reduce_max3A_526 : vector<16xi32>
          %reduce_max3A_530 = vector.extract %reduce_max3A_529[15] : i32 from vector<16xi32>
          scf.yield %reduce_max3A_530 : i32
        }
      }
      %scan3A_95 = arith.constant 20 : i32
      %mul3A_96 = arith.constant 2 : i32
      %mul3A_97 = arith.muli %mul3A_96, %scan3A_72 : i32
      %add3A_98 = arith.constant 1 : i32
      %add3A_99 = arith.addi %mul3A_97, %add3A_98 : i32
      %add3A_100 = arith.constant 1 : i32
      %add3A_101 = arith.addi %add3A_99, %add3A_100 : i32
      %lt3A_102 = arith.constant 250 : i32
      %lt3A_103 = arith.cmpi slt, %add3A_101, %lt3A_102 : i32
      %convert_element_type3A_104 = arith.extui %lt3A_103 : i1 to i32
      %cond3A_105 = arith.constant 0 : i32
      %cond3A_106 = arith.cmpi ne, %convert_element_type3A_104, %cond3A_105 : i32
      scf.if %cond3A_106 {
        %add3A_121 = arith.constant 1 : i32
        %add3A_122 = arith.addi %add3A_99, %add3A_121 : i32
        %mul3A_123 = arith.constant 3200 : i32
        %mul3A_124 = arith.muli %add3A_122, %mul3A_123 : i32
        %add3A_125 = arith.addi %mul3A_20, %mul3A_124 : i32
        %dma_start3A_126 = tpu.memref_slice %arg3[%add3A_125] : memref<1600000xi32, #tpu.memory_space<hbm>> -> memref<3200xi32, #tpu.memory_space<hbm>>
        %dma_start3A_127 = tpu.memref_slice %arg3[%add3A_125] : memref<1600000xi32, #tpu.memory_space<hbm>> -> memref<3200xi32, #tpu.memory_space<hbm>>
        tpu.enqueue_dma source(%dma_start3A_127 : memref<3200xi32, #tpu.memory_space<hbm>>) target(%arg9 : memref<3200xi32, #tpu.memory_space<vmem>>) target_semaphore(%arg13 : memref<!tpu.dma_semaphore, #tpu.memory_space<semaphore_mem>>)
        %dma_start3A_128 = tpu.memref_slice %arg4[%add3A_125] : memref<1600000xi32, #tpu.memory_space<hbm>> -> memref<3200xi32, #tpu.memory_space<hbm>>
        %dma_start3A_129 = tpu.memref_slice %arg4[%add3A_125] : memref<1600000xi32, #tpu.memory_space<hbm>> -> memref<3200xi32, #tpu.memory_space<hbm>>
        tpu.enqueue_dma source(%dma_start3A_129 : memref<3200xi32, #tpu.memory_space<hbm>>) target(%arg11 : memref<3200xi32, #tpu.memory_space<vmem>>) target_semaphore(%arg13 : memref<!tpu.dma_semaphore, #tpu.memory_space<semaphore_mem>>)
      } else {
      }
      %mul3A_107 = arith.constant 3200 : i32
      %mul3A_108 = arith.muli %add3A_99, %mul3A_107 : i32
      %add3A_109 = arith.addi %mul3A_20, %mul3A_108 : i32
      %dma_wait3A_110 = tpu.memref_slice %arg3[%add3A_109] : memref<1600000xi32, #tpu.memory_space<hbm>> -> memref<3200xi32, #tpu.memory_space<hbm>>
      %dma_wait3A_111 = tpu.memref_slice %arg3[%add3A_109] : memref<1600000xi32, #tpu.memory_space<hbm>> -> memref<3200xi32, #tpu.memory_space<hbm>>
      tpu.wait_dma2 semaphore(%arg14 : memref<!tpu.dma_semaphore, #tpu.memory_space<semaphore_mem>>) src(%dma_wait3A_111 : memref<3200xi32, #tpu.memory_space<hbm>>) dst(%arg10 : memref<3200xi32, #tpu.memory_space<vmem>>)
      %dma_wait3A_112 = tpu.memref_slice %arg4[%add3A_109] : memref<1600000xi32, #tpu.memory_space<hbm>> -> memref<3200xi32, #tpu.memory_space<hbm>>
      %dma_wait3A_113 = tpu.memref_slice %arg4[%add3A_109] : memref<1600000xi32, #tpu.memory_space<hbm>> -> memref<3200xi32, #tpu.memory_space<hbm>>
      tpu.wait_dma2 semaphore(%arg14 : memref<!tpu.dma_semaphore, #tpu.memory_space<semaphore_mem>>) src(%dma_wait3A_113 : memref<3200xi32, #tpu.memory_space<hbm>>) dst(%arg12 : memref<3200xi32, #tpu.memory_space<vmem>>)
      %scan3A_114 = arith.constant 0 : i32
      %scan3A_115 = arith.constant 0 : i32
      %scan3A_116 = arith.constant 20 : i32
      %scan3A_117 = arith.addi %scan3A_115, %scan3A_116 : i32
      %scan3A_118 = arith.constant 1 : i32
      scf.for %scan3A_121 = %scan3A_115 to %scan3A_117 step %scan3A_118  : i32 {
        %mul3A_122 = arith.constant 160 : i32
        %mul3A_123 = arith.muli %scan3A_121, %mul3A_122 : i32
        %add3A_124 = arith.constant 0 : i32
        %add3A_125 = arith.addi %mul3A_123, %add3A_124 : i32
        %get3A = arith.index_cast %add3A_125 : i32 to index
        %get3A_126 = tpu.vector_load %arg10[%get3A] {strides = array<i32>} : memref<3200xi32, #tpu.memory_space<vmem>>, vector<16xi32>,
        %add3A_127 = arith.constant 16 : i32
        %add3A_128 = arith.addi %mul3A_123, %add3A_127 : i32
        %get3A_129 = arith.index_cast %add3A_128 : i32 to index
        %get3A_130 = tpu.vector_load %arg10[%get3A_129] {strides = array<i32>} : memref<3200xi32, #tpu.memory_space<vmem>>, vector<16xi32>,
        %add3A_131 = arith.constant 32 : i32
        %add3A_132 = arith.addi %mul3A_123, %add3A_131 : i32
        %get3A_133 = arith.index_cast %add3A_132 : i32 to index
        %get3A_134 = tpu.vector_load %arg10[%get3A_133] {strides = array<i32>} : memref<3200xi32, #tpu.memory_space<vmem>>, vector<16xi32>,
        %add3A_135 = arith.constant 48 : i32
        %add3A_136 = arith.addi %mul3A_123, %add3A_135 : i32
        %get3A_137 = arith.index_cast %add3A_136 : i32 to index
        %get3A_138 = tpu.vector_load %arg10[%get3A_137] {strides = array<i32>} : memref<3200xi32, #tpu.memory_space<vmem>>, vector<16xi32>,
        %add3A_139 = arith.constant 64 : i32
        %add3A_140 = arith.addi %mul3A_123, %add3A_139 : i32
        %get3A_141 = arith.index_cast %add3A_140 : i32 to index
        %get3A_142 = tpu.vector_load %arg10[%get3A_141] {strides = array<i32>} : memref<3200xi32, #tpu.memory_space<vmem>>, vector<16xi32>,
        %add3A_143 = arith.constant 80 : i32
        %add3A_144 = arith.addi %mul3A_123, %add3A_143 : i32
        %get3A_145 = arith.index_cast %add3A_144 : i32 to index
        %get3A_146 = tpu.vector_load %arg10[%get3A_145] {strides = array<i32>} : memref<3200xi32, #tpu.memory_space<vmem>>, vector<16xi32>,
        %add3A_147 = arith.constant 96 : i32
        %add3A_148 = arith.addi %mul3A_123, %add3A_147 : i32
        %get3A_149 = arith.index_cast %add3A_148 : i32 to index
        %get3A_150 = tpu.vector_load %arg10[%get3A_149] {strides = array<i32>} : memref<3200xi32, #tpu.memory_space<vmem>>, vector<16xi32>,
        %add3A_151 = arith.constant 112 : i32
        %add3A_152 = arith.addi %mul3A_123, %add3A_151 : i32
        %get3A_153 = arith.index_cast %add3A_152 : i32 to index
        %get3A_154 = tpu.vector_load %arg10[%get3A_153] {strides = array<i32>} : memref<3200xi32, #tpu.memory_space<vmem>>, vector<16xi32>,
        %add3A_155 = arith.constant 128 : i32
        %add3A_156 = arith.addi %mul3A_123, %add3A_155 : i32
        %get3A_157 = arith.index_cast %add3A_156 : i32 to index
        %get3A_158 = tpu.vector_load %arg10[%get3A_157] {strides = array<i32>} : memref<3200xi32, #tpu.memory_space<vmem>>, vector<16xi32>,
        %add3A_159 = arith.constant 144 : i32
        %add3A_160 = arith.addi %mul3A_123, %add3A_159 : i32
        %get3A_161 = arith.index_cast %add3A_160 : i32 to index
        %get3A_162 = tpu.vector_load %arg10[%get3A_161] {strides = array<i32>} : memref<3200xi32, #tpu.memory_space<vmem>>, vector<16xi32>,
        %add3A_163 = arith.constant 0 : i32
        %add3A_164 = arith.addi %mul3A_123, %add3A_163 : i32
        %get3A_165 = arith.index_cast %add3A_164 : i32 to index
        %get3A_166 = tpu.vector_load %arg12[%get3A_165] {strides = array<i32>} : memref<3200xi32, #tpu.memory_space<vmem>>, vector<16xi32>,
        %add3A_167 = arith.constant 16 : i32
        %add3A_168 = arith.addi %mul3A_123, %add3A_167 : i32
        %get3A_169 = arith.index_cast %add3A_168 : i32 to index
        %get3A_170 = tpu.vector_load %arg12[%get3A_169] {strides = array<i32>} : memref<3200xi32, #tpu.memory_space<vmem>>, vector<16xi32>,
        %add3A_171 = arith.constant 32 : i32
        %add3A_172 = arith.addi %mul3A_123, %add3A_171 : i32
        %get3A_173 = arith.index_cast %add3A_172 : i32 to index
        %get3A_174 = tpu.vector_load %arg12[%get3A_173] {strides = array<i32>} : memref<3200xi32, #tpu.memory_space<vmem>>, vector<16xi32>,
        %add3A_175 = arith.constant 48 : i32
        %add3A_176 = arith.addi %mul3A_123, %add3A_175 : i32
        %get3A_177 = arith.index_cast %add3A_176 : i32 to index
        %get3A_178 = tpu.vector_load %arg12[%get3A_177] {strides = array<i32>} : memref<3200xi32, #tpu.memory_space<vmem>>, vector<16xi32>,
        %add3A_179 = arith.constant 64 : i32
        %add3A_180 = arith.addi %mul3A_123, %add3A_179 : i32
        %get3A_181 = arith.index_cast %add3A_180 : i32 to index
        %get3A_182 = tpu.vector_load %arg12[%get3A_181] {strides = array<i32>} : memref<3200xi32, #tpu.memory_space<vmem>>, vector<16xi32>,
        %add3A_183 = arith.constant 80 : i32
        %add3A_184 = arith.addi %mul3A_123, %add3A_183 : i32
        %get3A_185 = arith.index_cast %add3A_184 : i32 to index
        %get3A_186 = tpu.vector_load %arg12[%get3A_185] {strides = array<i32>} : memref<3200xi32, #tpu.memory_space<vmem>>, vector<16xi32>,
        %add3A_187 = arith.constant 96 : i32
        %add3A_188 = arith.addi %mul3A_123, %add3A_187 : i32
        %get3A_189 = arith.index_cast %add3A_188 : i32 to index
        %get3A_190 = tpu.vector_load %arg12[%get3A_189] {strides = array<i32>} : memref<3200xi32, #tpu.memory_space<vmem>>, vector<16xi32>,
        %add3A_191 = arith.constant 112 : i32
        %add3A_192 = arith.addi %mul3A_123, %add3A_191 : i32
        %get3A_193 = arith.index_cast %add3A_192 : i32 to index
        %get3A_194 = tpu.vector_load %arg12[%get3A_193] {strides = array<i32>} : memref<3200xi32, #tpu.memory_space<vmem>>, vector<16xi32>,
        %add3A_195 = arith.constant 128 : i32
        %add3A_196 = arith.addi %mul3A_123, %add3A_195 : i32
        %get3A_197 = arith.index_cast %add3A_196 : i32 to index
        %get3A_198 = tpu.vector_load %arg12[%get3A_197] {strides = array<i32>} : memref<3200xi32, #tpu.memory_space<vmem>>, vector<16xi32>,
        %add3A_199 = arith.constant 144 : i32
        %add3A_200 = arith.addi %mul3A_123, %add3A_199 : i32
        %get3A_201 = arith.index_cast %add3A_200 : i32 to index
        %get3A_202 = tpu.vector_load %arg12[%get3A_201] {strides = array<i32>} : memref<3200xi32, #tpu.memory_space<vmem>>, vector<16xi32>,
        %and3A_203 = arith.constant 65535 : i32
        %and3A_204 = vector.broadcast %and3A_203 : i32 to vector<16xi32>
        %and3A_205 = arith.andi %get3A_126, %and3A_204 : vector<16xi32>
        %and3A_206 = arith.constant 65535 : i32
        %and3A_207 = vector.broadcast %and3A_206 : i32 to vector<16xi32>
        %and3A_208 = arith.andi %get3A_130, %and3A_207 : vector<16xi32>
        %and3A_209 = arith.constant 65535 : i32
        %and3A_210 = vector.broadcast %and3A_209 : i32 to vector<16xi32>
        %and3A_211 = arith.andi %get3A_134, %and3A_210 : vector<16xi32>
        %and3A_212 = arith.constant 65535 : i32
        %and3A_213 = vector.broadcast %and3A_212 : i32 to vector<16xi32>
        %and3A_214 = arith.andi %get3A_138, %and3A_213 : vector<16xi32>
        %and3A_215 = arith.constant 65535 : i32
        %and3A_216 = vector.broadcast %and3A_215 : i32 to vector<16xi32>
        %and3A_217 = arith.andi %get3A_142, %and3A_216 : vector<16xi32>
        %and3A_218 = arith.constant 65535 : i32
        %and3A_219 = vector.broadcast %and3A_218 : i32 to vector<16xi32>
        %and3A_220 = arith.andi %get3A_146, %and3A_219 : vector<16xi32>
        %and3A_221 = arith.constant 65535 : i32
        %and3A_222 = vector.broadcast %and3A_221 : i32 to vector<16xi32>
        %and3A_223 = arith.andi %get3A_150, %and3A_222 : vector<16xi32>
        %and3A_224 = arith.constant 65535 : i32
        %and3A_225 = vector.broadcast %and3A_224 : i32 to vector<16xi32>
        %and3A_226 = arith.andi %get3A_154, %and3A_225 : vector<16xi32>
        %and3A_227 = arith.constant 65535 : i32
        %and3A_228 = vector.broadcast %and3A_227 : i32 to vector<16xi32>
        %and3A_229 = arith.andi %get3A_158, %and3A_228 : vector<16xi32>
        %and3A_230 = arith.constant 65535 : i32
        %and3A_231 = vector.broadcast %and3A_230 : i32 to vector<16xi32>
        %and3A_232 = arith.andi %get3A_162, %and3A_231 : vector<16xi32>
        %shift_right_logical3A = arith.constant 16 : i32
        %shift_right_logical3A_233 = vector.broadcast %shift_right_logical3A : i32 to vector<16xi32>
        %shift_right_logical3A_234 = arith.shrui %get3A_126, %shift_right_logical3A_233 : vector<16xi32>
        %shift_right_logical3A_235 = arith.constant 16 : i32
        %shift_right_logical3A_236 = vector.broadcast %shift_right_logical3A_235 : i32 to vector<16xi32>
        %shift_right_logical3A_237 = arith.shrui %get3A_130, %shift_right_logical3A_236 : vector<16xi32>
        %shift_right_logical3A_238 = arith.constant 16 : i32
        %shift_right_logical3A_239 = vector.broadcast %shift_right_logical3A_238 : i32 to vector<16xi32>
        %shift_right_logical3A_240 = arith.shrui %get3A_134, %shift_right_logical3A_239 : vector<16xi32>
        %shift_right_logical3A_241 = arith.constant 16 : i32
        %shift_right_logical3A_242 = vector.broadcast %shift_right_logical3A_241 : i32 to vector<16xi32>
        %shift_right_logical3A_243 = arith.shrui %get3A_138, %shift_right_logical3A_242 : vector<16xi32>
        %shift_right_logical3A_244 = arith.constant 16 : i32
        %shift_right_logical3A_245 = vector.broadcast %shift_right_logical3A_244 : i32 to vector<16xi32>
        %shift_right_logical3A_246 = arith.shrui %get3A_142, %shift_right_logical3A_245 : vector<16xi32>
        %shift_right_logical3A_247 = arith.constant 16 : i32
        %shift_right_logical3A_248 = vector.broadcast %shift_right_logical3A_247 : i32 to vector<16xi32>
        %shift_right_logical3A_249 = arith.shrui %get3A_146, %shift_right_logical3A_248 : vector<16xi32>
        %shift_right_logical3A_250 = arith.constant 16 : i32
        %shift_right_logical3A_251 = vector.broadcast %shift_right_logical3A_250 : i32 to vector<16xi32>
        %shift_right_logical3A_252 = arith.shrui %get3A_150, %shift_right_logical3A_251 : vector<16xi32>
        %shift_right_logical3A_253 = arith.constant 16 : i32
        %shift_right_logical3A_254 = vector.broadcast %shift_right_logical3A_253 : i32 to vector<16xi32>
        %shift_right_logical3A_255 = arith.shrui %get3A_154, %shift_right_logical3A_254 : vector<16xi32>
        %shift_right_logical3A_256 = arith.constant 16 : i32
        %shift_right_logical3A_257 = vector.broadcast %shift_right_logical3A_256 : i32 to vector<16xi32>
        %shift_right_logical3A_258 = arith.shrui %get3A_158, %shift_right_logical3A_257 : vector<16xi32>
        %shift_right_logical3A_259 = arith.constant 16 : i32
        %shift_right_logical3A_260 = vector.broadcast %shift_right_logical3A_259 : i32 to vector<16xi32>
        %shift_right_logical3A_261 = arith.shrui %get3A_162, %shift_right_logical3A_260 : vector<16xi32>
        %gather3A = tpu.vector_load_idx %arg7[%and3A_205] : memref<50048xi32, #tpu.memory_space<vmem>>[vector<16xi32>], vector<16xi32>,
        %bitcast3A = vector.bitcast %gather3A : vector<16xi32> to vector<32xbf16>
        %bitcast3A_262 = vector.bitcast %get3A_166 : vector<16xi32> to vector<32xbf16>
        %mul3A_263 = arith.mulf %bitcast3A, %bitcast3A_262 : vector<32xbf16>
        %gather3A_264 = tpu.vector_load_idx %arg7[%and3A_208] : memref<50048xi32, #tpu.memory_space<vmem>>[vector<16xi32>], vector<16xi32>,
        %bitcast3A_265 = vector.bitcast %gather3A_264 : vector<16xi32> to vector<32xbf16>
        %bitcast3A_266 = vector.bitcast %get3A_170 : vector<16xi32> to vector<32xbf16>
        %mul3A_267 = arith.mulf %bitcast3A_265, %bitcast3A_266 : vector<32xbf16>
        %gather3A_268 = tpu.vector_load_idx %arg7[%and3A_211] : memref<50048xi32, #tpu.memory_space<vmem>>[vector<16xi32>], vector<16xi32>,
        %bitcast3A_269 = vector.bitcast %gather3A_268 : vector<16xi32> to vector<32xbf16>
        %bitcast3A_270 = vector.bitcast %get3A_174 : vector<16xi32> to vector<32xbf16>
        %mul3A_271 = arith.mulf %bitcast3A_269, %bitcast3A_270 : vector<32xbf16>
        %gather3A_272 = tpu.vector_load_idx %arg7[%and3A_214] : memref<50048xi32, #tpu.memory_space<vmem>>[vector<16xi32>], vector<16xi32>,
        %bitcast3A_273 = vector.bitcast %gather3A_272 : vector<16xi32> to vector<32xbf16>
        %bitcast3A_274 = vector.bitcast %get3A_178 : vector<16xi32> to vector<32xbf16>
        %mul3A_275 = arith.mulf %bitcast3A_273, %bitcast3A_274 : vector<32xbf16>
        %gather3A_276 = tpu.vector_load_idx %arg7[%and3A_217] : memref<50048xi32, #tpu.memory_space<vmem>>[vector<16xi32>], vector<16xi32>,
        %bitcast3A_277 = vector.bitcast %gather3A_276 : vector<16xi32> to vector<32xbf16>
        %bitcast3A_278 = vector.bitcast %get3A_182 : vector<16xi32> to vector<32xbf16>
        %mul3A_279 = arith.mulf %bitcast3A_277, %bitcast3A_278 : vector<32xbf16>
        %gather3A_280 = tpu.vector_load_idx %arg7[%and3A_220] : memref<50048xi32, #tpu.memory_space<vmem>>[vector<16xi32>], vector<16xi32>,
        %bitcast3A_281 = vector.bitcast %gather3A_280 : vector<16xi32> to vector<32xbf16>
        %bitcast3A_282 = vector.bitcast %get3A_186 : vector<16xi32> to vector<32xbf16>
        %mul3A_283 = arith.mulf %bitcast3A_281, %bitcast3A_282 : vector<32xbf16>
        %gather3A_284 = tpu.vector_load_idx %arg7[%and3A_223] : memref<50048xi32, #tpu.memory_space<vmem>>[vector<16xi32>], vector<16xi32>,
        %bitcast3A_285 = vector.bitcast %gather3A_284 : vector<16xi32> to vector<32xbf16>
        %bitcast3A_286 = vector.bitcast %get3A_190 : vector<16xi32> to vector<32xbf16>
        %mul3A_287 = arith.mulf %bitcast3A_285, %bitcast3A_286 : vector<32xbf16>
        %gather3A_288 = tpu.vector_load_idx %arg7[%and3A_226] : memref<50048xi32, #tpu.memory_space<vmem>>[vector<16xi32>], vector<16xi32>,
        %bitcast3A_289 = vector.bitcast %gather3A_288 : vector<16xi32> to vector<32xbf16>
        %bitcast3A_290 = vector.bitcast %get3A_194 : vector<16xi32> to vector<32xbf16>
        %mul3A_291 = arith.mulf %bitcast3A_289, %bitcast3A_290 : vector<32xbf16>
        %gather3A_292 = tpu.vector_load_idx %arg7[%and3A_229] : memref<50048xi32, #tpu.memory_space<vmem>>[vector<16xi32>], vector<16xi32>,
        %bitcast3A_293 = vector.bitcast %gather3A_292 : vector<16xi32> to vector<32xbf16>
        %bitcast3A_294 = vector.bitcast %get3A_198 : vector<16xi32> to vector<32xbf16>
        %mul3A_295 = arith.mulf %bitcast3A_293, %bitcast3A_294 : vector<32xbf16>
        %gather3A_296 = tpu.vector_load_idx %arg7[%and3A_232] : memref<50048xi32, #tpu.memory_space<vmem>>[vector<16xi32>], vector<16xi32>,
        %bitcast3A_297 = vector.bitcast %gather3A_296 : vector<16xi32> to vector<32xbf16>
        %bitcast3A_298 = vector.bitcast %get3A_202 : vector<16xi32> to vector<32xbf16>
        %mul3A_299 = arith.mulf %bitcast3A_297, %bitcast3A_298 : vector<32xbf16>
        %gather3A_300 = tpu.vector_load_idx %arg8[%shift_right_logical3A_234] : memref<50048xi32, #tpu.memory_space<vmem>>[vector<16xi32>], vector<16xi32>,
        %gather3A_301 = tpu.vector_load_idx %arg8[%shift_right_logical3A_237] : memref<50048xi32, #tpu.memory_space<vmem>>[vector<16xi32>], vector<16xi32>,
        %gather3A_302 = tpu.vector_load_idx %arg8[%shift_right_logical3A_240] : memref<50048xi32, #tpu.memory_space<vmem>>[vector<16xi32>], vector<16xi32>,
        %gather3A_303 = tpu.vector_load_idx %arg8[%shift_right_logical3A_243] : memref<50048xi32, #tpu.memory_space<vmem>>[vector<16xi32>], vector<16xi32>,
        %gather3A_304 = tpu.vector_load_idx %arg8[%shift_right_logical3A_246] : memref<50048xi32, #tpu.memory_space<vmem>>[vector<16xi32>], vector<16xi32>,
        %bitcast3A_305 = vector.bitcast %gather3A_300 : vector<16xi32> to vector<32xbf16>
        %max3A = arith.maximumf %bitcast3A_305, %mul3A_263 : vector<32xbf16>
        %bitcast3A_306 = vector.bitcast %max3A : vector<32xbf16> to vector<16xi32>
        tpu.vector_store_idx %arg8[%shift_right_logical3A_234], %bitcast3A_306 : memref<50048xi32, #tpu.memory_space<vmem>>[vector<16xi32>], vector<16xi32>,
        %bitcast3A_307 = vector.bitcast %gather3A_301 : vector<16xi32> to vector<32xbf16>
        %max3A_308 = arith.maximumf %bitcast3A_307, %mul3A_267 : vector<32xbf16>
        %bitcast3A_309 = vector.bitcast %max3A_308 : vector<32xbf16> to vector<16xi32>
        tpu.vector_store_idx %arg8[%shift_right_logical3A_237], %bitcast3A_309 : memref<50048xi32, #tpu.memory_space<vmem>>[vector<16xi32>], vector<16xi32>,
        %bitcast3A_310 = vector.bitcast %gather3A_302 : vector<16xi32> to vector<32xbf16>
        %max3A_311 = arith.maximumf %bitcast3A_310, %mul3A_271 : vector<32xbf16>
        %bitcast3A_312 = vector.bitcast %max3A_311 : vector<32xbf16> to vector<16xi32>
        tpu.vector_store_idx %arg8[%shift_right_logical3A_240], %bitcast3A_312 : memref<50048xi32, #tpu.memory_space<vmem>>[vector<16xi32>], vector<16xi32>,
        %bitcast3A_313 = vector.bitcast %gather3A_303 : vector<16xi32> to vector<32xbf16>
        %max3A_314 = arith.maximumf %bitcast3A_313, %mul3A_275 : vector<32xbf16>
        %bitcast3A_315 = vector.bitcast %max3A_314 : vector<32xbf16> to vector<16xi32>
        tpu.vector_store_idx %arg8[%shift_right_logical3A_243], %bitcast3A_315 : memref<50048xi32, #tpu.memory_space<vmem>>[vector<16xi32>], vector<16xi32>,
        %bitcast3A_316 = vector.bitcast %gather3A_304 : vector<16xi32> to vector<32xbf16>
        %max3A_317 = arith.maximumf %bitcast3A_316, %mul3A_279 : vector<32xbf16>
        %bitcast3A_318 = vector.bitcast %max3A_317 : vector<32xbf16> to vector<16xi32>
        tpu.vector_store_idx %arg8[%shift_right_logical3A_246], %bitcast3A_318 : memref<50048xi32, #tpu.memory_space<vmem>>[vector<16xi32>], vector<16xi32>,
        %gather3A_319 = tpu.vector_load_idx %arg8[%shift_right_logical3A_249] : memref<50048xi32, #tpu.memory_space<vmem>>[vector<16xi32>], vector<16xi32>,
        %gather3A_320 = tpu.vector_load_idx %arg8[%shift_right_logical3A_252] : memref<50048xi32, #tpu.memory_space<vmem>>[vector<16xi32>], vector<16xi32>,
        %gather3A_321 = tpu.vector_load_idx %arg8[%shift_right_logical3A_255] : memref<50048xi32, #tpu.memory_space<vmem>>[vector<16xi32>], vector<16xi32>,
        %gather3A_322 = tpu.vector_load_idx %arg8[%shift_right_logical3A_258] : memref<50048xi32, #tpu.memory_space<vmem>>[vector<16xi32>], vector<16xi32>,
        %gather3A_323 = tpu.vector_load_idx %arg8[%shift_right_logical3A_261] : memref<50048xi32, #tpu.memory_space<vmem>>[vector<16xi32>], vector<16xi32>,
        %bitcast3A_324 = vector.bitcast %gather3A_319 : vector<16xi32> to vector<32xbf16>
        %max3A_325 = arith.maximumf %bitcast3A_324, %mul3A_283 : vector<32xbf16>
        %bitcast3A_326 = vector.bitcast %max3A_325 : vector<32xbf16> to vector<16xi32>
        tpu.vector_store_idx %arg8[%shift_right_logical3A_249], %bitcast3A_326 : memref<50048xi32, #tpu.memory_space<vmem>>[vector<16xi32>], vector<16xi32>,
        %bitcast3A_327 = vector.bitcast %gather3A_320 : vector<16xi32> to vector<32xbf16>
        %max3A_328 = arith.maximumf %bitcast3A_327, %mul3A_287 : vector<32xbf16>
        %bitcast3A_329 = vector.bitcast %max3A_328 : vector<32xbf16> to vector<16xi32>
        tpu.vector_store_idx %arg8[%shift_right_logical3A_252], %bitcast3A_329 : memref<50048xi32, #tpu.memory_space<vmem>>[vector<16xi32>], vector<16xi32>,
        %bitcast3A_330 = vector.bitcast %gather3A_321 : vector<16xi32> to vector<32xbf16>
        %max3A_331 = arith.maximumf %bitcast3A_330, %mul3A_291 : vector<32xbf16>
        %bitcast3A_332 = vector.bitcast %max3A_331 : vector<32xbf16> to vector<16xi32>
        tpu.vector_store_idx %arg8[%shift_right_logical3A_255], %bitcast3A_332 : memref<50048xi32, #tpu.memory_space<vmem>>[vector<16xi32>], vector<16xi32>,
        %bitcast3A_333 = vector.bitcast %gather3A_322 : vector<16xi32> to vector<32xbf16>
        %max3A_334 = arith.maximumf %bitcast3A_333, %mul3A_295 : vector<32xbf16>
        %bitcast3A_335 = vector.bitcast %max3A_334 : vector<32xbf16> to vector<16xi32>
        tpu.vector_store_idx %arg8[%shift_right_logical3A_258], %bitcast3A_335 : memref<50048xi32, #tpu.memory_space<vmem>>[vector<16xi32>], vector<16xi32>,
        %bitcast3A_336 = vector.bitcast %gather3A_323 : vector<16xi32> to vector<32xbf16>
        %max3A_337 = arith.maximumf %bitcast3A_336, %mul3A_299 : vector<32xbf16>
        %bitcast3A_338 = vector.bitcast %max3A_337 : vector<32xbf16> to vector<16xi32>
        tpu.vector_store_idx %arg8[%shift_right_logical3A_261], %bitcast3A_338 : memref<50048xi32, #tpu.memory_space<vmem>>[vector<16xi32>], vector<16xi32>,
        %gather3A_339 = tpu.vector_load_idx %arg8[%shift_right_logical3A_234] : memref<50048xi32, #tpu.memory_space<vmem>>[vector<16xi32>], vector<16xi32>,
        %bitcast3A_340 = vector.bitcast %gather3A_339 : vector<16xi32> to vector<32xbf16>
        %max3A_341 = arith.maximumf %bitcast3A_340, %mul3A_263 : vector<32xbf16>
        %bitcast3A_342 = vector.bitcast %max3A_341 : vector<32xbf16> to vector<16xi32>
        %ne3A_343 = arith.cmpi ne, %bitcast3A_342, %gather3A_339 : vector<16xi32>
        %gather3A_344 = tpu.vector_load_idx %arg8[%shift_right_logical3A_237] : memref<50048xi32, #tpu.memory_space<vmem>>[vector<16xi32>], vector<16xi32>,
        %bitcast3A_345 = vector.bitcast %gather3A_344 : vector<16xi32> to vector<32xbf16>
        %max3A_346 = arith.maximumf %bitcast3A_345, %mul3A_267 : vector<32xbf16>
        %bitcast3A_347 = vector.bitcast %max3A_346 : vector<32xbf16> to vector<16xi32>
        %ne3A_348 = arith.cmpi ne, %bitcast3A_347, %gather3A_344 : vector<16xi32>
        %or3A = arith.ori %ne3A_343, %ne3A_348 : vector<16xi1>
        %gather3A_349 = tpu.vector_load_idx %arg8[%shift_right_logical3A_240] : memref<50048xi32, #tpu.memory_space<vmem>>[vector<16xi32>], vector<16xi32>,
        %bitcast3A_350 = vector.bitcast %gather3A_349 : vector<16xi32> to vector<32xbf16>
        %max3A_351 = arith.maximumf %bitcast3A_350, %mul3A_271 : vector<32xbf16>
        %bitcast3A_352 = vector.bitcast %max3A_351 : vector<32xbf16> to vector<16xi32>
        %ne3A_353 = arith.cmpi ne, %bitcast3A_352, %gather3A_349 : vector<16xi32>
        %or3A_354 = arith.ori %or3A, %ne3A_353 : vector<16xi1>
        %gather3A_355 = tpu.vector_load_idx %arg8[%shift_right_logical3A_243] : memref<50048xi32, #tpu.memory_space<vmem>>[vector<16xi32>], vector<16xi32>,
        %bitcast3A_356 = vector.bitcast %gather3A_355 : vector<16xi32> to vector<32xbf16>
        %max3A_357 = arith.maximumf %bitcast3A_356, %mul3A_275 : vector<32xbf16>
        %bitcast3A_358 = vector.bitcast %max3A_357 : vector<32xbf16> to vector<16xi32>
        %ne3A_359 = arith.cmpi ne, %bitcast3A_358, %gather3A_355 : vector<16xi32>
        %or3A_360 = arith.ori %or3A_354, %ne3A_359 : vector<16xi1>
        %gather3A_361 = tpu.vector_load_idx %arg8[%shift_right_logical3A_246] : memref<50048xi32, #tpu.memory_space<vmem>>[vector<16xi32>], vector<16xi32>,
        %bitcast3A_362 = vector.bitcast %gather3A_361 : vector<16xi32> to vector<32xbf16>
        %max3A_363 = arith.maximumf %bitcast3A_362, %mul3A_279 : vector<32xbf16>
        %bitcast3A_364 = vector.bitcast %max3A_363 : vector<32xbf16> to vector<16xi32>
        %ne3A_365 = arith.cmpi ne, %bitcast3A_364, %gather3A_361 : vector<16xi32>
        %or3A_366 = arith.ori %or3A_360, %ne3A_365 : vector<16xi1>
        %gather3A_367 = tpu.vector_load_idx %arg8[%shift_right_logical3A_249] : memref<50048xi32, #tpu.memory_space<vmem>>[vector<16xi32>], vector<16xi32>,
        %bitcast3A_368 = vector.bitcast %gather3A_367 : vector<16xi32> to vector<32xbf16>
        %max3A_369 = arith.maximumf %bitcast3A_368, %mul3A_283 : vector<32xbf16>
        %bitcast3A_370 = vector.bitcast %max3A_369 : vector<32xbf16> to vector<16xi32>
        %ne3A_371 = arith.cmpi ne, %bitcast3A_370, %gather3A_367 : vector<16xi32>
        %or3A_372 = arith.ori %or3A_366, %ne3A_371 : vector<16xi1>
        %gather3A_373 = tpu.vector_load_idx %arg8[%shift_right_logical3A_252] : memref<50048xi32, #tpu.memory_space<vmem>>[vector<16xi32>], vector<16xi32>,
        %bitcast3A_374 = vector.bitcast %gather3A_373 : vector<16xi32> to vector<32xbf16>
        %max3A_375 = arith.maximumf %bitcast3A_374, %mul3A_287 : vector<32xbf16>
        %bitcast3A_376 = vector.bitcast %max3A_375 : vector<32xbf16> to vector<16xi32>
        %ne3A_377 = arith.cmpi ne, %bitcast3A_376, %gather3A_373 : vector<16xi32>
        %or3A_378 = arith.ori %or3A_372, %ne3A_377 : vector<16xi1>
        %gather3A_379 = tpu.vector_load_idx %arg8[%shift_right_logical3A_255] : memref<50048xi32, #tpu.memory_space<vmem>>[vector<16xi32>], vector<16xi32>,
        %bitcast3A_380 = vector.bitcast %gather3A_379 : vector<16xi32> to vector<32xbf16>
        %max3A_381 = arith.maximumf %bitcast3A_380, %mul3A_291 : vector<32xbf16>
        %bitcast3A_382 = vector.bitcast %max3A_381 : vector<32xbf16> to vector<16xi32>
        %ne3A_383 = arith.cmpi ne, %bitcast3A_382, %gather3A_379 : vector<16xi32>
        %or3A_384 = arith.ori %or3A_378, %ne3A_383 : vector<16xi1>
        %gather3A_385 = tpu.vector_load_idx %arg8[%shift_right_logical3A_258] : memref<50048xi32, #tpu.memory_space<vmem>>[vector<16xi32>], vector<16xi32>,
        %bitcast3A_386 = vector.bitcast %gather3A_385 : vector<16xi32> to vector<32xbf16>
        %max3A_387 = arith.maximumf %bitcast3A_386, %mul3A_295 : vector<32xbf16>
        %bitcast3A_388 = vector.bitcast %max3A_387 : vector<32xbf16> to vector<16xi32>
        %ne3A_389 = arith.cmpi ne, %bitcast3A_388, %gather3A_385 : vector<16xi32>
        %or3A_390 = arith.ori %or3A_384, %ne3A_389 : vector<16xi1>
        %gather3A_391 = tpu.vector_load_idx %arg8[%shift_right_logical3A_261] : memref<50048xi32, #tpu.memory_space<vmem>>[vector<16xi32>], vector<16xi32>,
        %bitcast3A_392 = vector.bitcast %gather3A_391 : vector<16xi32> to vector<32xbf16>
        %max3A_393 = arith.maximumf %bitcast3A_392, %mul3A_299 : vector<32xbf16>
        %bitcast3A_394 = vector.bitcast %max3A_393 : vector<32xbf16> to vector<16xi32>
        %ne3A_395 = arith.cmpi ne, %bitcast3A_394, %gather3A_391 : vector<16xi32>
        %or3A_396 = arith.ori %or3A_390, %ne3A_395 : vector<16xi1>
        %jit3A_397 = arith.constant 1 : i32
        %jit3A_398 = arith.constant 0 : i32
        %broadcast_in_dim3A = vector.broadcast %jit3A_397 : i32 to vector<16xi32>
        %broadcast_in_dim3A_399 = vector.broadcast %jit3A_398 : i32 to vector<16xi32>
        %select_n3A_400 = arith.select %or3A_396, %broadcast_in_dim3A, %broadcast_in_dim3A_399 : vector<16xi1>, vector<16xi32>
        %reduce_max3A = arith.constant true
        %reduce_max3A_401 = vector.broadcast %reduce_max3A : i1 to vector<16xi1>
        %reduce_max3A_402 = arith.constant -2147483648 : i32
        %reduce_max3A_403 = vector.broadcast %reduce_max3A_402 : i32 to vector<16xi32>
        %reduce_max3A_404 = arith.xori %select_n3A_400, %reduce_max3A_403 : vector<16xi32>
        %reduce_max3A_405 = tpu.scan <max>, %reduce_max3A_404 masked %reduce_max3A_401 : vector<16xi32>, vector<16xi1> -> vector<16xi32>
        %reduce_max3A_406 = arith.xori %reduce_max3A_405, %reduce_max3A_403 : vector<16xi32>
        %reduce_max3A_407 = vector.extract %reduce_max3A_406[15] : i32 from vector<16xi32>
        %while3A = scf.while (%while3A_408 = %reduce_max3A_407) : (i32) -> i32 {
          %gt3A = arith.constant 0 : i32
          %gt3A_409 = arith.cmpi sgt, %while3A_408, %gt3A : i32
          scf.condition(%gt3A_409) %while3A_408 : i32
        } do {
        ^bb0(%while3A_408: i32):
          %gather3A_409 = tpu.vector_load_idx %arg8[%shift_right_logical3A_234] : memref<50048xi32, #tpu.memory_space<vmem>>[vector<16xi32>], vector<16xi32>,
          %bitcast3A_410 = vector.bitcast %gather3A_409 : vector<16xi32> to vector<32xbf16>
          %max3A_411 = arith.maximumf %bitcast3A_410, %mul3A_263 : vector<32xbf16>
          %bitcast3A_412 = vector.bitcast %max3A_411 : vector<32xbf16> to vector<16xi32>
          %ne3A_413 = arith.cmpi ne, %bitcast3A_412, %gather3A_409 : vector<16xi32>
          tpu.vector_store_idx %arg8[%shift_right_logical3A_234], %bitcast3A_412 masked %ne3A_413 : memref<50048xi32, #tpu.memory_space<vmem>>[vector<16xi32>], vector<16xi32>, vector<16xi1>
          %gather3A_414 = tpu.vector_load_idx %arg8[%shift_right_logical3A_237] : memref<50048xi32, #tpu.memory_space<vmem>>[vector<16xi32>], vector<16xi32>,
          %bitcast3A_415 = vector.bitcast %gather3A_414 : vector<16xi32> to vector<32xbf16>
          %max3A_416 = arith.maximumf %bitcast3A_415, %mul3A_267 : vector<32xbf16>
          %bitcast3A_417 = vector.bitcast %max3A_416 : vector<32xbf16> to vector<16xi32>
          %ne3A_418 = arith.cmpi ne, %bitcast3A_417, %gather3A_414 : vector<16xi32>
          tpu.vector_store_idx %arg8[%shift_right_logical3A_237], %bitcast3A_417 masked %ne3A_418 : memref<50048xi32, #tpu.memory_space<vmem>>[vector<16xi32>], vector<16xi32>, vector<16xi1>
          %gather3A_419 = tpu.vector_load_idx %arg8[%shift_right_logical3A_240] : memref<50048xi32, #tpu.memory_space<vmem>>[vector<16xi32>], vector<16xi32>,
          %bitcast3A_420 = vector.bitcast %gather3A_419 : vector<16xi32> to vector<32xbf16>
          %max3A_421 = arith.maximumf %bitcast3A_420, %mul3A_271 : vector<32xbf16>
          %bitcast3A_422 = vector.bitcast %max3A_421 : vector<32xbf16> to vector<16xi32>
          %ne3A_423 = arith.cmpi ne, %bitcast3A_422, %gather3A_419 : vector<16xi32>
          tpu.vector_store_idx %arg8[%shift_right_logical3A_240], %bitcast3A_422 masked %ne3A_423 : memref<50048xi32, #tpu.memory_space<vmem>>[vector<16xi32>], vector<16xi32>, vector<16xi1>
          %gather3A_424 = tpu.vector_load_idx %arg8[%shift_right_logical3A_243] : memref<50048xi32, #tpu.memory_space<vmem>>[vector<16xi32>], vector<16xi32>,
          %bitcast3A_425 = vector.bitcast %gather3A_424 : vector<16xi32> to vector<32xbf16>
          %max3A_426 = arith.maximumf %bitcast3A_425, %mul3A_275 : vector<32xbf16>
          %bitcast3A_427 = vector.bitcast %max3A_426 : vector<32xbf16> to vector<16xi32>
          %ne3A_428 = arith.cmpi ne, %bitcast3A_427, %gather3A_424 : vector<16xi32>
          tpu.vector_store_idx %arg8[%shift_right_logical3A_243], %bitcast3A_427 masked %ne3A_428 : memref<50048xi32, #tpu.memory_space<vmem>>[vector<16xi32>], vector<16xi32>, vector<16xi1>
          %gather3A_429 = tpu.vector_load_idx %arg8[%shift_right_logical3A_246] : memref<50048xi32, #tpu.memory_space<vmem>>[vector<16xi32>], vector<16xi32>,
          %bitcast3A_430 = vector.bitcast %gather3A_429 : vector<16xi32> to vector<32xbf16>
          %max3A_431 = arith.maximumf %bitcast3A_430, %mul3A_279 : vector<32xbf16>
          %bitcast3A_432 = vector.bitcast %max3A_431 : vector<32xbf16> to vector<16xi32>
          %ne3A_433 = arith.cmpi ne, %bitcast3A_432, %gather3A_429 : vector<16xi32>
          tpu.vector_store_idx %arg8[%shift_right_logical3A_246], %bitcast3A_432 masked %ne3A_433 : memref<50048xi32, #tpu.memory_space<vmem>>[vector<16xi32>], vector<16xi32>, vector<16xi1>
          %gather3A_434 = tpu.vector_load_idx %arg8[%shift_right_logical3A_249] : memref<50048xi32, #tpu.memory_space<vmem>>[vector<16xi32>], vector<16xi32>,
          %bitcast3A_435 = vector.bitcast %gather3A_434 : vector<16xi32> to vector<32xbf16>
          %max3A_436 = arith.maximumf %bitcast3A_435, %mul3A_283 : vector<32xbf16>
          %bitcast3A_437 = vector.bitcast %max3A_436 : vector<32xbf16> to vector<16xi32>
          %ne3A_438 = arith.cmpi ne, %bitcast3A_437, %gather3A_434 : vector<16xi32>
          tpu.vector_store_idx %arg8[%shift_right_logical3A_249], %bitcast3A_437 masked %ne3A_438 : memref<50048xi32, #tpu.memory_space<vmem>>[vector<16xi32>], vector<16xi32>, vector<16xi1>
          %gather3A_439 = tpu.vector_load_idx %arg8[%shift_right_logical3A_252] : memref<50048xi32, #tpu.memory_space<vmem>>[vector<16xi32>], vector<16xi32>,
          %bitcast3A_440 = vector.bitcast %gather3A_439 : vector<16xi32> to vector<32xbf16>
          %max3A_441 = arith.maximumf %bitcast3A_440, %mul3A_287 : vector<32xbf16>
          %bitcast3A_442 = vector.bitcast %max3A_441 : vector<32xbf16> to vector<16xi32>
          %ne3A_443 = arith.cmpi ne, %bitcast3A_442, %gather3A_439 : vector<16xi32>
          tpu.vector_store_idx %arg8[%shift_right_logical3A_252], %bitcast3A_442 masked %ne3A_443 : memref<50048xi32, #tpu.memory_space<vmem>>[vector<16xi32>], vector<16xi32>, vector<16xi1>
          %gather3A_444 = tpu.vector_load_idx %arg8[%shift_right_logical3A_255] : memref<50048xi32, #tpu.memory_space<vmem>>[vector<16xi32>], vector<16xi32>,
          %bitcast3A_445 = vector.bitcast %gather3A_444 : vector<16xi32> to vector<32xbf16>
          %max3A_446 = arith.maximumf %bitcast3A_445, %mul3A_291 : vector<32xbf16>
          %bitcast3A_447 = vector.bitcast %max3A_446 : vector<32xbf16> to vector<16xi32>
          %ne3A_448 = arith.cmpi ne, %bitcast3A_447, %gather3A_444 : vector<16xi32>
          tpu.vector_store_idx %arg8[%shift_right_logical3A_255], %bitcast3A_447 masked %ne3A_448 : memref<50048xi32, #tpu.memory_space<vmem>>[vector<16xi32>], vector<16xi32>, vector<16xi1>
          %gather3A_449 = tpu.vector_load_idx %arg8[%shift_right_logical3A_258] : memref<50048xi32, #tpu.memory_space<vmem>>[vector<16xi32>], vector<16xi32>,
          %bitcast3A_450 = vector.bitcast %gather3A_449 : vector<16xi32> to vector<32xbf16>
          %max3A_451 = arith.maximumf %bitcast3A_450, %mul3A_295 : vector<32xbf16>
          %bitcast3A_452 = vector.bitcast %max3A_451 : vector<32xbf16> to vector<16xi32>
          %ne3A_453 = arith.cmpi ne, %bitcast3A_452, %gather3A_449 : vector<16xi32>
          tpu.vector_store_idx %arg8[%shift_right_logical3A_258], %bitcast3A_452 masked %ne3A_453 : memref<50048xi32, #tpu.memory_space<vmem>>[vector<16xi32>], vector<16xi32>, vector<16xi1>
          %gather3A_454 = tpu.vector_load_idx %arg8[%shift_right_logical3A_261] : memref<50048xi32, #tpu.memory_space<vmem>>[vector<16xi32>], vector<16xi32>,
          %bitcast3A_455 = vector.bitcast %gather3A_454 : vector<16xi32> to vector<32xbf16>
          %max3A_456 = arith.maximumf %bitcast3A_455, %mul3A_299 : vector<32xbf16>
          %bitcast3A_457 = vector.bitcast %max3A_456 : vector<32xbf16> to vector<16xi32>
          %ne3A_458 = arith.cmpi ne, %bitcast3A_457, %gather3A_454 : vector<16xi32>
          tpu.vector_store_idx %arg8[%shift_right_logical3A_261], %bitcast3A_457 masked %ne3A_458 : memref<50048xi32, #tpu.memory_space<vmem>>[vector<16xi32>], vector<16xi32>, vector<16xi1>
          %gather3A_459 = tpu.vector_load_idx %arg8[%shift_right_logical3A_234] : memref<50048xi32, #tpu.memory_space<vmem>>[vector<16xi32>], vector<16xi32>,
          %bitcast3A_460 = vector.bitcast %gather3A_459 : vector<16xi32> to vector<32xbf16>
          %max3A_461 = arith.maximumf %bitcast3A_460, %mul3A_263 : vector<32xbf16>
          %bitcast3A_462 = vector.bitcast %max3A_461 : vector<32xbf16> to vector<16xi32>
          %ne3A_463 = arith.cmpi ne, %bitcast3A_462, %gather3A_459 : vector<16xi32>
          %gather3A_464 = tpu.vector_load_idx %arg8[%shift_right_logical3A_237] : memref<50048xi32, #tpu.memory_space<vmem>>[vector<16xi32>], vector<16xi32>,
          %bitcast3A_465 = vector.bitcast %gather3A_464 : vector<16xi32> to vector<32xbf16>
          %max3A_466 = arith.maximumf %bitcast3A_465, %mul3A_267 : vector<32xbf16>
          %bitcast3A_467 = vector.bitcast %max3A_466 : vector<32xbf16> to vector<16xi32>
          %ne3A_468 = arith.cmpi ne, %bitcast3A_467, %gather3A_464 : vector<16xi32>
          %or3A_469 = arith.ori %ne3A_463, %ne3A_468 : vector<16xi1>
          %gather3A_470 = tpu.vector_load_idx %arg8[%shift_right_logical3A_240] : memref<50048xi32, #tpu.memory_space<vmem>>[vector<16xi32>], vector<16xi32>,
          %bitcast3A_471 = vector.bitcast %gather3A_470 : vector<16xi32> to vector<32xbf16>
          %max3A_472 = arith.maximumf %bitcast3A_471, %mul3A_271 : vector<32xbf16>
          %bitcast3A_473 = vector.bitcast %max3A_472 : vector<32xbf16> to vector<16xi32>
          %ne3A_474 = arith.cmpi ne, %bitcast3A_473, %gather3A_470 : vector<16xi32>
          %or3A_475 = arith.ori %or3A_469, %ne3A_474 : vector<16xi1>
          %gather3A_476 = tpu.vector_load_idx %arg8[%shift_right_logical3A_243] : memref<50048xi32, #tpu.memory_space<vmem>>[vector<16xi32>], vector<16xi32>,
          %bitcast3A_477 = vector.bitcast %gather3A_476 : vector<16xi32> to vector<32xbf16>
          %max3A_478 = arith.maximumf %bitcast3A_477, %mul3A_275 : vector<32xbf16>
          %bitcast3A_479 = vector.bitcast %max3A_478 : vector<32xbf16> to vector<16xi32>
          %ne3A_480 = arith.cmpi ne, %bitcast3A_479, %gather3A_476 : vector<16xi32>
          %or3A_481 = arith.ori %or3A_475, %ne3A_480 : vector<16xi1>
          %gather3A_482 = tpu.vector_load_idx %arg8[%shift_right_logical3A_246] : memref<50048xi32, #tpu.memory_space<vmem>>[vector<16xi32>], vector<16xi32>,
          %bitcast3A_483 = vector.bitcast %gather3A_482 : vector<16xi32> to vector<32xbf16>
          %max3A_484 = arith.maximumf %bitcast3A_483, %mul3A_279 : vector<32xbf16>
          %bitcast3A_485 = vector.bitcast %max3A_484 : vector<32xbf16> to vector<16xi32>
          %ne3A_486 = arith.cmpi ne, %bitcast3A_485, %gather3A_482 : vector<16xi32>
          %or3A_487 = arith.ori %or3A_481, %ne3A_486 : vector<16xi1>
          %gather3A_488 = tpu.vector_load_idx %arg8[%shift_right_logical3A_249] : memref<50048xi32, #tpu.memory_space<vmem>>[vector<16xi32>], vector<16xi32>,
          %bitcast3A_489 = vector.bitcast %gather3A_488 : vector<16xi32> to vector<32xbf16>
          %max3A_490 = arith.maximumf %bitcast3A_489, %mul3A_283 : vector<32xbf16>
          %bitcast3A_491 = vector.bitcast %max3A_490 : vector<32xbf16> to vector<16xi32>
          %ne3A_492 = arith.cmpi ne, %bitcast3A_491, %gather3A_488 : vector<16xi32>
          %or3A_493 = arith.ori %or3A_487, %ne3A_492 : vector<16xi1>
          %gather3A_494 = tpu.vector_load_idx %arg8[%shift_right_logical3A_252] : memref<50048xi32, #tpu.memory_space<vmem>>[vector<16xi32>], vector<16xi32>,
          %bitcast3A_495 = vector.bitcast %gather3A_494 : vector<16xi32> to vector<32xbf16>
          %max3A_496 = arith.maximumf %bitcast3A_495, %mul3A_287 : vector<32xbf16>
          %bitcast3A_497 = vector.bitcast %max3A_496 : vector<32xbf16> to vector<16xi32>
          %ne3A_498 = arith.cmpi ne, %bitcast3A_497, %gather3A_494 : vector<16xi32>
          %or3A_499 = arith.ori %or3A_493, %ne3A_498 : vector<16xi1>
          %gather3A_500 = tpu.vector_load_idx %arg8[%shift_right_logical3A_255] : memref<50048xi32, #tpu.memory_space<vmem>>[vector<16xi32>], vector<16xi32>,
          %bitcast3A_501 = vector.bitcast %gather3A_500 : vector<16xi32> to vector<32xbf16>
          %max3A_502 = arith.maximumf %bitcast3A_501, %mul3A_291 : vector<32xbf16>
          %bitcast3A_503 = vector.bitcast %max3A_502 : vector<32xbf16> to vector<16xi32>
          %ne3A_504 = arith.cmpi ne, %bitcast3A_503, %gather3A_500 : vector<16xi32>
          %or3A_505 = arith.ori %or3A_499, %ne3A_504 : vector<16xi1>
          %gather3A_506 = tpu.vector_load_idx %arg8[%shift_right_logical3A_258] : memref<50048xi32, #tpu.memory_space<vmem>>[vector<16xi32>], vector<16xi32>,
          %bitcast3A_507 = vector.bitcast %gather3A_506 : vector<16xi32> to vector<32xbf16>
          %max3A_508 = arith.maximumf %bitcast3A_507, %mul3A_295 : vector<32xbf16>
          %bitcast3A_509 = vector.bitcast %max3A_508 : vector<32xbf16> to vector<16xi32>
          %ne3A_510 = arith.cmpi ne, %bitcast3A_509, %gather3A_506 : vector<16xi32>
          %or3A_511 = arith.ori %or3A_505, %ne3A_510 : vector<16xi1>
          %gather3A_512 = tpu.vector_load_idx %arg8[%shift_right_logical3A_261] : memref<50048xi32, #tpu.memory_space<vmem>>[vector<16xi32>], vector<16xi32>,
          %bitcast3A_513 = vector.bitcast %gather3A_512 : vector<16xi32> to vector<32xbf16>
          %max3A_514 = arith.maximumf %bitcast3A_513, %mul3A_299 : vector<32xbf16>
          %bitcast3A_515 = vector.bitcast %max3A_514 : vector<32xbf16> to vector<16xi32>
          %ne3A_516 = arith.cmpi ne, %bitcast3A_515, %gather3A_512 : vector<16xi32>
          %or3A_517 = arith.ori %or3A_511, %ne3A_516 : vector<16xi1>
          %jit3A_518 = arith.constant 1 : i32
          %jit3A_519 = arith.constant 0 : i32
          %broadcast_in_dim3A_520 = vector.broadcast %jit3A_518 : i32 to vector<16xi32>
          %broadcast_in_dim3A_521 = vector.broadcast %jit3A_519 : i32 to vector<16xi32>
          %select_n3A_522 = arith.select %or3A_517, %broadcast_in_dim3A_520, %broadcast_in_dim3A_521 : vector<16xi1>, vector<16xi32>
          %reduce_max3A_523 = arith.constant true
          %reduce_max3A_524 = vector.broadcast %reduce_max3A_523 : i1 to vector<16xi1>
          %reduce_max3A_525 = arith.constant -2147483648 : i32
          %reduce_max3A_526 = vector.broadcast %reduce_max3A_525 : i32 to vector<16xi32>
          %reduce_max3A_527 = arith.xori %select_n3A_522, %reduce_max3A_526 : vector<16xi32>
          %reduce_max3A_528 = tpu.scan <max>, %reduce_max3A_527 masked %reduce_max3A_524 : vector<16xi32>, vector<16xi1> -> vector<16xi32>
          %reduce_max3A_529 = arith.xori %reduce_max3A_528, %reduce_max3A_526 : vector<16xi32>
          %reduce_max3A_530 = vector.extract %reduce_max3A_529[15] : i32 from vector<16xi32>
          scf.yield %reduce_max3A_530 : i32
        }
      }
      %scan3A_119 = arith.constant 20 : i32
      %scan3A_120 = arith.constant 0 : i32
      scf.yield %scan3A_120 : i32
    }
    %scan3A_38 = arith.constant 125 : i32
    %eq3A = arith.constant 1 : i32
    %eq3A_39 = arith.cmpi eq, %select_n3A, %eq3A : i32
    %convert_element_type3A = arith.extui %eq3A_39 : i1 to i32
    %cond3A = arith.constant 0 : i32
    %cond3A_40 = arith.cmpi ne, %convert_element_type3A, %cond3A : i32
    scf.if %cond3A_40 {
      "tpu.region"() ({
        %run_scoped3A = tpu.sem_alloc : memref<!tpu.dma_semaphore, #tpu.memory_space<semaphore_mem>>
        %dma_start3A_72 = arith.constant 0 : i32
        %dma_start3A_73 = tpu.memref_slice %arg6[%add3A, %dma_start3A_72] : memref<16x50048xi32, #tpu.memory_space<hbm>> -> memref<1x50048xi32, #tpu.memory_space<hbm>>
        %dma_start3A_74 = tpu.memref_squeeze %dma_start3A_73 : memref<1x50048xi32, #tpu.memory_space<hbm>> -> memref<50048xi32, #tpu.memory_space<hbm>>
        %dma_start3A_75 = arith.constant 0 : i32
        %dma_start3A_76 = tpu.memref_slice %arg6[%add3A, %dma_start3A_75] : memref<16x50048xi32, #tpu.memory_space<hbm>> -> memref<1x50048xi32, #tpu.memory_space<hbm>>
        %dma_start3A_77 = tpu.memref_squeeze %dma_start3A_76 : memref<1x50048xi32, #tpu.memory_space<hbm>> -> memref<50048xi32, #tpu.memory_space<hbm>>
        tpu.enqueue_dma source(%arg8 : memref<50048xi32, #tpu.memory_space<vmem>>) target(%dma_start3A_77 : memref<50048xi32, #tpu.memory_space<hbm>>) target_semaphore(%run_scoped3A : memref<!tpu.dma_semaphore, #tpu.memory_space<semaphore_mem>>)
        %dma_wait3A = arith.constant 0 : i32
        %dma_wait3A_78 = tpu.memref_slice %arg6[%add3A, %dma_wait3A] : memref<16x50048xi32, #tpu.memory_space<hbm>> -> memref<1x50048xi32, #tpu.memory_space<hbm>>
        %dma_wait3A_79 = tpu.memref_squeeze %dma_wait3A_78 : memref<1x50048xi32, #tpu.memory_space<hbm>> -> memref<50048xi32, #tpu.memory_space<hbm>>
        %dma_wait3A_80 = arith.constant 0 : i32
        %dma_wait3A_81 = tpu.memref_slice %arg6[%add3A, %dma_wait3A_80] : memref<16x50048xi32, #tpu.memory_space<hbm>> -> memref<1x50048xi32, #tpu.memory_space<hbm>>
        %dma_wait3A_82 = tpu.memref_squeeze %dma_wait3A_81 : memref<1x50048xi32, #tpu.memory_space<hbm>> -> memref<50048xi32, #tpu.memory_space<hbm>>
        tpu.wait_dma2 semaphore(%run_scoped3A : memref<!tpu.dma_semaphore, #tpu.memory_space<semaphore_mem>>) src(%arg8 : memref<50048xi32, #tpu.memory_space<vmem>>) dst(%dma_wait3A_82 : memref<50048xi32, #tpu.memory_space<hbm>>)
        tpu.yield
      }) : () -> ()
    } else {
    }
    %barrier3A = arith.constant 0 : index
    tpu.barrier barrier_id(%barrier3A)
    "tpu.region"() ({
      %run_scoped3A = tpu.sem_alloc : memref<!tpu.dma_semaphore, #tpu.memory_space<semaphore_mem>>
      %dma_start3A_72 = arith.constant 0 : i32
      %dma_start3A_73 = tpu.memref_slice %arg6[%add3A, %dma_start3A_72] : memref<16x50048xi32, #tpu.memory_space<hbm>> -> memref<1x50048xi32, #tpu.memory_space<hbm>>
      %dma_start3A_74 = tpu.memref_squeeze %dma_start3A_73 : memref<1x50048xi32, #tpu.memory_space<hbm>> -> memref<50048xi32, #tpu.memory_space<hbm>>
      %dma_start3A_75 = arith.constant 0 : i32
      %dma_start3A_76 = tpu.memref_slice %arg6[%add3A, %dma_start3A_75] : memref<16x50048xi32, #tpu.memory_space<hbm>> -> memref<1x50048xi32, #tpu.memory_space<hbm>>
      %dma_start3A_77 = tpu.memref_squeeze %dma_start3A_76 : memref<1x50048xi32, #tpu.memory_space<hbm>> -> memref<50048xi32, #tpu.memory_space<hbm>>
      tpu.enqueue_dma source(%dma_start3A_77 : memref<50048xi32, #tpu.memory_space<hbm>>) target(%arg7 : memref<50048xi32, #tpu.memory_space<vmem>>) target_semaphore(%run_scoped3A : memref<!tpu.dma_semaphore, #tpu.memory_space<semaphore_mem>>)
      %dma_wait3A = arith.constant 0 : i32
      %dma_wait3A_78 = tpu.memref_slice %arg6[%add3A, %dma_wait3A] : memref<16x50048xi32, #tpu.memory_space<hbm>> -> memref<1x50048xi32, #tpu.memory_space<hbm>>
      %dma_wait3A_79 = tpu.memref_squeeze %dma_wait3A_78 : memref<1x50048xi32, #tpu.memory_space<hbm>> -> memref<50048xi32, #tpu.memory_space<hbm>>
      %dma_wait3A_80 = arith.constant 0 : i32
      %dma_wait3A_81 = tpu.memref_slice %arg6[%add3A, %dma_wait3A_80] : memref<16x50048xi32, #tpu.memory_space<hbm>> -> memref<1x50048xi32, #tpu.memory_space<hbm>>
      %dma_wait3A_82 = tpu.memref_squeeze %dma_wait3A_81 : memref<1x50048xi32, #tpu.memory_space<hbm>> -> memref<50048xi32, #tpu.memory_space<hbm>>
      tpu.wait_dma2 semaphore(%run_scoped3A : memref<!tpu.dma_semaphore, #tpu.memory_space<semaphore_mem>>) src(%dma_wait3A_82 : memref<50048xi32, #tpu.memory_space<hbm>>) dst(%arg7 : memref<50048xi32, #tpu.memory_space<vmem>>)
      tpu.yield
    }) : () -> ()
    %scan3A_41 = arith.constant 0 : i32
    %scan3A_42 = arith.constant 0 : i32
    %scan3A_43 = arith.constant 391 : i32
    %scan3A_44 = arith.addi %scan3A_42, %scan3A_43 : i32
    %scan3A_45 = arith.constant 1 : i32
    %scan3A_46 = scf.for %scan3A_72 = %scan3A_42 to %scan3A_44 step %scan3A_45 iter_args(%scan3A_73 = %scan3A_41) -> (i32)  : i32 {
      %mul3A_74 = arith.constant 8 : i32
      %mul3A_75 = arith.muli %scan3A_72, %mul3A_74 : i32
      %mul3A_76 = arith.constant 16 : i32
      %mul3A_77 = arith.muli %mul3A_75, %mul3A_76 : i32
      %add3A_78 = arith.constant 0 : i32
      %add3A_79 = arith.addi %mul3A_77, %add3A_78 : i32
      %mul3A_80 = arith.constant 8 : i32
      %mul3A_81 = arith.muli %scan3A_72, %mul3A_80 : i32
      %mul3A_82 = arith.constant 16 : i32
      %mul3A_83 = arith.muli %mul3A_81, %mul3A_82 : i32
      %add3A_84 = arith.constant 16 : i32
      %add3A_85 = arith.addi %mul3A_83, %add3A_84 : i32
      %mul3A_86 = arith.constant 8 : i32
      %mul3A_87 = arith.muli %scan3A_72, %mul3A_86 : i32
      %mul3A_88 = arith.constant 16 : i32
      %mul3A_89 = arith.muli %mul3A_87, %mul3A_88 : i32
      %add3A_90 = arith.constant 32 : i32
      %add3A_91 = arith.addi %mul3A_89, %add3A_90 : i32
      %mul3A_92 = arith.constant 8 : i32
      %mul3A_93 = arith.muli %scan3A_72, %mul3A_92 : i32
      %mul3A_94 = arith.constant 16 : i32
      %mul3A_95 = arith.muli %mul3A_93, %mul3A_94 : i32
      %add3A_96 = arith.constant 48 : i32
      %add3A_97 = arith.addi %mul3A_95, %add3A_96 : i32
      %mul3A_98 = arith.constant 8 : i32
      %mul3A_99 = arith.muli %scan3A_72, %mul3A_98 : i32
      %mul3A_100 = arith.constant 16 : i32
      %mul3A_101 = arith.muli %mul3A_99, %mul3A_100 : i32
      %add3A_102 = arith.constant 64 : i32
      %add3A_103 = arith.addi %mul3A_101, %add3A_102 : i32
      %mul3A_104 = arith.constant 8 : i32
      %mul3A_105 = arith.muli %scan3A_72, %mul3A_104 : i32
      %mul3A_106 = arith.constant 16 : i32
      %mul3A_107 = arith.muli %mul3A_105, %mul3A_106 : i32
      %add3A_108 = arith.constant 80 : i32
      %add3A_109 = arith.addi %mul3A_107, %add3A_108 : i32
      %mul3A_110 = arith.constant 8 : i32
      %mul3A_111 = arith.muli %scan3A_72, %mul3A_110 : i32
      %mul3A_112 = arith.constant 16 : i32
      %mul3A_113 = arith.muli %mul3A_111, %mul3A_112 : i32
      %add3A_114 = arith.constant 96 : i32
      %add3A_115 = arith.addi %mul3A_113, %add3A_114 : i32
      %mul3A_116 = arith.constant 8 : i32
      %mul3A_117 = arith.muli %scan3A_72, %mul3A_116 : i32
      %mul3A_118 = arith.constant 16 : i32
      %mul3A_119 = arith.muli %mul3A_117, %mul3A_118 : i32
      %add3A_120 = arith.constant 112 : i32
      %add3A_121 = arith.addi %mul3A_119, %add3A_120 : i32
      %get3A = arith.index_cast %add3A_79 : i32 to index
      %get3A_122 = tpu.vector_load %arg8[%get3A] {strides = array<i32>} : memref<50048xi32, #tpu.memory_space<vmem>>, vector<16xi32>,
      %get3A_123 = arith.index_cast %add3A_85 : i32 to index
      %get3A_124 = tpu.vector_load %arg8[%get3A_123] {strides = array<i32>} : memref<50048xi32, #tpu.memory_space<vmem>>, vector<16xi32>,
      %get3A_125 = arith.index_cast %add3A_91 : i32 to index
      %get3A_126 = tpu.vector_load %arg8[%get3A_125] {strides = array<i32>} : memref<50048xi32, #tpu.memory_space<vmem>>, vector<16xi32>,
      %get3A_127 = arith.index_cast %add3A_97 : i32 to index
      %get3A_128 = tpu.vector_load %arg8[%get3A_127] {strides = array<i32>} : memref<50048xi32, #tpu.memory_space<vmem>>, vector<16xi32>,
      %get3A_129 = arith.index_cast %add3A_103 : i32 to index
      %get3A_130 = tpu.vector_load %arg8[%get3A_129] {strides = array<i32>} : memref<50048xi32, #tpu.memory_space<vmem>>, vector<16xi32>,
      %get3A_131 = arith.index_cast %add3A_109 : i32 to index
      %get3A_132 = tpu.vector_load %arg8[%get3A_131] {strides = array<i32>} : memref<50048xi32, #tpu.memory_space<vmem>>, vector<16xi32>,
      %get3A_133 = arith.index_cast %add3A_115 : i32 to index
      %get3A_134 = tpu.vector_load %arg8[%get3A_133] {strides = array<i32>} : memref<50048xi32, #tpu.memory_space<vmem>>, vector<16xi32>,
      %get3A_135 = arith.index_cast %add3A_121 : i32 to index
      %get3A_136 = tpu.vector_load %arg8[%get3A_135] {strides = array<i32>} : memref<50048xi32, #tpu.memory_space<vmem>>, vector<16xi32>,
      %get3A_137 = arith.index_cast %add3A_79 : i32 to index
      %get3A_138 = tpu.vector_load %arg7[%get3A_137] {strides = array<i32>} : memref<50048xi32, #tpu.memory_space<vmem>>, vector<16xi32>,
      %get3A_139 = arith.index_cast %add3A_85 : i32 to index
      %get3A_140 = tpu.vector_load %arg7[%get3A_139] {strides = array<i32>} : memref<50048xi32, #tpu.memory_space<vmem>>, vector<16xi32>,
      %get3A_141 = arith.index_cast %add3A_91 : i32 to index
      %get3A_142 = tpu.vector_load %arg7[%get3A_141] {strides = array<i32>} : memref<50048xi32, #tpu.memory_space<vmem>>, vector<16xi32>,
      %get3A_143 = arith.index_cast %add3A_97 : i32 to index
      %get3A_144 = tpu.vector_load %arg7[%get3A_143] {strides = array<i32>} : memref<50048xi32, #tpu.memory_space<vmem>>, vector<16xi32>,
      %get3A_145 = arith.index_cast %add3A_103 : i32 to index
      %get3A_146 = tpu.vector_load %arg7[%get3A_145] {strides = array<i32>} : memref<50048xi32, #tpu.memory_space<vmem>>, vector<16xi32>,
      %get3A_147 = arith.index_cast %add3A_109 : i32 to index
      %get3A_148 = tpu.vector_load %arg7[%get3A_147] {strides = array<i32>} : memref<50048xi32, #tpu.memory_space<vmem>>, vector<16xi32>,
      %get3A_149 = arith.index_cast %add3A_115 : i32 to index
      %get3A_150 = tpu.vector_load %arg7[%get3A_149] {strides = array<i32>} : memref<50048xi32, #tpu.memory_space<vmem>>, vector<16xi32>,
      %get3A_151 = arith.index_cast %add3A_121 : i32 to index
      %get3A_152 = tpu.vector_load %arg7[%get3A_151] {strides = array<i32>} : memref<50048xi32, #tpu.memory_space<vmem>>, vector<16xi32>,
      %bitcast3A = vector.bitcast %get3A_122 : vector<16xi32> to vector<32xbf16>
      %bitcast3A_153 = vector.bitcast %get3A_138 : vector<16xi32> to vector<32xbf16>
      %max3A = arith.maximumf %bitcast3A, %bitcast3A_153 : vector<32xbf16>
      %bitcast3A_154 = vector.bitcast %max3A : vector<32xbf16> to vector<16xi32>
      %swap3A = arith.index_cast %add3A_79 : i32 to index
      %swap3A_155 = tpu.vector_load %arg8[%swap3A] {strides = array<i32>} : memref<50048xi32, #tpu.memory_space<vmem>>, vector<16xi32>,
      tpu.vector_store %arg8[%swap3A], %bitcast3A_154 {strides = array<i32>} : memref<50048xi32, #tpu.memory_space<vmem>>, vector<16xi32>,
      %bitcast3A_156 = vector.bitcast %get3A_124 : vector<16xi32> to vector<32xbf16>
      %bitcast3A_157 = vector.bitcast %get3A_140 : vector<16xi32> to vector<32xbf16>
      %max3A_158 = arith.maximumf %bitcast3A_156, %bitcast3A_157 : vector<32xbf16>
      %bitcast3A_159 = vector.bitcast %max3A_158 : vector<32xbf16> to vector<16xi32>
      %swap3A_160 = arith.index_cast %add3A_85 : i32 to index
      %swap3A_161 = tpu.vector_load %arg8[%swap3A_160] {strides = array<i32>} : memref<50048xi32, #tpu.memory_space<vmem>>, vector<16xi32>,
      tpu.vector_store %arg8[%swap3A_160], %bitcast3A_159 {strides = array<i32>} : memref<50048xi32, #tpu.memory_space<vmem>>, vector<16xi32>,
      %bitcast3A_162 = vector.bitcast %get3A_126 : vector<16xi32> to vector<32xbf16>
      %bitcast3A_163 = vector.bitcast %get3A_142 : vector<16xi32> to vector<32xbf16>
      %max3A_164 = arith.maximumf %bitcast3A_162, %bitcast3A_163 : vector<32xbf16>
      %bitcast3A_165 = vector.bitcast %max3A_164 : vector<32xbf16> to vector<16xi32>
      %swap3A_166 = arith.index_cast %add3A_91 : i32 to index
      %swap3A_167 = tpu.vector_load %arg8[%swap3A_166] {strides = array<i32>} : memref<50048xi32, #tpu.memory_space<vmem>>, vector<16xi32>,
      tpu.vector_store %arg8[%swap3A_166], %bitcast3A_165 {strides = array<i32>} : memref<50048xi32, #tpu.memory_space<vmem>>, vector<16xi32>,
      %bitcast3A_168 = vector.bitcast %get3A_128 : vector<16xi32> to vector<32xbf16>
      %bitcast3A_169 = vector.bitcast %get3A_144 : vector<16xi32> to vector<32xbf16>
      %max3A_170 = arith.maximumf %bitcast3A_168, %bitcast3A_169 : vector<32xbf16>
      %bitcast3A_171 = vector.bitcast %max3A_170 : vector<32xbf16> to vector<16xi32>
      %swap3A_172 = arith.index_cast %add3A_97 : i32 to index
      %swap3A_173 = tpu.vector_load %arg8[%swap3A_172] {strides = array<i32>} : memref<50048xi32, #tpu.memory_space<vmem>>, vector<16xi32>,
      tpu.vector_store %arg8[%swap3A_172], %bitcast3A_171 {strides = array<i32>} : memref<50048xi32, #tpu.memory_space<vmem>>, vector<16xi32>,
      %bitcast3A_174 = vector.bitcast %get3A_130 : vector<16xi32> to vector<32xbf16>
      %bitcast3A_175 = vector.bitcast %get3A_146 : vector<16xi32> to vector<32xbf16>
      %max3A_176 = arith.maximumf %bitcast3A_174, %bitcast3A_175 : vector<32xbf16>
      %bitcast3A_177 = vector.bitcast %max3A_176 : vector<32xbf16> to vector<16xi32>
      %swap3A_178 = arith.index_cast %add3A_103 : i32 to index
      %swap3A_179 = tpu.vector_load %arg8[%swap3A_178] {strides = array<i32>} : memref<50048xi32, #tpu.memory_space<vmem>>, vector<16xi32>,
      tpu.vector_store %arg8[%swap3A_178], %bitcast3A_177 {strides = array<i32>} : memref<50048xi32, #tpu.memory_space<vmem>>, vector<16xi32>,
      %bitcast3A_180 = vector.bitcast %get3A_132 : vector<16xi32> to vector<32xbf16>
      %bitcast3A_181 = vector.bitcast %get3A_148 : vector<16xi32> to vector<32xbf16>
      %max3A_182 = arith.maximumf %bitcast3A_180, %bitcast3A_181 : vector<32xbf16>
      %bitcast3A_183 = vector.bitcast %max3A_182 : vector<32xbf16> to vector<16xi32>
      %swap3A_184 = arith.index_cast %add3A_109 : i32 to index
      %swap3A_185 = tpu.vector_load %arg8[%swap3A_184] {strides = array<i32>} : memref<50048xi32, #tpu.memory_space<vmem>>, vector<16xi32>,
      tpu.vector_store %arg8[%swap3A_184], %bitcast3A_183 {strides = array<i32>} : memref<50048xi32, #tpu.memory_space<vmem>>, vector<16xi32>,
      %bitcast3A_186 = vector.bitcast %get3A_134 : vector<16xi32> to vector<32xbf16>
      %bitcast3A_187 = vector.bitcast %get3A_150 : vector<16xi32> to vector<32xbf16>
      %max3A_188 = arith.maximumf %bitcast3A_186, %bitcast3A_187 : vector<32xbf16>
      %bitcast3A_189 = vector.bitcast %max3A_188 : vector<32xbf16> to vector<16xi32>
      %swap3A_190 = arith.index_cast %add3A_115 : i32 to index
      %swap3A_191 = tpu.vector_load %arg8[%swap3A_190] {strides = array<i32>} : memref<50048xi32, #tpu.memory_space<vmem>>, vector<16xi32>,
      tpu.vector_store %arg8[%swap3A_190], %bitcast3A_189 {strides = array<i32>} : memref<50048xi32, #tpu.memory_space<vmem>>, vector<16xi32>,
      %bitcast3A_192 = vector.bitcast %get3A_136 : vector<16xi32> to vector<32xbf16>
      %bitcast3A_193 = vector.bitcast %get3A_152 : vector<16xi32> to vector<32xbf16>
      %max3A_194 = arith.maximumf %bitcast3A_192, %bitcast3A_193 : vector<32xbf16>
      %bitcast3A_195 = vector.bitcast %max3A_194 : vector<32xbf16> to vector<16xi32>
      %swap3A_196 = arith.index_cast %add3A_121 : i32 to index
      %swap3A_197 = tpu.vector_load %arg8[%swap3A_196] {strides = array<i32>} : memref<50048xi32, #tpu.memory_space<vmem>>, vector<16xi32>,
      tpu.vector_store %arg8[%swap3A_196], %bitcast3A_195 {strides = array<i32>} : memref<50048xi32, #tpu.memory_space<vmem>>, vector<16xi32>,
      %scan3A_198 = arith.constant 0 : i32
      scf.yield %scan3A_198 : i32
    }
    %scan3A_47 = arith.constant 391 : i32
    %scan3A_48 = arith.constant 0 : i32
    %scan3A_49 = arith.constant 0 : i32
    %scan3A_50 = arith.constant 391 : i32
    %scan3A_51 = arith.addi %scan3A_49, %scan3A_50 : i32
    %scan3A_52 = arith.constant 1 : i32
    %scan3A_53 = scf.for %scan3A_72 = %scan3A_49 to %scan3A_51 step %scan3A_52 iter_args(%scan3A_73 = %scan3A_48) -> (i32)  : i32 {
      %mul3A_74 = arith.constant 8 : i32
      %mul3A_75 = arith.muli %scan3A_72, %mul3A_74 : i32
      %mul3A_76 = arith.constant 16 : i32
      %mul3A_77 = arith.muli %mul3A_75, %mul3A_76 : i32
      %add3A_78 = arith.constant 0 : i32
      %add3A_79 = arith.addi %mul3A_77, %add3A_78 : i32
      %mul3A_80 = arith.constant 8 : i32
      %mul3A_81 = arith.muli %scan3A_72, %mul3A_80 : i32
      %mul3A_82 = arith.constant 16 : i32
      %mul3A_83 = arith.muli %mul3A_81, %mul3A_82 : i32
      %add3A_84 = arith.constant 16 : i32
      %add3A_85 = arith.addi %mul3A_83, %add3A_84 : i32
      %mul3A_86 = arith.constant 8 : i32
      %mul3A_87 = arith.muli %scan3A_72, %mul3A_86 : i32
      %mul3A_88 = arith.constant 16 : i32
      %mul3A_89 = arith.muli %mul3A_87, %mul3A_88 : i32
      %add3A_90 = arith.constant 32 : i32
      %add3A_91 = arith.addi %mul3A_89, %add3A_90 : i32
      %mul3A_92 = arith.constant 8 : i32
      %mul3A_93 = arith.muli %scan3A_72, %mul3A_92 : i32
      %mul3A_94 = arith.constant 16 : i32
      %mul3A_95 = arith.muli %mul3A_93, %mul3A_94 : i32
      %add3A_96 = arith.constant 48 : i32
      %add3A_97 = arith.addi %mul3A_95, %add3A_96 : i32
      %mul3A_98 = arith.constant 8 : i32
      %mul3A_99 = arith.muli %scan3A_72, %mul3A_98 : i32
      %mul3A_100 = arith.constant 16 : i32
      %mul3A_101 = arith.muli %mul3A_99, %mul3A_100 : i32
      %add3A_102 = arith.constant 64 : i32
      %add3A_103 = arith.addi %mul3A_101, %add3A_102 : i32
      %mul3A_104 = arith.constant 8 : i32
      %mul3A_105 = arith.muli %scan3A_72, %mul3A_104 : i32
      %mul3A_106 = arith.constant 16 : i32
      %mul3A_107 = arith.muli %mul3A_105, %mul3A_106 : i32
      %add3A_108 = arith.constant 80 : i32
      %add3A_109 = arith.addi %mul3A_107, %add3A_108 : i32
      %mul3A_110 = arith.constant 8 : i32
      %mul3A_111 = arith.muli %scan3A_72, %mul3A_110 : i32
      %mul3A_112 = arith.constant 16 : i32
      %mul3A_113 = arith.muli %mul3A_111, %mul3A_112 : i32
      %add3A_114 = arith.constant 96 : i32
      %add3A_115 = arith.addi %mul3A_113, %add3A_114 : i32
      %mul3A_116 = arith.constant 8 : i32
      %mul3A_117 = arith.muli %scan3A_72, %mul3A_116 : i32
      %mul3A_118 = arith.constant 16 : i32
      %mul3A_119 = arith.muli %mul3A_117, %mul3A_118 : i32
      %add3A_120 = arith.constant 112 : i32
      %add3A_121 = arith.addi %mul3A_119, %add3A_120 : i32
      %get3A = arith.index_cast %add3A_79 : i32 to index
      %get3A_122 = tpu.vector_load %arg8[%get3A] {strides = array<i32>} : memref<50048xi32, #tpu.memory_space<vmem>>, vector<16xi32>,
      %get3A_123 = arith.index_cast %add3A_85 : i32 to index
      %get3A_124 = tpu.vector_load %arg8[%get3A_123] {strides = array<i32>} : memref<50048xi32, #tpu.memory_space<vmem>>, vector<16xi32>,
      %get3A_125 = arith.index_cast %add3A_91 : i32 to index
      %get3A_126 = tpu.vector_load %arg8[%get3A_125] {strides = array<i32>} : memref<50048xi32, #tpu.memory_space<vmem>>, vector<16xi32>,
      %get3A_127 = arith.index_cast %add3A_97 : i32 to index
      %get3A_128 = tpu.vector_load %arg8[%get3A_127] {strides = array<i32>} : memref<50048xi32, #tpu.memory_space<vmem>>, vector<16xi32>,
      %get3A_129 = arith.index_cast %add3A_103 : i32 to index
      %get3A_130 = tpu.vector_load %arg8[%get3A_129] {strides = array<i32>} : memref<50048xi32, #tpu.memory_space<vmem>>, vector<16xi32>,
      %get3A_131 = arith.index_cast %add3A_109 : i32 to index
      %get3A_132 = tpu.vector_load %arg8[%get3A_131] {strides = array<i32>} : memref<50048xi32, #tpu.memory_space<vmem>>, vector<16xi32>,
      %get3A_133 = arith.index_cast %add3A_115 : i32 to index
      %get3A_134 = tpu.vector_load %arg8[%get3A_133] {strides = array<i32>} : memref<50048xi32, #tpu.memory_space<vmem>>, vector<16xi32>,
      %get3A_135 = arith.index_cast %add3A_121 : i32 to index
      %get3A_136 = tpu.vector_load %arg8[%get3A_135] {strides = array<i32>} : memref<50048xi32, #tpu.memory_space<vmem>>, vector<16xi32>,
      %shift_left3A = arith.constant 16 : i32
      %shift_left3A_137 = vector.broadcast %shift_left3A : i32 to vector<16xi32>
      %shift_left3A_138 = arith.shli %get3A_122, %shift_left3A_137 : vector<16xi32>
      %bitcast_convert_type3A = tpu.bitcast %shift_left3A_138 : vector<16xi32> -> vector<16xf32>
      %eq3A_139 = arith.constant 0xFF800000 : f32
      %eq3A_140 = vector.broadcast %eq3A_139 : f32 to vector<16xf32>
      %eq3A_141 = arith.cmpf oeq, %bitcast_convert_type3A, %eq3A_140 : vector<16xf32>
      %jit3A_142 = arith.constant 0.000000e+00 : f32
      %broadcast_in_dim3A = vector.broadcast %jit3A_142 : f32 to vector<16xf32>
      %select_n3A_143 = arith.select %eq3A_141, %broadcast_in_dim3A, %bitcast_convert_type3A : vector<16xi1>, vector<16xf32>
      %bitcast_convert_type3A_144 = tpu.bitcast %select_n3A_143 : vector<16xf32> -> vector<16xi32>
      %swap3A = arith.index_cast %add3A_79 : i32 to index
      %swap3A_145 = tpu.vector_load %arg7[%swap3A] {strides = array<i32>} : memref<50048xi32, #tpu.memory_space<vmem>>, vector<16xi32>,
      tpu.vector_store %arg7[%swap3A], %bitcast_convert_type3A_144 {strides = array<i32>} : memref<50048xi32, #tpu.memory_space<vmem>>, vector<16xi32>,
      %shift_left3A_146 = arith.constant 16 : i32
      %shift_left3A_147 = vector.broadcast %shift_left3A_146 : i32 to vector<16xi32>
      %shift_left3A_148 = arith.shli %get3A_124, %shift_left3A_147 : vector<16xi32>
      %bitcast_convert_type3A_149 = tpu.bitcast %shift_left3A_148 : vector<16xi32> -> vector<16xf32>
      %eq3A_150 = arith.constant 0xFF800000 : f32
      %eq3A_151 = vector.broadcast %eq3A_150 : f32 to vector<16xf32>
      %eq3A_152 = arith.cmpf oeq, %bitcast_convert_type3A_149, %eq3A_151 : vector<16xf32>
      %jit3A_153 = arith.constant 0.000000e+00 : f32
      %broadcast_in_dim3A_154 = vector.broadcast %jit3A_153 : f32 to vector<16xf32>
      %select_n3A_155 = arith.select %eq3A_152, %broadcast_in_dim3A_154, %bitcast_convert_type3A_149 : vector<16xi1>, vector<16xf32>
      %bitcast_convert_type3A_156 = tpu.bitcast %select_n3A_155 : vector<16xf32> -> vector<16xi32>
      %swap3A_157 = arith.index_cast %add3A_85 : i32 to index
      %swap3A_158 = tpu.vector_load %arg7[%swap3A_157] {strides = array<i32>} : memref<50048xi32, #tpu.memory_space<vmem>>, vector<16xi32>,
      tpu.vector_store %arg7[%swap3A_157], %bitcast_convert_type3A_156 {strides = array<i32>} : memref<50048xi32, #tpu.memory_space<vmem>>, vector<16xi32>,
      %shift_left3A_159 = arith.constant 16 : i32
      %shift_left3A_160 = vector.broadcast %shift_left3A_159 : i32 to vector<16xi32>
      %shift_left3A_161 = arith.shli %get3A_126, %shift_left3A_160 : vector<16xi32>
      %bitcast_convert_type3A_162 = tpu.bitcast %shift_left3A_161 : vector<16xi32> -> vector<16xf32>
      %eq3A_163 = arith.constant 0xFF800000 : f32
      %eq3A_164 = vector.broadcast %eq3A_163 : f32 to vector<16xf32>
      %eq3A_165 = arith.cmpf oeq, %bitcast_convert_type3A_162, %eq3A_164 : vector<16xf32>
      %jit3A_166 = arith.constant 0.000000e+00 : f32
      %broadcast_in_dim3A_167 = vector.broadcast %jit3A_166 : f32 to vector<16xf32>
      %select_n3A_168 = arith.select %eq3A_165, %broadcast_in_dim3A_167, %bitcast_convert_type3A_162 : vector<16xi1>, vector<16xf32>
      %bitcast_convert_type3A_169 = tpu.bitcast %select_n3A_168 : vector<16xf32> -> vector<16xi32>
      %swap3A_170 = arith.index_cast %add3A_91 : i32 to index
      %swap3A_171 = tpu.vector_load %arg7[%swap3A_170] {strides = array<i32>} : memref<50048xi32, #tpu.memory_space<vmem>>, vector<16xi32>,
      tpu.vector_store %arg7[%swap3A_170], %bitcast_convert_type3A_169 {strides = array<i32>} : memref<50048xi32, #tpu.memory_space<vmem>>, vector<16xi32>,
      %shift_left3A_172 = arith.constant 16 : i32
      %shift_left3A_173 = vector.broadcast %shift_left3A_172 : i32 to vector<16xi32>
      %shift_left3A_174 = arith.shli %get3A_128, %shift_left3A_173 : vector<16xi32>
      %bitcast_convert_type3A_175 = tpu.bitcast %shift_left3A_174 : vector<16xi32> -> vector<16xf32>
      %eq3A_176 = arith.constant 0xFF800000 : f32
      %eq3A_177 = vector.broadcast %eq3A_176 : f32 to vector<16xf32>
      %eq3A_178 = arith.cmpf oeq, %bitcast_convert_type3A_175, %eq3A_177 : vector<16xf32>
      %jit3A_179 = arith.constant 0.000000e+00 : f32
      %broadcast_in_dim3A_180 = vector.broadcast %jit3A_179 : f32 to vector<16xf32>
      %select_n3A_181 = arith.select %eq3A_178, %broadcast_in_dim3A_180, %bitcast_convert_type3A_175 : vector<16xi1>, vector<16xf32>
      %bitcast_convert_type3A_182 = tpu.bitcast %select_n3A_181 : vector<16xf32> -> vector<16xi32>
      %swap3A_183 = arith.index_cast %add3A_97 : i32 to index
      %swap3A_184 = tpu.vector_load %arg7[%swap3A_183] {strides = array<i32>} : memref<50048xi32, #tpu.memory_space<vmem>>, vector<16xi32>,
      tpu.vector_store %arg7[%swap3A_183], %bitcast_convert_type3A_182 {strides = array<i32>} : memref<50048xi32, #tpu.memory_space<vmem>>, vector<16xi32>,
      %shift_left3A_185 = arith.constant 16 : i32
      %shift_left3A_186 = vector.broadcast %shift_left3A_185 : i32 to vector<16xi32>
      %shift_left3A_187 = arith.shli %get3A_130, %shift_left3A_186 : vector<16xi32>
      %bitcast_convert_type3A_188 = tpu.bitcast %shift_left3A_187 : vector<16xi32> -> vector<16xf32>
      %eq3A_189 = arith.constant 0xFF800000 : f32
      %eq3A_190 = vector.broadcast %eq3A_189 : f32 to vector<16xf32>
      %eq3A_191 = arith.cmpf oeq, %bitcast_convert_type3A_188, %eq3A_190 : vector<16xf32>
      %jit3A_192 = arith.constant 0.000000e+00 : f32
      %broadcast_in_dim3A_193 = vector.broadcast %jit3A_192 : f32 to vector<16xf32>
      %select_n3A_194 = arith.select %eq3A_191, %broadcast_in_dim3A_193, %bitcast_convert_type3A_188 : vector<16xi1>, vector<16xf32>
      %bitcast_convert_type3A_195 = tpu.bitcast %select_n3A_194 : vector<16xf32> -> vector<16xi32>
      %swap3A_196 = arith.index_cast %add3A_103 : i32 to index
      %swap3A_197 = tpu.vector_load %arg7[%swap3A_196] {strides = array<i32>} : memref<50048xi32, #tpu.memory_space<vmem>>, vector<16xi32>,
      tpu.vector_store %arg7[%swap3A_196], %bitcast_convert_type3A_195 {strides = array<i32>} : memref<50048xi32, #tpu.memory_space<vmem>>, vector<16xi32>,
      %shift_left3A_198 = arith.constant 16 : i32
      %shift_left3A_199 = vector.broadcast %shift_left3A_198 : i32 to vector<16xi32>
      %shift_left3A_200 = arith.shli %get3A_132, %shift_left3A_199 : vector<16xi32>
      %bitcast_convert_type3A_201 = tpu.bitcast %shift_left3A_200 : vector<16xi32> -> vector<16xf32>
      %eq3A_202 = arith.constant 0xFF800000 : f32
      %eq3A_203 = vector.broadcast %eq3A_202 : f32 to vector<16xf32>
      %eq3A_204 = arith.cmpf oeq, %bitcast_convert_type3A_201, %eq3A_203 : vector<16xf32>
      %jit3A_205 = arith.constant 0.000000e+00 : f32
      %broadcast_in_dim3A_206 = vector.broadcast %jit3A_205 : f32 to vector<16xf32>
      %select_n3A_207 = arith.select %eq3A_204, %broadcast_in_dim3A_206, %bitcast_convert_type3A_201 : vector<16xi1>, vector<16xf32>
      %bitcast_convert_type3A_208 = tpu.bitcast %select_n3A_207 : vector<16xf32> -> vector<16xi32>
      %swap3A_209 = arith.index_cast %add3A_109 : i32 to index
      %swap3A_210 = tpu.vector_load %arg7[%swap3A_209] {strides = array<i32>} : memref<50048xi32, #tpu.memory_space<vmem>>, vector<16xi32>,
      tpu.vector_store %arg7[%swap3A_209], %bitcast_convert_type3A_208 {strides = array<i32>} : memref<50048xi32, #tpu.memory_space<vmem>>, vector<16xi32>,
      %shift_left3A_211 = arith.constant 16 : i32
      %shift_left3A_212 = vector.broadcast %shift_left3A_211 : i32 to vector<16xi32>
      %shift_left3A_213 = arith.shli %get3A_134, %shift_left3A_212 : vector<16xi32>
      %bitcast_convert_type3A_214 = tpu.bitcast %shift_left3A_213 : vector<16xi32> -> vector<16xf32>
      %eq3A_215 = arith.constant 0xFF800000 : f32
      %eq3A_216 = vector.broadcast %eq3A_215 : f32 to vector<16xf32>
      %eq3A_217 = arith.cmpf oeq, %bitcast_convert_type3A_214, %eq3A_216 : vector<16xf32>
      %jit3A_218 = arith.constant 0.000000e+00 : f32
      %broadcast_in_dim3A_219 = vector.broadcast %jit3A_218 : f32 to vector<16xf32>
      %select_n3A_220 = arith.select %eq3A_217, %broadcast_in_dim3A_219, %bitcast_convert_type3A_214 : vector<16xi1>, vector<16xf32>
      %bitcast_convert_type3A_221 = tpu.bitcast %select_n3A_220 : vector<16xf32> -> vector<16xi32>
      %swap3A_222 = arith.index_cast %add3A_115 : i32 to index
      %swap3A_223 = tpu.vector_load %arg7[%swap3A_222] {strides = array<i32>} : memref<50048xi32, #tpu.memory_space<vmem>>, vector<16xi32>,
      tpu.vector_store %arg7[%swap3A_222], %bitcast_convert_type3A_221 {strides = array<i32>} : memref<50048xi32, #tpu.memory_space<vmem>>, vector<16xi32>,
      %shift_left3A_224 = arith.constant 16 : i32
      %shift_left3A_225 = vector.broadcast %shift_left3A_224 : i32 to vector<16xi32>
      %shift_left3A_226 = arith.shli %get3A_136, %shift_left3A_225 : vector<16xi32>
      %bitcast_convert_type3A_227 = tpu.bitcast %shift_left3A_226 : vector<16xi32> -> vector<16xf32>
      %eq3A_228 = arith.constant 0xFF800000 : f32
      %eq3A_229 = vector.broadcast %eq3A_228 : f32 to vector<16xf32>
      %eq3A_230 = arith.cmpf oeq, %bitcast_convert_type3A_227, %eq3A_229 : vector<16xf32>
      %jit3A_231 = arith.constant 0.000000e+00 : f32
      %broadcast_in_dim3A_232 = vector.broadcast %jit3A_231 : f32 to vector<16xf32>
      %select_n3A_233 = arith.select %eq3A_230, %broadcast_in_dim3A_232, %bitcast_convert_type3A_227 : vector<16xi1>, vector<16xf32>
      %bitcast_convert_type3A_234 = tpu.bitcast %select_n3A_233 : vector<16xf32> -> vector<16xi32>
      %swap3A_235 = arith.index_cast %add3A_121 : i32 to index
      %swap3A_236 = tpu.vector_load %arg7[%swap3A_235] {strides = array<i32>} : memref<50048xi32, #tpu.memory_space<vmem>>, vector<16xi32>,
      tpu.vector_store %arg7[%swap3A_235], %bitcast_convert_type3A_234 {strides = array<i32>} : memref<50048xi32, #tpu.memory_space<vmem>>, vector<16xi32>,
      %scan3A_237 = arith.constant 0 : i32
      scf.yield %scan3A_237 : i32
    }
    %scan3A_54 = arith.constant 391 : i32
    %eq3A_55 = arith.constant 0 : i32
    %eq3A_56 = arith.cmpi eq, %select_n3A, %eq3A_55 : i32
    %convert_element_type3A_57 = arith.extui %eq3A_56 : i1 to i32
    %cond3A_58 = arith.constant 0 : i32
    %cond3A_59 = arith.cmpi ne, %convert_element_type3A_57, %cond3A_58 : i32
    scf.if %cond3A_59 {
      %mul3A_72 = arith.constant 2 : i32
      %mul3A_73 = arith.muli %mul3A_72, %add3A : i32
      %add3A_74 = arith.constant 0 : i32
      %add3A_75 = arith.addi %mul3A_73, %add3A_74 : i32
      "tpu.region"() ({
        %run_scoped3A = tpu.sem_alloc : memref<!tpu.dma_semaphore, #tpu.memory_space<semaphore_mem>>
        %dma_start3A_76 = arith.constant 0 : i32
        %dma_start3A_77 = tpu.memref_slice %arg5[%add3A_75, %dma_start3A_76] : memref<32x50048xi32, #tpu.memory_space<hbm>> -> memref<1x50048xi32, #tpu.memory_space<hbm>>
        %dma_start3A_78 = tpu.memref_squeeze %dma_start3A_77 : memref<1x50048xi32, #tpu.memory_space<hbm>> -> memref<50048xi32, #tpu.memory_space<hbm>>
        %dma_start3A_79 = arith.constant 0 : i32
        %dma_start3A_80 = tpu.memref_slice %arg5[%add3A_75, %dma_start3A_79] : memref<32x50048xi32, #tpu.memory_space<hbm>> -> memref<1x50048xi32, #tpu.memory_space<hbm>>
        %dma_start3A_81 = tpu.memref_squeeze %dma_start3A_80 : memref<1x50048xi32, #tpu.memory_space<hbm>> -> memref<50048xi32, #tpu.memory_space<hbm>>
        tpu.enqueue_dma source(%arg7 : memref<50048xi32, #tpu.memory_space<vmem>>) target(%dma_start3A_81 : memref<50048xi32, #tpu.memory_space<hbm>>) target_semaphore(%run_scoped3A : memref<!tpu.dma_semaphore, #tpu.memory_space<semaphore_mem>>)
        %dma_wait3A = arith.constant 0 : i32
        %dma_wait3A_82 = tpu.memref_slice %arg5[%add3A_75, %dma_wait3A] : memref<32x50048xi32, #tpu.memory_space<hbm>> -> memref<1x50048xi32, #tpu.memory_space<hbm>>
        %dma_wait3A_83 = tpu.memref_squeeze %dma_wait3A_82 : memref<1x50048xi32, #tpu.memory_space<hbm>> -> memref<50048xi32, #tpu.memory_space<hbm>>
        %dma_wait3A_84 = arith.constant 0 : i32
        %dma_wait3A_85 = tpu.memref_slice %arg5[%add3A_75, %dma_wait3A_84] : memref<32x50048xi32, #tpu.memory_space<hbm>> -> memref<1x50048xi32, #tpu.memory_space<hbm>>
        %dma_wait3A_86 = tpu.memref_squeeze %dma_wait3A_85 : memref<1x50048xi32, #tpu.memory_space<hbm>> -> memref<50048xi32, #tpu.memory_space<hbm>>
        tpu.wait_dma2 semaphore(%run_scoped3A : memref<!tpu.dma_semaphore, #tpu.memory_space<semaphore_mem>>) src(%arg7 : memref<50048xi32, #tpu.memory_space<vmem>>) dst(%dma_wait3A_86 : memref<50048xi32, #tpu.memory_space<hbm>>)
        tpu.yield
      }) : () -> ()
    } else {
    }
    %scan3A_60 = arith.constant 0 : i32
    %scan3A_61 = arith.constant 0 : i32
    %scan3A_62 = arith.constant 391 : i32
    %scan3A_63 = arith.addi %scan3A_61, %scan3A_62 : i32
    %scan3A_64 = arith.constant 1 : i32
    %scan3A_65 = scf.for %scan3A_72 = %scan3A_61 to %scan3A_63 step %scan3A_64 iter_args(%scan3A_73 = %scan3A_60) -> (i32)  : i32 {
      %mul3A_74 = arith.constant 8 : i32
      %mul3A_75 = arith.muli %scan3A_72, %mul3A_74 : i32
      %mul3A_76 = arith.constant 16 : i32
      %mul3A_77 = arith.muli %mul3A_75, %mul3A_76 : i32
      %add3A_78 = arith.constant 0 : i32
      %add3A_79 = arith.addi %mul3A_77, %add3A_78 : i32
      %mul3A_80 = arith.constant 8 : i32
      %mul3A_81 = arith.muli %scan3A_72, %mul3A_80 : i32
      %mul3A_82 = arith.constant 16 : i32
      %mul3A_83 = arith.muli %mul3A_81, %mul3A_82 : i32
      %add3A_84 = arith.constant 16 : i32
      %add3A_85 = arith.addi %mul3A_83, %add3A_84 : i32
      %mul3A_86 = arith.constant 8 : i32
      %mul3A_87 = arith.muli %scan3A_72, %mul3A_86 : i32
      %mul3A_88 = arith.constant 16 : i32
      %mul3A_89 = arith.muli %mul3A_87, %mul3A_88 : i32
      %add3A_90 = arith.constant 32 : i32
      %add3A_91 = arith.addi %mul3A_89, %add3A_90 : i32
      %mul3A_92 = arith.constant 8 : i32
      %mul3A_93 = arith.muli %scan3A_72, %mul3A_92 : i32
      %mul3A_94 = arith.constant 16 : i32
      %mul3A_95 = arith.muli %mul3A_93, %mul3A_94 : i32
      %add3A_96 = arith.constant 48 : i32
      %add3A_97 = arith.addi %mul3A_95, %add3A_96 : i32
      %mul3A_98 = arith.constant 8 : i32
      %mul3A_99 = arith.muli %scan3A_72, %mul3A_98 : i32
      %mul3A_100 = arith.constant 16 : i32
      %mul3A_101 = arith.muli %mul3A_99, %mul3A_100 : i32
      %add3A_102 = arith.constant 64 : i32
      %add3A_103 = arith.addi %mul3A_101, %add3A_102 : i32
      %mul3A_104 = arith.constant 8 : i32
      %mul3A_105 = arith.muli %scan3A_72, %mul3A_104 : i32
      %mul3A_106 = arith.constant 16 : i32
      %mul3A_107 = arith.muli %mul3A_105, %mul3A_106 : i32
      %add3A_108 = arith.constant 80 : i32
      %add3A_109 = arith.addi %mul3A_107, %add3A_108 : i32
      %mul3A_110 = arith.constant 8 : i32
      %mul3A_111 = arith.muli %scan3A_72, %mul3A_110 : i32
      %mul3A_112 = arith.constant 16 : i32
      %mul3A_113 = arith.muli %mul3A_111, %mul3A_112 : i32
      %add3A_114 = arith.constant 96 : i32
      %add3A_115 = arith.addi %mul3A_113, %add3A_114 : i32
      %mul3A_116 = arith.constant 8 : i32
      %mul3A_117 = arith.muli %scan3A_72, %mul3A_116 : i32
      %mul3A_118 = arith.constant 16 : i32
      %mul3A_119 = arith.muli %mul3A_117, %mul3A_118 : i32
      %add3A_120 = arith.constant 112 : i32
      %add3A_121 = arith.addi %mul3A_119, %add3A_120 : i32
      %get3A = arith.index_cast %add3A_79 : i32 to index
      %get3A_122 = tpu.vector_load %arg8[%get3A] {strides = array<i32>} : memref<50048xi32, #tpu.memory_space<vmem>>, vector<16xi32>,
      %get3A_123 = arith.index_cast %add3A_85 : i32 to index
      %get3A_124 = tpu.vector_load %arg8[%get3A_123] {strides = array<i32>} : memref<50048xi32, #tpu.memory_space<vmem>>, vector<16xi32>,
      %get3A_125 = arith.index_cast %add3A_91 : i32 to index
      %get3A_126 = tpu.vector_load %arg8[%get3A_125] {strides = array<i32>} : memref<50048xi32, #tpu.memory_space<vmem>>, vector<16xi32>,
      %get3A_127 = arith.index_cast %add3A_97 : i32 to index
      %get3A_128 = tpu.vector_load %arg8[%get3A_127] {strides = array<i32>} : memref<50048xi32, #tpu.memory_space<vmem>>, vector<16xi32>,
      %get3A_129 = arith.index_cast %add3A_103 : i32 to index
      %get3A_130 = tpu.vector_load %arg8[%get3A_129] {strides = array<i32>} : memref<50048xi32, #tpu.memory_space<vmem>>, vector<16xi32>,
      %get3A_131 = arith.index_cast %add3A_109 : i32 to index
      %get3A_132 = tpu.vector_load %arg8[%get3A_131] {strides = array<i32>} : memref<50048xi32, #tpu.memory_space<vmem>>, vector<16xi32>,
      %get3A_133 = arith.index_cast %add3A_115 : i32 to index
      %get3A_134 = tpu.vector_load %arg8[%get3A_133] {strides = array<i32>} : memref<50048xi32, #tpu.memory_space<vmem>>, vector<16xi32>,
      %get3A_135 = arith.index_cast %add3A_121 : i32 to index
      %get3A_136 = tpu.vector_load %arg8[%get3A_135] {strides = array<i32>} : memref<50048xi32, #tpu.memory_space<vmem>>, vector<16xi32>,
      %and3A_137 = arith.constant -65536 : i32
      %and3A_138 = vector.broadcast %and3A_137 : i32 to vector<16xi32>
      %and3A_139 = arith.andi %get3A_122, %and3A_138 : vector<16xi32>
      %bitcast_convert_type3A = tpu.bitcast %and3A_139 : vector<16xi32> -> vector<16xf32>
      %eq3A_140 = arith.constant 0xFF800000 : f32
      %eq3A_141 = vector.broadcast %eq3A_140 : f32 to vector<16xf32>
      %eq3A_142 = arith.cmpf oeq, %bitcast_convert_type3A, %eq3A_141 : vector<16xf32>
      %jit3A_143 = arith.constant 0.000000e+00 : f32
      %broadcast_in_dim3A = vector.broadcast %jit3A_143 : f32 to vector<16xf32>
      %select_n3A_144 = arith.select %eq3A_142, %broadcast_in_dim3A, %bitcast_convert_type3A : vector<16xi1>, vector<16xf32>
      %bitcast_convert_type3A_145 = tpu.bitcast %select_n3A_144 : vector<16xf32> -> vector<16xi32>
      %swap3A = arith.index_cast %add3A_79 : i32 to index
      %swap3A_146 = tpu.vector_load %arg7[%swap3A] {strides = array<i32>} : memref<50048xi32, #tpu.memory_space<vmem>>, vector<16xi32>,
      tpu.vector_store %arg7[%swap3A], %bitcast_convert_type3A_145 {strides = array<i32>} : memref<50048xi32, #tpu.memory_space<vmem>>, vector<16xi32>,
      %and3A_147 = arith.constant -65536 : i32
      %and3A_148 = vector.broadcast %and3A_147 : i32 to vector<16xi32>
      %and3A_149 = arith.andi %get3A_124, %and3A_148 : vector<16xi32>
      %bitcast_convert_type3A_150 = tpu.bitcast %and3A_149 : vector<16xi32> -> vector<16xf32>
      %eq3A_151 = arith.constant 0xFF800000 : f32
      %eq3A_152 = vector.broadcast %eq3A_151 : f32 to vector<16xf32>
      %eq3A_153 = arith.cmpf oeq, %bitcast_convert_type3A_150, %eq3A_152 : vector<16xf32>
      %jit3A_154 = arith.constant 0.000000e+00 : f32
      %broadcast_in_dim3A_155 = vector.broadcast %jit3A_154 : f32 to vector<16xf32>
      %select_n3A_156 = arith.select %eq3A_153, %broadcast_in_dim3A_155, %bitcast_convert_type3A_150 : vector<16xi1>, vector<16xf32>
      %bitcast_convert_type3A_157 = tpu.bitcast %select_n3A_156 : vector<16xf32> -> vector<16xi32>
      %swap3A_158 = arith.index_cast %add3A_85 : i32 to index
      %swap3A_159 = tpu.vector_load %arg7[%swap3A_158] {strides = array<i32>} : memref<50048xi32, #tpu.memory_space<vmem>>, vector<16xi32>,
      tpu.vector_store %arg7[%swap3A_158], %bitcast_convert_type3A_157 {strides = array<i32>} : memref<50048xi32, #tpu.memory_space<vmem>>, vector<16xi32>,
      %and3A_160 = arith.constant -65536 : i32
      %and3A_161 = vector.broadcast %and3A_160 : i32 to vector<16xi32>
      %and3A_162 = arith.andi %get3A_126, %and3A_161 : vector<16xi32>
      %bitcast_convert_type3A_163 = tpu.bitcast %and3A_162 : vector<16xi32> -> vector<16xf32>
      %eq3A_164 = arith.constant 0xFF800000 : f32
      %eq3A_165 = vector.broadcast %eq3A_164 : f32 to vector<16xf32>
      %eq3A_166 = arith.cmpf oeq, %bitcast_convert_type3A_163, %eq3A_165 : vector<16xf32>
      %jit3A_167 = arith.constant 0.000000e+00 : f32
      %broadcast_in_dim3A_168 = vector.broadcast %jit3A_167 : f32 to vector<16xf32>
      %select_n3A_169 = arith.select %eq3A_166, %broadcast_in_dim3A_168, %bitcast_convert_type3A_163 : vector<16xi1>, vector<16xf32>
      %bitcast_convert_type3A_170 = tpu.bitcast %select_n3A_169 : vector<16xf32> -> vector<16xi32>
      %swap3A_171 = arith.index_cast %add3A_91 : i32 to index
      %swap3A_172 = tpu.vector_load %arg7[%swap3A_171] {strides = array<i32>} : memref<50048xi32, #tpu.memory_space<vmem>>, vector<16xi32>,
      tpu.vector_store %arg7[%swap3A_171], %bitcast_convert_type3A_170 {strides = array<i32>} : memref<50048xi32, #tpu.memory_space<vmem>>, vector<16xi32>,
      %and3A_173 = arith.constant -65536 : i32
      %and3A_174 = vector.broadcast %and3A_173 : i32 to vector<16xi32>
      %and3A_175 = arith.andi %get3A_128, %and3A_174 : vector<16xi32>
      %bitcast_convert_type3A_176 = tpu.bitcast %and3A_175 : vector<16xi32> -> vector<16xf32>
      %eq3A_177 = arith.constant 0xFF800000 : f32
      %eq3A_178 = vector.broadcast %eq3A_177 : f32 to vector<16xf32>
      %eq3A_179 = arith.cmpf oeq, %bitcast_convert_type3A_176, %eq3A_178 : vector<16xf32>
      %jit3A_180 = arith.constant 0.000000e+00 : f32
      %broadcast_in_dim3A_181 = vector.broadcast %jit3A_180 : f32 to vector<16xf32>
      %select_n3A_182 = arith.select %eq3A_179, %broadcast_in_dim3A_181, %bitcast_convert_type3A_176 : vector<16xi1>, vector<16xf32>
      %bitcast_convert_type3A_183 = tpu.bitcast %select_n3A_182 : vector<16xf32> -> vector<16xi32>
      %swap3A_184 = arith.index_cast %add3A_97 : i32 to index
      %swap3A_185 = tpu.vector_load %arg7[%swap3A_184] {strides = array<i32>} : memref<50048xi32, #tpu.memory_space<vmem>>, vector<16xi32>,
      tpu.vector_store %arg7[%swap3A_184], %bitcast_convert_type3A_183 {strides = array<i32>} : memref<50048xi32, #tpu.memory_space<vmem>>, vector<16xi32>,
      %and3A_186 = arith.constant -65536 : i32
      %and3A_187 = vector.broadcast %and3A_186 : i32 to vector<16xi32>
      %and3A_188 = arith.andi %get3A_130, %and3A_187 : vector<16xi32>
      %bitcast_convert_type3A_189 = tpu.bitcast %and3A_188 : vector<16xi32> -> vector<16xf32>
      %eq3A_190 = arith.constant 0xFF800000 : f32
      %eq3A_191 = vector.broadcast %eq3A_190 : f32 to vector<16xf32>
      %eq3A_192 = arith.cmpf oeq, %bitcast_convert_type3A_189, %eq3A_191 : vector<16xf32>
      %jit3A_193 = arith.constant 0.000000e+00 : f32
      %broadcast_in_dim3A_194 = vector.broadcast %jit3A_193 : f32 to vector<16xf32>
      %select_n3A_195 = arith.select %eq3A_192, %broadcast_in_dim3A_194, %bitcast_convert_type3A_189 : vector<16xi1>, vector<16xf32>
      %bitcast_convert_type3A_196 = tpu.bitcast %select_n3A_195 : vector<16xf32> -> vector<16xi32>
      %swap3A_197 = arith.index_cast %add3A_103 : i32 to index
      %swap3A_198 = tpu.vector_load %arg7[%swap3A_197] {strides = array<i32>} : memref<50048xi32, #tpu.memory_space<vmem>>, vector<16xi32>,
      tpu.vector_store %arg7[%swap3A_197], %bitcast_convert_type3A_196 {strides = array<i32>} : memref<50048xi32, #tpu.memory_space<vmem>>, vector<16xi32>,
      %and3A_199 = arith.constant -65536 : i32
      %and3A_200 = vector.broadcast %and3A_199 : i32 to vector<16xi32>
      %and3A_201 = arith.andi %get3A_132, %and3A_200 : vector<16xi32>
      %bitcast_convert_type3A_202 = tpu.bitcast %and3A_201 : vector<16xi32> -> vector<16xf32>
      %eq3A_203 = arith.constant 0xFF800000 : f32
      %eq3A_204 = vector.broadcast %eq3A_203 : f32 to vector<16xf32>
      %eq3A_205 = arith.cmpf oeq, %bitcast_convert_type3A_202, %eq3A_204 : vector<16xf32>
      %jit3A_206 = arith.constant 0.000000e+00 : f32
      %broadcast_in_dim3A_207 = vector.broadcast %jit3A_206 : f32 to vector<16xf32>
      %select_n3A_208 = arith.select %eq3A_205, %broadcast_in_dim3A_207, %bitcast_convert_type3A_202 : vector<16xi1>, vector<16xf32>
      %bitcast_convert_type3A_209 = tpu.bitcast %select_n3A_208 : vector<16xf32> -> vector<16xi32>
      %swap3A_210 = arith.index_cast %add3A_109 : i32 to index
      %swap3A_211 = tpu.vector_load %arg7[%swap3A_210] {strides = array<i32>} : memref<50048xi32, #tpu.memory_space<vmem>>, vector<16xi32>,
      tpu.vector_store %arg7[%swap3A_210], %bitcast_convert_type3A_209 {strides = array<i32>} : memref<50048xi32, #tpu.memory_space<vmem>>, vector<16xi32>,
      %and3A_212 = arith.constant -65536 : i32
      %and3A_213 = vector.broadcast %and3A_212 : i32 to vector<16xi32>
      %and3A_214 = arith.andi %get3A_134, %and3A_213 : vector<16xi32>
      %bitcast_convert_type3A_215 = tpu.bitcast %and3A_214 : vector<16xi32> -> vector<16xf32>
      %eq3A_216 = arith.constant 0xFF800000 : f32
      %eq3A_217 = vector.broadcast %eq3A_216 : f32 to vector<16xf32>
      %eq3A_218 = arith.cmpf oeq, %bitcast_convert_type3A_215, %eq3A_217 : vector<16xf32>
      %jit3A_219 = arith.constant 0.000000e+00 : f32
      %broadcast_in_dim3A_220 = vector.broadcast %jit3A_219 : f32 to vector<16xf32>
      %select_n3A_221 = arith.select %eq3A_218, %broadcast_in_dim3A_220, %bitcast_convert_type3A_215 : vector<16xi1>, vector<16xf32>
      %bitcast_convert_type3A_222 = tpu.bitcast %select_n3A_221 : vector<16xf32> -> vector<16xi32>
      %swap3A_223 = arith.index_cast %add3A_115 : i32 to index
      %swap3A_224 = tpu.vector_load %arg7[%swap3A_223] {strides = array<i32>} : memref<50048xi32, #tpu.memory_space<vmem>>, vector<16xi32>,
      tpu.vector_store %arg7[%swap3A_223], %bitcast_convert_type3A_222 {strides = array<i32>} : memref<50048xi32, #tpu.memory_space<vmem>>, vector<16xi32>,
      %and3A_225 = arith.constant -65536 : i32
      %and3A_226 = vector.broadcast %and3A_225 : i32 to vector<16xi32>
      %and3A_227 = arith.andi %get3A_136, %and3A_226 : vector<16xi32>
      %bitcast_convert_type3A_228 = tpu.bitcast %and3A_227 : vector<16xi32> -> vector<16xf32>
      %eq3A_229 = arith.constant 0xFF800000 : f32
      %eq3A_230 = vector.broadcast %eq3A_229 : f32 to vector<16xf32>
      %eq3A_231 = arith.cmpf oeq, %bitcast_convert_type3A_228, %eq3A_230 : vector<16xf32>
      %jit3A_232 = arith.constant 0.000000e+00 : f32
      %broadcast_in_dim3A_233 = vector.broadcast %jit3A_232 : f32 to vector<16xf32>
      %select_n3A_234 = arith.select %eq3A_231, %broadcast_in_dim3A_233, %bitcast_convert_type3A_228 : vector<16xi1>, vector<16xf32>
      %bitcast_convert_type3A_235 = tpu.bitcast %select_n3A_234 : vector<16xf32> -> vector<16xi32>
      %swap3A_236 = arith.index_cast %add3A_121 : i32 to index
      %swap3A_237 = tpu.vector_load %arg7[%swap3A_236] {strides = array<i32>} : memref<50048xi32, #tpu.memory_space<vmem>>, vector<16xi32>,
      tpu.vector_store %arg7[%swap3A_236], %bitcast_convert_type3A_235 {strides = array<i32>} : memref<50048xi32, #tpu.memory_space<vmem>>, vector<16xi32>,
      %scan3A_238 = arith.constant 0 : i32
      scf.yield %scan3A_238 : i32
    }
    %scan3A_66 = arith.constant 391 : i32
    %eq3A_67 = arith.constant 0 : i32
    %eq3A_68 = arith.cmpi eq, %select_n3A, %eq3A_67 : i32
    %convert_element_type3A_69 = arith.extui %eq3A_68 : i1 to i32
    %cond3A_70 = arith.constant 0 : i32
    %cond3A_71 = arith.cmpi ne, %convert_element_type3A_69, %cond3A_70 : i32
    scf.if %cond3A_71 {
      %mul3A_72 = arith.constant 2 : i32
      %mul3A_73 = arith.muli %mul3A_72, %add3A : i32
      %add3A_74 = arith.constant 1 : i32
      %add3A_75 = arith.addi %mul3A_73, %add3A_74 : i32
      "tpu.region"() ({
        %run_scoped3A = tpu.sem_alloc : memref<!tpu.dma_semaphore, #tpu.memory_space<semaphore_mem>>
        %dma_start3A_76 = arith.constant 0 : i32
        %dma_start3A_77 = tpu.memref_slice %arg5[%add3A_75, %dma_start3A_76] : memref<32x50048xi32, #tpu.memory_space<hbm>> -> memref<1x50048xi32, #tpu.memory_space<hbm>>
        %dma_start3A_78 = tpu.memref_squeeze %dma_start3A_77 : memref<1x50048xi32, #tpu.memory_space<hbm>> -> memref<50048xi32, #tpu.memory_space<hbm>>
        %dma_start3A_79 = arith.constant 0 : i32
        %dma_start3A_80 = tpu.memref_slice %arg5[%add3A_75, %dma_start3A_79] : memref<32x50048xi32, #tpu.memory_space<hbm>> -> memref<1x50048xi32, #tpu.memory_space<hbm>>
        %dma_start3A_81 = tpu.memref_squeeze %dma_start3A_80 : memref<1x50048xi32, #tpu.memory_space<hbm>> -> memref<50048xi32, #tpu.memory_space<hbm>>
        tpu.enqueue_dma source(%arg7 : memref<50048xi32, #tpu.memory_space<vmem>>) target(%dma_start3A_81 : memref<50048xi32, #tpu.memory_space<hbm>>) target_semaphore(%run_scoped3A : memref<!tpu.dma_semaphore, #tpu.memory_space<semaphore_mem>>)
        %dma_wait3A = arith.constant 0 : i32
        %dma_wait3A_82 = tpu.memref_slice %arg5[%add3A_75, %dma_wait3A] : memref<32x50048xi32, #tpu.memory_space<hbm>> -> memref<1x50048xi32, #tpu.memory_space<hbm>>
        %dma_wait3A_83 = tpu.memref_squeeze %dma_wait3A_82 : memref<1x50048xi32, #tpu.memory_space<hbm>> -> memref<50048xi32, #tpu.memory_space<hbm>>
        %dma_wait3A_84 = arith.constant 0 : i32
        %dma_wait3A_85 = tpu.memref_slice %arg5[%add3A_75, %dma_wait3A_84] : memref<32x50048xi32, #tpu.memory_space<hbm>> -> memref<1x50048xi32, #tpu.memory_space<hbm>>
        %dma_wait3A_86 = tpu.memref_squeeze %dma_wait3A_85 : memref<1x50048xi32, #tpu.memory_space<hbm>> -> memref<50048xi32, #tpu.memory_space<hbm>>
        tpu.wait_dma2 semaphore(%run_scoped3A : memref<!tpu.dma_semaphore, #tpu.memory_space<semaphore_mem>>) src(%arg7 : memref<50048xi32, #tpu.memory_space<vmem>>) dst(%dma_wait3A_86 : memref<50048xi32, #tpu.memory_space<hbm>>)
        tpu.yield
      }) : () -> ()
    } else {
    }
    return
  }
}

</mosaic_0001>

<sc_bundles>
// kernel: kernel.3.cloned.1.call-start
scs
__scs_entry_jumppad:
0x0: {  	(pc) =	sbr.rel $0x88, $3  }
0x1: {  	(tag) =	ssettag $0x0;
	lr =	simm.s32 $0x1  }
0x2: {  	[smem:$0x3F9E] =	sst lr;
	_ =	strace $0xD0000000  }
0x3: {  	_ = 	snop  }
0x4: {  	_ = 	snop  }
0x5: {  	_ = 	snop  }
0x6: {  	_ = 	snop  }
0x7: {  	_ = 	snop  }
__scs_overlays_trampoline_lowered:
0x8: {  	[smem:$0x3FAD] =	sst s0  }
0x9: {  	[smem:$0x3FAE] =	sst s1  }
0xa: {  	[smem:$0x3FAF] =	sst s2  }
0xb: {  	[smem:$0x3FB0] =	sst s3  }
0xc: {  	[smem:$0x3FB1] =	sst s4  }
0xd: {  	[smem:$0x3FB2] =	sst s5  }
0xe: {  	[smem:$0x3FB3] =	sst s6  }
0xf: {  	[smem:$0x3FB4] =	sst s7  }
0x10: {  	[smem:$0x3FB5] =	sst s8  }
0x11: {  	[smem:$0x3FB6] =	sst s9;
	s0 =	simm.s32 @!p0 $0x0  }
0x12: {  	s1 =	sld [smem:$0x3F9C];
	s0 =	simm.s32 @p0 $0x1  }
0x13: {  	[smem:$0x3FB7] =	sst s0;
	s0 =	simm.s32 @!p1 $0x0  }
0x14: {  	s2 =	sld [smem:$0x3F9B];
	s0 =	simm.s32 @p1 $0x1  }
0x15: {  	[smem:$0x3FB8] =	sst s0;
	s0 =	simm.s32 @!p2 $0x0  }
0x16: {  	s3 =	sld [smem:$0x3FDB];
	s0 =	simm.s32 @p2 $0x1  }
0x17: {  	s4 =	simm.s32 $0x1BF5;
	[smem:$0x3FBA] =	sst s0  }
0x18: {  	s0 =	sld [smem:$0x3F9D];
	_ =	swait.ge [sflag:s4], $0x0  }
0x19: {  	s7 =	sld [smem:$0x3F9E]  }
0x1a: {  	s8 =	sadd.s32 $0xFFFFE003, lr  }
0x1b: {  	s9 =	sadd.s32 $0xFFFFFEF7, lr;
	s5 =	simm.s32 $0xFFFFFFFF;
	p2 =	slt.u32 s8, $0xFFFFF086  }
0x1c: {  	p1 =	slt.u32 s9, $0xF7A;
	s5 =	simm.s32 @!p2 $0x0  }
0x1d: {  	s5 =	simm.s32 @p1 $0x1;
	p0 =	seq.s32 s7, s2  }
0x1e: {  	s7 =	smul.u32 @!p0 $0xF7A, s2;
	p2 =	seq.s32 @!p0 s5, $0x0  }
0x1f: {  	s9 =	smul.u32 $0xF7A, s1;
	s8 =	simm.s32 @!p0 $0x1BF5;
	p2 =	por !p2, p0  }
0x20: {  	[sflag:s8] =	ssyncset.s32 @!p0 $0xFFFFF086;
	s6 =	sadd.s32 @!p0 s3, s7;
	s7 =	simm.s32 @!p0 $0x108  }
0x21: {  	s3 =	sadd.s32 s3, s9;
	s6 =	sadd.s32 @!p0 $0x88, s6;
	s7 =	simm.s32 @p2 $0x1082  }
0x22: {  	[simem:s7], [sflag:s8] =	dma.local @!p0 [hbm:s6], $0xF7A  }
0x23: {  	s9 =	sor.u32 $0xD0000000, s2;
	s6 =	simm.s32 $0x108;
	_ =	swait.ge @!p0 [sflag:s8], $0x0  }
0x24: {  	s3 =	sadd.s32 $0x88, s3;
	s6 =	simm.s32 @!p1 $0x1082;
	[sflag:s4] =	ssyncset.s32 $0xFFFFF086  }
0x25: {  	[simem:s6], [sflag:s4] =	dma.local [hbm:s3], $0xF7A  }
0x26: {  	[smem:$0x3F9E] =	sst s1;
	(tag) =	ssettag s2;
	_ =	strace s9  }
0x27: {  	s1 =	sld [smem:$0x3FAE]  }
0x28: {  	s2 =	sld [smem:$0x3FAF]  }
0x29: {  	s4 =	sld [smem:$0x3FB1]  }
0x2a: {  	p0 =	seq.s32 s5, $0x0;
	s5 =	sld [smem:$0x3FB2]  }
0x2b: {  	s6 =	sld [smem:$0x3FB3]  }
0x2c: {  	s7 =	sld [smem:$0x3FB4]  }
0x2d: {  	s3 =	simm.s32 $0x108;
	s8 =	sld [smem:$0x3FB5]  }
0x2e: {  	s3 =	simm.s32 @!p0 $0x1082;
	s9 =	sld [smem:$0x3FB6]  }
0x2f: {  	lr =	sadd.s32 s0, s3;
	s0 =	sld [smem:$0x3FAD]  }
0x30: {  	s3 =	sld [smem:$0x3FB0]  }
0x31: {  	[smem:$0x3FB9] =	sst s10  }
0x32: {  	s10 =	sld [smem:$0x3FB7];
	_ =	sdelay $0x3  }
0x33: {  	p0 =	seq.s32 s10, $0x1;
	s10 =	sld [smem:$0x3FB9];
	_ =	sdelay $0x3  }
0x34: {  	[smem:$0x3FB9] =	sst s10  }
0x35: {  	s10 =	sld [smem:$0x3FB8];
	_ =	sdelay $0x3  }
0x36: {  	p1 =	seq.s32 s10, $0x1;
	s10 =	sld [smem:$0x3FB9];
	_ =	sdelay $0x3  }
0x37: {  	[smem:$0x3FB9] =	sst s10  }
0x38: {  	s10 =	sld [smem:$0x3FBA]  }
0x39: {  	_ = 	snop;
	(pc) =	sbr.ind lr, $3  }
0x3a: {  	_ = 	snop  }
0x3b: {  	_ = 	snop  }
0x3c: {  	p2 =	seq.s32 s10, $0x1;
	s10 =	sld [smem:$0x3FB9]  }
0x3d: {  	_ =	shalt  }
0x3e: {  	_ =	shalt  }
0x3f: {  	_ =	shalt  }
0x40: {  	_ =	shalt  }
0x41: {  	_ =	shalt  }
0x42: {  	_ =	shalt  }
0x43: {  	_ =	shalt  }
0x44: {  	_ =	shalt  }
0x45: {  	_ =	shalt  }
0x46: {  	_ =	shalt  }
0x47: {  	_ =	shalt  }
0x48: {  	_ =	shalt  }
0x49: {  	_ =	shalt  }
0x4a: {  	_ =	shalt  }
0x4b: {  	_ =	shalt  }
0x4c: {  	_ =	shalt  }
0x4d: {  	_ =	shalt  }
0x4e: {  	_ =	shalt  }
0x4f: {  	_ =	shalt  }
0x50: {  	_ =	shalt  }
0x51: {  	_ =	shalt  }
0x52: {  	_ =	shalt  }
0x53: {  	_ =	shalt  }
0x54: {  	_ =	shalt  }
0x55: {  	_ =	shalt  }
0x56: {  	_ =	shalt  }
0x57: {  	_ =	shalt  }
0x58: {  	_ =	shalt  }
0x59: {  	_ =	shalt  }
0x5a: {  	_ =	shalt  }
0x5b: {  	_ =	shalt  }
0x5c: {  	_ =	shalt  }
0x5d: {  	_ =	shalt  }
0x5e: {  	_ =	shalt  }
0x5f: {  	_ =	shalt  }
0x60: {  	_ =	shalt  }
0x61: {  	_ =	shalt  }
0x62: {  	_ =	shalt  }
0x63: {  	_ =	shalt  }
0x64: {  	_ =	shalt  }
0x65: {  	_ =	shalt  }
0x66: {  	_ =	shalt  }
0x67: {  	_ =	shalt  }
0x68: {  	_ =	shalt  }
0x69: {  	_ =	shalt  }
0x6a: {  	_ =	shalt  }
0x6b: {  	_ =	shalt  }
0x6c: {  	_ =	shalt  }
0x6d: {  	_ =	shalt  }
0x6e: {  	_ =	shalt  }
0x6f: {  	_ =	shalt  }
0x70: {  	_ =	shalt  }
0x71: {  	_ =	shalt  }
0x72: {  	_ =	shalt  }
0x73: {  	_ =	shalt  }
0x74: {  	_ =	shalt  }
0x75: {  	_ =	shalt  }
0x76: {  	_ =	shalt  }
0x77: {  	_ =	shalt  }
0x78: {  	_ =	shalt  }
0x79: {  	_ =	shalt  }
0x7a: {  	_ =	shalt  }
0x7b: {  	_ =	shalt  }
0x7c: {  	_ =	shalt  }
0x7d: {  	_ =	shalt  }
0x7e: {  	_ =	shalt  }
0x7f: {  	_ =	shalt  }
0x80: {  	_ =	shalt  }
0x81: {  	_ =	shalt  }
0x82: {  	_ =	shalt  }
0x83: {  	_ =	shalt  }
0x84: {  	_ =	shalt  }
0x85: {  	_ =	shalt  }
0x86: {  	_ =	shalt  }
0x87: {  	_ =	shalt  }
.Lfunc_end0:
.L_simem_size_0:
called_computation_lowered:
.L_overlay_start_0:
0x88: {  	s2 =	sld [smem:$0x3FD9]  }
0x89: {  	s3 =	sld [smem:$0x3FFE];
	_ =	sdelay $0x1  }
0x8a: {  	s1 =	srdreg.scid  }
0x8b: {  	s0 =	sand.u32 $0x1, s1  }
0x8c: {  	s17 =	sshll.u32 s0, $0xA;
	s2 =	sadd.s32 s3, s2  }
0x8d: {  	s2 =	sadd.s32 s2, s17  }
0x8e: {  	[smem:$0x3FC5] =	sst s2  }
0x8f: {  	_ = 	snop  }
0x90: {  	s2 =	sld [smem:$0x3FD0];
	(tm) =	ssettm $0x1  }
0x91: {  	s18 =	sld [smem:$0x3FFB];
	_ =	sdelay $0x3  }
0x92: {  	_ =	strace s18  }
0x93: {  	s3 =	sld [smem:$0x3FFC];
	_ =	sdelay $0x3  }
0x94: {  	_ =	strace s3  }
0x95: {  	s3 =	sld [smem:$0x3FFD];
	_ =	sdelay $0x3  }
0x96: {  	_ =	strace s3  }
0x97: {  	_ =	strace $0x8FFFFFFF  }
0x98: {  	s19 =	sld [smem:$0x3FDB];
	_ =	sdelay $0x1  }
0x99: {  	s4 =	simm.s32 $_scs_section_size  }
0x9a: {  	s5 =	simm.s32 $_size__tile_overlayer_lowered;
	s6 =	simm.s32 $_tile_overlayer_lowered  }
0x9b: {  	s22 =	simm.s32 $0x1BFF;
	s21 =	sshll.u32 s6, $0x1;
	s3 =	sadd.s32 s4, s19  }
0x9c: {  	s7 =	simm.s32 $0x0;
	s20 =	sshll.u32 s5, $0x1;
	s5 =	sadd.s32 s21, s3  }
0x9d: {  	[timem:s7], [sflag:s22] =	dma.local [hbm:s5], s20  }
0x9e: {  	_ =	swait.ge [sflag:s22], s20  }
0x9f: {  	s4 =	ssub.s32 $0x0, s20;
	[sflag:s22] =	ssyncset.done $0x0  }
0xa0: {  	[sflag:s22] =	ssyncadd.s32 s4;
	_ =	sdelay $0x1  }
0xa1: {  	s23 =	simm.s32 $0x1B8B  }
0xa2: {  	_ =	swait.ge [sflag:s23], $0x1  }
0xa3: {  	[sflag:s23] =	ssyncset.done $0x0  }
0xa4: {  	s25 =	simm.s32 $0x1B8E;
	s24 =	sld [smem:$0x3FFE];
	[sflag:s23] =	ssyncadd.s32 $0xFFFFFFFF  }
0xa5: {  	s26 =	simm.s32 $execute0_lowered;
	[smem:$0x3FD2] =	sst s25  }
0xa6: {  	s5 =	sshll.u32 s26, $0x1;
	_ =	strace $0x80000046;
	[dreg:$0x1] =	wrdreg $0xFFFFFFFF  }
0xa7: {  	s28 =	simm.s32 $_size_execute0_lowered;
	s3 =	sadd.s32 s3, s5;
	[dreg:$0x0] =	wrdreg $0x0  }
0xa8: {  	s5 =	sshll.u32 s28, $0x1;
	[dreg:$0x2] =	wrdreg s3  }
0xa9: {  	[dreg:$0x3] =	wrdreg s5  }
0xaa: {  	[dreg:$0x4] =	wrdreg $0xC0  }
0xab: {  	_ =	task [dreg:s7], $0x5FFFF  }
0xac: {  	[dreg:$0x1] =	wrdreg $0xFFFFFFFF  }
0xad: {  	[dreg:$0x0] =	wrdreg $0x60  }
0xae: {  	[dreg:$0x2] =	wrdreg s24  }
0xaf: {  	[dreg:$0x3] =	wrdreg s2  }
0xb0: {  	[dreg:$0x4] =	wrdreg $0x9  }
0xb1: {  	_ =	task.clear_ibuf [dreg:s7], $0x5FFFF;
	_ =	strace $0x90000046  }
0xb2: {  	s29 =	simm.s32 $0x9;
	_ =	strace $0x80000048  }
0xb3: {  	_ =	swait.ge [sflag:s29], $0x1  }
0xb4: {  	[sflag:s29] =	ssyncadd.s32 $0xFFFFFFFF  }
0xb5: {  	_ =	strace $0x90000048  }
0xb6: {  	_ =	sfence  }
0xb7: {  	s30 =	sld [smem:$0x0];
	_ =	sdelay $0x2  }
0xb8: {  	s31 =	sshll.u32 s1, $0xD;
	s1 =	sshrl.u32 s1, $0x2  }
0xb9: {  	s3 =	sand.u32 $0x4000, s31;
	s1 =	sadd.s32 s1, s30  }
0xba: {  	s0 =	sor.u32 s3, s0;
	s1 =	sshll.u32 s1, $0x11  }
0xbb: {  	s0 =	sor.u32 s1, s0  }
0xbc: {  	s0 =	sadd.s32 $0x8F2B, s0  }
0xbd: {  	[sflag:s0] =	ssyncadd.remote.s32 $0x1  }
0xbe: {  	_ =	sfence.sel $0xFFFF  }
0xbf: {  	[dreg:$0x0] =	wrdreg $0xFFFFFFFF;
	(pc) =	sbr.abs _section_cstart, $3  }
0xc0: {  	[dreg:$0x1] =	wrdreg $0xFFFFFFFF  }
0xc1: {  	_ =	task.clear_ibuf [dreg:s7], $0x2FFFF;
	_ =	strace $0x9FFFFFFF  }
0xc2: {  	(tm) =	ssettm $0x7FFFFFFF  }
0xc3: {  	_ =	shalt  }
tec
execute0_lowered:
.L_overlay_start_1:
0x0: {  	(tag) =	ssettag $0x1  }
0x1: {  	s5 =	rddreg [dreg:$0x0]  }
0x2: {  	s2 =	rddreg [dreg:$0x1]  }
0x3: {  	s3 =	srdreg.scid;
	s0 =	rddreg [dreg:$0x2]  }
0x4: {  	s1 =	stileid.u32;
	s16 =	simm.s32 $0x3;
	s17 =	simm.s32 $0x18700  }
0x5: {  	s18 =	simm.s32 $0x1A000;
	s19 =	simm.s32 $0x19380;
	s20 =	simm.s32 $0x1AC80  }
0x6: {  	s21 =	simm.s32 $0x1;
	s22 =	simm.s32 $0xC380;
	s6 =	sand.u32 $0x1, s3  }
0x7: {  	s3 =	simm.s32 $0x0;
	s7 =	sand.u32 $0x7, s1;
	s12 =	sadd.s32 $0x63A00, s5  }
0x8: {  	s24 =	sshrl.u32 s1, $0x3;
	s28 =	sshll.u32 s1, $0x8;
	s4 =	smul.u32 $0x61C00, s6  }
0x9: {  	[smem:$0x7FF] =	sst s3;
	s8 =	sshll.u32 s7, $0x7;
	s9 =	ssub.s32 $0x2, s6  }
0xa: {  	s6 =	sshll.u32 s6, $0x3;
	s11 =	smul.u32 $0xC3500, s24;
	s29 =	sand.u32 $0x300, s28  }
0xb: {  	p0 =	seq.s32 s24, $0x0;
	p1 =	sne.s32 s24, $0x0;
	s24 =	simm.s32 $0x0  }
0xc: {  	_ =	strace $0x80000047;
	s10 =	sshrl.u32 s9, $0x1;
	s6 =	sor.u32 s7, s6  }
0xd: {  	s8 =	sor.u32 s4, s8;
	s4 =	sadd.s32 $0x1C00, s5;
	s14 =	ssub.s32 s9, s10  }
0xe: {  	s23 =	sshrl.u32 s6, $0x2;
	s25 =	sshrl.u32 s11, $0x3;
	s9 =	sadd.s32 $0x1900, s11  }
0xf: {  	s8 =	sshrl.u32 s8, $0x3;
	s26 =	smul.u32 $0x61C00, s23;
	s6 =	sadd.s32 s2, s25  }
0x10: {  	s7 =	sadd.s32 s4, s25;
	s23 =	simm.s32 $0x2;
	s13 =	sadd.s32 s8, s5  }
0x11: {  	s8 =	sadd.s32 $0xC80, s11;
	s5 =	sadd.s32 $0x32A00, s13;
	s10 =	sor.u32 s29, s26  }
0x12: {  	s30 =	sshrl.u32 s10, $0x3;
	s15 =	sor.u32 $0x80, s10;
	s10 =	sadd.s32 $0x4B200, s13  }
0x13: {  	s13 =	smax.u32 s14, $0x1;
	s14 =	simm.s32 $0x80;
	s31 =	sshrl.u32 s15, $0x3  }
0x14: {  	v0 =	vimm.s32 $0xFF80FF80;
	v1 =	vimm.s32 $0x0;
	s11 =	sadd.s32 s12, s30;
	s15 =	simm.s32 $0x400;
	s12 =	sadd.s32 s12, s31  }
.LBB2_1:
0x15: {  	[tilespmem:s3], [sflag:$0x3] =	stream.strided.gather [hbm4b:s5+s14], $0xC380, s15, s14, $0x38;
	[tilespmem:$0x1B900] =	vst v63  }
0x16: {  	_ =	swait.ge [sflag:s16], $0xC380  }
0x17: {  	[sflag:s16] =	ssyncset.done $0x0  }
0x18: {  	s25 =	simm.s32 $0x0;
	s26 =	simm.s32 $0x200;
	[sflag:s16] =	ssyncadd.s32 $0xFFFF3C80  }
.LBB2_2:
0x19: {  	p2 =	sne.s32 s26, $0x30C00;
	[tilespmem:s25+$0xC3F0] =	vst v0  }
0x1a: {  	[tilespmem:s25+$0xC380] =	vst v0  }
0x1b: {  	[tilespmem:s25+$0xC390] =	vst v0  }
.Ltmp0:
0x1c: {  	[tilespmem:s25+$0xC3A0] =	vst v0;
	(pc) =	sbr.rel @p2 .LBB2_2-.Ltmp0, $4  }
0x1d: {  	[tilespmem:s25+$0xC3B0] =	vst v0  }
0x1e: {  	[tilespmem:s25+$0xC3C0] =	vst v0  }
0x1f: {  	[tilespmem:s25+$0xC3D0] =	vst v0  }
0x20: {  	[tilespmem:s25+$0xC3E0] =	vst v0;
	s25 =	sshra.s32 s26, $0x2;
	s26 =	sadd.s32 $0x200, s26  }
0x21: {  	[tilespmem:s25+$0xC3F0] =	vst v0  }
0x22: {  	[tilespmem:s25+$0xC380] =	vst v0  }
0x23: {  	[tilespmem:s25+$0xC390] =	vst v0  }
0x24: {  	[tilespmem:s25+$0xC3A0] =	vst v0  }
0x25: {  	[tilespmem:s25+$0xC3B0] =	vst v0  }
0x26: {  	[tilespmem:s25+$0xC3C0] =	vst v0  }
.Ltmp1:
0x27: {  	[tilespmem:s25+$0xC3D0] =	vst v0;
	(pc) =	sbr.rel .LBB2_4-.Ltmp1, $4  }
0x28: {  	[tilespmem:s25+$0xC3E0] =	vst v0;
	s25 =	simm.s32 $0x0  }
0x29: {  	[tilespmem:s17], [sflag:$0x1] =	stream.linear.gather [hbm4b:s6+s25], $0xC80, $0x38;
	[tilespmem:$0x1B900] =	vst v63  }
0x2a: {  	s26 =	simm.s32 $0x0  }
0x2b: {  	[tilespmem:s18], [sflag:$0x1] =	stream.linear.gather [hbm4b:s7+s25], $0xC80, $0x38;
	[tilespmem:$0x1B900] =	vst v63  }
.LBB2_12:
0x2c: {  	s26 =	sadd.s32 $0x1, s26  }
0x2d: {  	p2 =	sne.s32 s26, $0x7D  }
.Ltmp2:
0x2e: {  	_ = 	snop;
	(pc) =	sbr.rel @!p2 .LBB2_13-.Ltmp2, $1  }
0x2f: {  	_ =	sdelay $0x3  }
.LBB2_4:
0x30: {  	s28 =	smul.u32 $0x1900, s26;
	_ =	sdelay $0x1  }
0x31: {  	s29 =	sadd.s32 s28, s8  }
0x32: {  	s29 =	sshrl.u32 s29, $0x3  }
0x33: {  	s30 =	sadd.s32 s2, s29  }
0x34: {  	[tilespmem:s19], [sflag:$0x2] =	stream.linear.gather [hbm4b:s30+s25], $0xC80, $0x38;
	[tilespmem:$0x1B900] =	vst v63  }
0x35: {  	s29 =	sadd.s32 s4, s29  }
0x36: {  	[tilespmem:s20], [sflag:$0x2] =	stream.linear.gather [hbm4b:s29+s25], $0xC80, $0x38;
	[tilespmem:$0x1B900] =	vst v63  }
0x37: {  	_ =	swait.ge [sflag:s21], $0xC80  }
.Ltmp3:
0x38: {  	[sflag:s21] =	ssyncset.done $0x0;
	(pc) =	sbr.rel .LBB2_5-.Ltmp3, $4  }
0x39: {  	[sflag:s21] =	ssyncadd.s32 $0xFFFFF380  }
0x3a: {  	_ =	swait.ge [sflag:s21], $0xC80  }
0x3b: {  	[sflag:s21] =	ssyncset.done $0x0  }
0x3c: {  	s29 =	simm.s32 $0x0;
	[sflag:s21] =	ssyncadd.s32 $0xFFFFF380  }
.LBB2_7:
0x3d: {  	s29 =	sadd.s32 $0x1, s29  }
0x3e: {  	p2 =	sne.s32 s29, $0x14  }
.Ltmp4:
0x3f: {  	_ = 	snop;
	(pc) =	sbr.rel @!p2 .LBB2_8-.Ltmp4, $1  }
0x40: {  	_ =	sdelay $0x3  }
.LBB2_5:
0x41: {  	s30 =	smul.u32 $0xA0, s29;
	_ =	sdelay $0x1  }
0x42: {  	v2 =	vld [tilespmem:s30+$0x18700]  }
0x43: {  	v3 =	vld [tilespmem:s30+$0x18710]  }
0x44: {  	v4 =	vld [tilespmem:s30+$0x18720]  }
0x45: {  	v5 =	vld [tilespmem:s30+$0x18730]  }
0x46: {  	v6 =	vld [tilespmem:s30+$0x18740]  }
0x47: {  	v11 =	vld [tilespmem:s30+$0x18750]  }
0x48: {  	v12 =	vld [tilespmem:s30+$0x18760]  }
0x49: {  	v14 =	vld [tilespmem:s30+$0x18770]  }
0x4a: {  	v16 =	vld [tilespmem:s30+$0x18790]  }
0x4b: {  	v7 =	vld [tilespmem:s30+$0x1A000]  }
0x4c: {  	v8 =	vld [tilespmem:s30+$0x1A010]  }
0x4d: {  	v9 =	vld [tilespmem:s30+$0x1A020]  }
0x4e: {  	v10 =	vld [tilespmem:s30+$0x1A030]  }
0x4f: {  	v13 =	vld [tilespmem:s30+$0x1A040]  }
0x50: {  	v17 =	vld [tilespmem:s30+$0x1A050]  }
0x51: {  	v19 =	vld [tilespmem:s30+$0x1A060];
	v18 =	vand.u32 $0xFFFF, v2  }
0x52: {  	v21 =	vld [tilespmem:s30+$0x1A070];
	v20 =	vand.u32 $0xFFFF, v3  }
0x53: {  	s31 =	sand.u32 $0x1FE0, s30;
	v25 =	vld [tilespmem:s30+$0x1A090];
	v22 =	vand.u32 $0xFFFF, v4  }
0x54: {  	v15 =	vld [tilespmem:s31+$0x18780];
	v24 =	vand.u32 $0xFFFF, v5  }
0x55: {  	v23 =	vld [tilespmem:s31+$0x1A080];
	v26 =	vand.u32 $0xFFFF, v6  }
0x56: {  	v27 =	vand.u32 $0xFFFF, v11;
	v18 =	vld.idx.msk [tilespmem:v18+s3+$0x0], $0xffff  }
0x57: {  	v28 =	vand.u32 $0xFFFF, v12;
	v20 =	vld.idx.msk [tilespmem:v20+s3+$0x0], $0xffff  }
0x58: {  	v29 =	vand.u32 $0xFFFF, v14;
	v22 =	vld.idx.msk [tilespmem:v22+s3+$0x0], $0xffff  }
0x59: {  	v2 =	vshrl.u32 v2, $0x10;
	v24 =	vld.idx.msk [tilespmem:v24+s3+$0x0], $0xffff  }
0x5a: {  	v3 =	vshrl.u32 v3, $0x10;
	v26 =	vld.idx.msk [tilespmem:v26+s3+$0x0], $0xffff  }
0x5b: {  	v4 =	vshrl.u32 v4, $0x10;
	v27 =	vld.idx.msk [tilespmem:v27+s3+$0x0], $0xffff  }
0x5c: {  	v5 =	vshrl.u32 v5, $0x10;
	v28 =	vld.idx.msk [tilespmem:v28+s3+$0x0], $0xffff  }
0x5d: {  	v6 =	vshrl.u32 v6, $0x10;
	v29 =	vld.idx.msk [tilespmem:v29+s3+$0x0], $0xffff  }
0x5e: {  	v30 =	vand.u32 $0xFFFF, v15;
	v32 =	vld.idx.msk [tilespmem:v2+s22+$0x0], $0xffff  }
0x5f: {  	v31 =	vand.u32 $0xFFFF, v16;
	v33 =	vld.idx.msk [tilespmem:v3+s22+$0x0], $0xffff  }
0x60: {  	v34 =	vld.idx.msk [tilespmem:v4+s22+$0x0], $0xffff  }
0x61: {  	v7 =	vmul.bf16 v18, v7;
	v18 =	vld.idx.msk [tilespmem:v5+s22+$0x0], $0xffff  }
0x62: {  	v8 =	vmul.bf16 v20, v8;
	v20 =	vld.idx.msk [tilespmem:v6+s22+$0x0], $0xffff  }
0x63: {  	v11 =	vshrl.u32 v11, $0x10;
	v30 =	vld.idx.msk [tilespmem:v30+s3+$0x0], $0xffff;
	v9 =	vmul.bf16 v22, v9;
	v49 =	vmax.bf16 v32, v7  }
0x64: {  	v22 =	vld.idx.msk [tilespmem:v31+s3+$0x0], $0xffff;
	v10 =	vmul.bf16 v24, v10;
	v50 =	vmax.bf16 v33, v8;
	[tilespmem:v2+s22+$0x0] =	vst.idx.msk $0xffff, v49  }
0x65: {  	v12 =	vshrl.u32 v12, $0x10;
	v13 =	vmul.bf16 v26, v13;
	v51 =	vmax.bf16 v34, v9;
	[tilespmem:v3+s22+$0x0] =	vst.idx.msk $0xffff, v50  }
0x66: {  	v14 =	vshrl.u32 v14, $0x10;
	[tilespmem:v4+s22+$0x0] =	vst.idx.msk $0xffff, v51;
	v18 =	vmax.bf16 v18, v10  }
0x67: {  	v15 =	vshrl.u32 v15, $0x10;
	[tilespmem:v5+s22+$0x0] =	vst.idx.msk $0xffff, v18;
	v18 =	vmax.bf16 v20, v13  }
0x68: {  	v16 =	vshrl.u32 v16, $0x10;
	[tilespmem:v6+s22+$0x0] =	vst.idx.msk $0xffff, v18  }
0x69: {  	v20 =	vld.idx.msk [tilespmem:v11+s22+$0x0], $0xffff  }
0x6a: {  	v24 =	vld.idx.msk [tilespmem:v12+s22+$0x0], $0xffff  }
0x6b: {  	v52 =	vld.idx.msk [tilespmem:v14+s22+$0x0], $0xffff  }
0x6c: {  	v17 =	vmul.bf16 v27, v17;
	v53 =	vld.idx.msk [tilespmem:v15+s22+$0x0], $0xffff  }
0x6d: {  	v18 =	vmul.bf16 v28, v19;
	v54 =	vld.idx.msk [tilespmem:v16+s22+$0x0], $0xffff  }
0x6e: {  	v19 =	vmul.bf16 v29, v21;
	v21 =	vmax.bf16 v20, v17  }
0x6f: {  	v20 =	vmul.bf16 v30, v23;
	v23 =	vmax.bf16 v24, v18;
	[tilespmem:v11+s22+$0x0] =	vst.idx.msk $0xffff, v21  }
0x70: {  	v21 =	vmul.bf16 v22, v25;
	v22 =	vmax.bf16 v52, v19;
	[tilespmem:v12+s22+$0x0] =	vst.idx.msk $0xffff, v23  }
0x71: {  	[tilespmem:v14+s22+$0x0] =	vst.idx.msk $0xffff, v22;
	v22 =	vmax.bf16 v53, v20  }
0x72: {  	[tilespmem:v15+s22+$0x0] =	vst.idx.msk $0xffff, v22;
	v22 =	vmax.bf16 v54, v21  }
0x73: {  	[tilespmem:v16+s22+$0x0] =	vst.idx.msk $0xffff, v22  }
0x74: {  	v22 =	vld.idx.msk [tilespmem:v2+s22+$0x0], $0xffff  }
0x75: {  	v23 =	vld.idx.msk [tilespmem:v3+s22+$0x0], $0xffff  }
0x76: {  	v55 =	vld.idx.msk [tilespmem:v4+s22+$0x0], $0xffff  }
0x77: {  	v56 =	vld.idx.msk [tilespmem:v5+s22+$0x0], $0xffff  }
0x78: {  	v57 =	vld.idx.msk [tilespmem:v6+s22+$0x0], $0xffff  }
0x79: {  	v58 =	vld.idx.msk [tilespmem:v11+s22+$0x0], $0xffff  }
0x7a: {  	v61 =	vld.idx.msk [tilespmem:v12+s22+$0x0], $0xffff;
	v59 =	vmax.bf16 v22, v7;
	v60 =	vmax.bf16 v23, v8  }
0x7b: {  	vm0 =	vne.s32 v22, v59;
	vm1 =	vne.s32 v23, v60;
	v22 =	vmax.bf16 v55, v9;
	v23 =	vld.idx.msk [tilespmem:v14+s22+$0x0], $0xffff  }
0x7c: {  	v62 =	vld.idx.msk [tilespmem:v15+s22+$0x0], $0xffff;
	vm0 =	vmor vm0, vm1;
	vm8 =	vne.s32 v55, v22;
	v22 =	vmax.bf16 v56, v10  }
0x7d: {  	v63 =	vld.idx.msk [tilespmem:v16+s22+$0x0], $0xffff;
	vm0 =	vmor vm0, vm8;
	vm9 =	vne.s32 v56, v22;
	v22 =	vmax.bf16 v57, v13  }
0x7e: {  	vm0 =	vmor vm0, vm9;
	vm10 =	vne.s32 v57, v22;
	v22 =	vmax.bf16 v58, v17  }
0x7f: {  	vm0 =	vmor vm0, vm10;
	vm11 =	vne.s32 v58, v22;
	v22 =	vmax.bf16 v61, v18  }
0x80: {  	vm0 =	vmor vm0, vm11;
	vm12 =	vne.s32 v61, v22;
	v22 =	vmax.bf16 v23, v19  }
0x81: {  	vm0 =	vmor vm0, vm12;
	vm13 =	vne.s32 v23, v22;
	v22 =	vmax.bf16 v62, v20  }
0x82: {  	vm0 =	vmor vm0, vm13;
	vm14 =	vne.s32 v62, v22;
	v22 =	vmax.bf16 v63, v21  }
0x83: {  	vm0 =	vmor vm0, vm14;
	vm15 =	vne.s32 v63, v22  }
0x84: {  	vm0 =	vmor vm0, vm15  }
0x85: {  	v22 =	vsel vm0, $0x1, v1  }
0x86: {  	v22 =	vor.u32 $0x80000000, v22  }
0x87: {  	(xrf0) =	vmax.scan.msk.u32 $0xffff, v22;
	_ =	sdelay $0x5  }
0x88: {  	v22, _, _ =	vpop (xrf0)  }
0x89: {  	(v2sf) =	vpush v22, $0xF;
	_ =	sdelay $0xe  }
0x8a: {  	s31 =	spop (v2sf)  }
0x8b: {  	p2 =	slt.u32 s31, $0x80000001  }
.Ltmp5:
0x8c: {  	_ = 	snop;
	(pc) =	sbr.rel @p2 .LBB2_7-.Ltmp5, $1  }
0x8d: {  	_ =	sdelay $0x3  }
.LBB2_6:
0x8e: {  	v22 =	vld.idx.msk [tilespmem:v2+s22+$0x0], $0xffff;
	_ =	sdelay $0x4  }
0x8f: {  	v23 =	vmax.bf16 v22, v7  }
0x90: {  	vm0 =	vne.s32 v22, v23;
	_ =	sdelay $0x5  }
0x91: {  	[tilespmem:v2+s22+$0x0] =	vst.idx.msk vm0, v23  }
0x92: {  	v22 =	vld.idx.msk [tilespmem:v3+s22+$0x0], $0xffff;
	_ =	sdelay $0x4  }
0x93: {  	v23 =	vmax.bf16 v22, v8  }
0x94: {  	vm10 =	vne.s32 v22, v23;
	_ =	sdelay $0x5  }
0x95: {  	[tilespmem:v3+s22+$0x0] =	vst.idx.msk vm10, v23  }
0x96: {  	v22 =	vld.idx.msk [tilespmem:v4+s22+$0x0], $0xffff;
	_ =	sdelay $0x4  }
0x97: {  	v23 =	vmax.bf16 v22, v9  }
0x98: {  	vm11 =	vne.s32 v22, v23;
	_ =	sdelay $0x5  }
0x99: {  	[tilespmem:v4+s22+$0x0] =	vst.idx.msk vm11, v23  }
0x9a: {  	v22 =	vld.idx.msk [tilespmem:v5+s22+$0x0], $0xffff;
	_ =	sdelay $0x4  }
0x9b: {  	v23 =	vmax.bf16 v22, v10  }
0x9c: {  	vm12 =	vne.s32 v22, v23;
	_ =	sdelay $0x5  }
0x9d: {  	[tilespmem:v5+s22+$0x0] =	vst.idx.msk vm12, v23  }
0x9e: {  	v22 =	vld.idx.msk [tilespmem:v6+s22+$0x0], $0xffff;
	_ =	sdelay $0x4  }
0x9f: {  	v23 =	vmax.bf16 v22, v13  }
0xa0: {  	vm13 =	vne.s32 v22, v23;
	_ =	sdelay $0x5  }
0xa1: {  	[tilespmem:v6+s22+$0x0] =	vst.idx.msk vm13, v23  }
0xa2: {  	v22 =	vld.idx.msk [tilespmem:v11+s22+$0x0], $0xffff;
	_ =	sdelay $0x4  }
0xa3: {  	v23 =	vmax.bf16 v22, v17  }
0xa4: {  	vm14 =	vne.s32 v22, v23;
	_ =	sdelay $0x5  }
0xa5: {  	[tilespmem:v11+s22+$0x0] =	vst.idx.msk vm14, v23  }
0xa6: {  	v22 =	vld.idx.msk [tilespmem:v12+s22+$0x0], $0xffff;
	_ =	sdelay $0x4  }
0xa7: {  	v23 =	vmax.bf16 v22, v18  }
0xa8: {  	vm15 =	vne.s32 v22, v23;
	_ =	sdelay $0x5  }
0xa9: {  	[tilespmem:v12+s22+$0x0] =	vst.idx.msk vm15, v23  }
0xaa: {  	v22 =	vld.idx.msk [tilespmem:v14+s22+$0x0], $0xffff;
	_ =	sdelay $0x4  }
0xab: {  	v23 =	vmax.bf16 v22, v19  }
0xac: {  	vm4 =	vne.s32 v22, v23;
	_ =	sdelay $0x5  }
0xad: {  	[tilespmem:v14+s22+$0x0] =	vst.idx.msk vm4, v23  }
0xae: {  	v22 =	vld.idx.msk [tilespmem:v15+s22+$0x0], $0xffff;
	_ =	sdelay $0x4  }
0xaf: {  	v23 =	vmax.bf16 v22, v20  }
0xb0: {  	vm5 =	vne.s32 v22, v23;
	_ =	sdelay $0x5  }
0xb1: {  	[tilespmem:v15+s22+$0x0] =	vst.idx.msk vm5, v23  }
0xb2: {  	v22 =	vld.idx.msk [tilespmem:v16+s22+$0x0], $0xffff;
	_ =	sdelay $0x4  }
0xb3: {  	v23 =	vmax.bf16 v22, v21  }
0xb4: {  	vm6 =	vne.s32 v22, v23;
	_ =	sdelay $0x5  }
0xb5: {  	[tilespmem:v16+s22+$0x0] =	vst.idx.msk vm6, v23  }
0xb6: {  	v22 =	vld.idx.msk [tilespmem:v2+s22+$0x0], $0xffff  }
0xb7: {  	v23 =	vld.idx.msk [tilespmem:v3+s22+$0x0], $0xffff  }
0xb8: {  	v24 =	vld.idx.msk [tilespmem:v4+s22+$0x0], $0xffff  }
0xb9: {  	v25 =	vld.idx.msk [tilespmem:v5+s22+$0x0], $0xffff  }
0xba: {  	v26 =	vld.idx.msk [tilespmem:v6+s22+$0x0], $0xffff  }
0xbb: {  	v27 =	vld.idx.msk [tilespmem:v11+s22+$0x0], $0xffff  }
0xbc: {  	v30 =	vld.idx.msk [tilespmem:v12+s22+$0x0], $0xffff;
	v28 =	vmax.bf16 v22, v7;
	v29 =	vmax.bf16 v23, v8  }
0xbd: {  	vm7 =	vne.s32 v22, v28;
	vm1 =	vne.s32 v23, v29;
	v22 =	vmax.bf16 v24, v9;
	v23 =	vld.idx.msk [tilespmem:v14+s22+$0x0], $0xffff  }
0xbe: {  	v62 =	vld.idx.msk [tilespmem:v15+s22+$0x0], $0xffff;
	vm0 =	vmor vm7, vm1;
	vm8 =	vne.s32 v24, v22;
	v22 =	vmax.bf16 v25, v10  }
0xbf: {  	v63 =	vld.idx.msk [tilespmem:v16+s22+$0x0], $0xffff;
	vm0 =	vmor vm0, vm8;
	vm9 =	vne.s32 v25, v22;
	v22 =	vmax.bf16 v26, v13  }
0xc0: {  	vm0 =	vmor vm0, vm9;
	vm10 =	vne.s32 v26, v22;
	v22 =	vmax.bf16 v27, v17  }
0xc1: {  	vm0 =	vmor vm0, vm10;
	vm11 =	vne.s32 v27, v22;
	v22 =	vmax.bf16 v30, v18  }
0xc2: {  	vm0 =	vmor vm0, vm11;
	vm12 =	vne.s32 v30, v22;
	v22 =	vmax.bf16 v23, v19  }
0xc3: {  	vm0 =	vmor vm0, vm12;
	vm13 =	vne.s32 v23, v22;
	v22 =	vmax.bf16 v62, v20  }
0xc4: {  	vm0 =	vmor vm0, vm13;
	vm14 =	vne.s32 v62, v22;
	v22 =	vmax.bf16 v63, v21  }
0xc5: {  	vm0 =	vmor vm0, vm14;
	vm15 =	vne.s32 v63, v22  }
0xc6: {  	vm0 =	vmor vm0, vm15  }
0xc7: {  	v22 =	vsel vm0, $0x1, v1  }
0xc8: {  	v22 =	vor.u32 $0x80000000, v22  }
0xc9: {  	(xrf0) =	vmax.scan.msk.u32 $0xffff, v22;
	_ =	sdelay $0x5  }
0xca: {  	v22, _, _ =	vpop (xrf0)  }
0xcb: {  	(v2sf) =	vpush v22, $0xF;
	_ =	sdelay $0xe  }
0xcc: {  	s30 =	spop (v2sf)  }
0xcd: {  	p2 =	sgt.u32 s30, $0x80000000  }
.Ltmp6:
0xce: {  	_ = 	snop;
	(pc) =	sbr.rel @p2 .LBB2_6-.Ltmp6, $1  }
0xcf: {  	_ =	sdelay $0x3  }
.Ltmp7:
0xd0: {  	_ = 	snop;
	(pc) =	sbr.rel .LBB2_7-.Ltmp7, $1  }
0xd1: {  	_ =	sdelay $0x3  }
.LBB2_8:
0xd2: {  	p2 =	seq.s32 s26, $0x7C  }
0xd3: {  	s28 =	sadd.s32 @!p2 s28, s9  }
0xd4: {  	s28 =	sshrl.u32 @!p2 s28, $0x3  }
0xd5: {  	s30 =	simm.s32 @!p2 $0x0;
	s31 =	simm.s32 @!p2 $0x18700;
	s29 =	sadd.s32 @!p2 s2, s28  }
0xd6: {  	[tilespmem:s31], [sflag:$0x1] =	stream.linear.gather @!p2 [hbm4b:s29+s30], $0xC80, $0x38;
	[tilespmem:$0x1B900] =	vst v63  }
0xd7: {  	s28 =	sadd.s32 @!p2 s4, s28;
	s29 =	simm.s32 @!p2 $0x1A000  }
0xd8: {  	[tilespmem:s29], [sflag:$0x1] =	stream.linear.gather @!p2 [hbm4b:s28+s30], $0xC80, $0x38;
	[tilespmem:$0x1B900] =	vst v63  }
0xd9: {  	_ =	swait.ge [sflag:s23], $0xC80  }
.Ltmp8:
0xda: {  	[sflag:s23] =	ssyncset.done $0x0;
	(pc) =	sbr.rel .LBB2_9-.Ltmp8, $4  }
0xdb: {  	[sflag:s23] =	ssyncadd.s32 $0xFFFFF380  }
0xdc: {  	_ =	swait.ge [sflag:s23], $0xC80  }
0xdd: {  	[sflag:s23] =	ssyncset.done $0x0  }
0xde: {  	s28 =	simm.s32 $0x0;
	[sflag:s23] =	ssyncadd.s32 $0xFFFFF380  }
.LBB2_11:
0xdf: {  	s28 =	sadd.s32 $0x1, s28  }
0xe0: {  	p2 =	sne.s32 s28, $0x14  }
.Ltmp9:
0xe1: {  	_ = 	snop;
	(pc) =	sbr.rel @!p2 .LBB2_12-.Ltmp9, $1  }
0xe2: {  	_ =	sdelay $0x3  }
.LBB2_9:
0xe3: {  	s29 =	smul.u32 $0xA0, s28;
	_ =	sdelay $0x1  }
0xe4: {  	v2 =	vld [tilespmem:s29+$0x19380]  }
0xe5: {  	v3 =	vld [tilespmem:s29+$0x19390]  }
0xe6: {  	v4 =	vld [tilespmem:s29+$0x193A0]  }
0xe7: {  	v5 =	vld [tilespmem:s29+$0x193B0]  }
0xe8: {  	v6 =	vld [tilespmem:s29+$0x193C0]  }
0xe9: {  	v11 =	vld [tilespmem:s29+$0x193D0]  }
0xea: {  	v12 =	vld [tilespmem:s29+$0x193E0]  }
0xeb: {  	v14 =	vld [tilespmem:s29+$0x193F0]  }
0xec: {  	v16 =	vld [tilespmem:s29+$0x19410]  }
0xed: {  	v7 =	vld [tilespmem:s29+$0x1AC80]  }
0xee: {  	v8 =	vld [tilespmem:s29+$0x1AC90]  }
0xef: {  	v9 =	vld [tilespmem:s29+$0x1ACA0]  }
0xf0: {  	v10 =	vld [tilespmem:s29+$0x1ACB0]  }
0xf1: {  	v13 =	vld [tilespmem:s29+$0x1ACC0]  }
0xf2: {  	v17 =	vld [tilespmem:s29+$0x1ACD0]  }
0xf3: {  	v19 =	vld [tilespmem:s29+$0x1ACE0];
	v18 =	vand.u32 $0xFFFF, v2  }
0xf4: {  	v21 =	vld [tilespmem:s29+$0x1ACF0];
	v20 =	vand.u32 $0xFFFF, v3  }
0xf5: {  	s30 =	sand.u32 $0x1FE0, s29;
	v25 =	vld [tilespmem:s29+$0x1AD10];
	v22 =	vand.u32 $0xFFFF, v4  }
0xf6: {  	v15 =	vld [tilespmem:s30+$0x19400];
	v24 =	vand.u32 $0xFFFF, v5  }
0xf7: {  	v23 =	vld [tilespmem:s30+$0x1AD00];
	v26 =	vand.u32 $0xFFFF, v6  }
0xf8: {  	v27 =	vand.u32 $0xFFFF, v11;
	v18 =	vld.idx.msk [tilespmem:v18+s3+$0x0], $0xffff  }
0xf9: {  	v28 =	vand.u32 $0xFFFF, v12;
	v20 =	vld.idx.msk [tilespmem:v20+s3+$0x0], $0xffff  }
0xfa: {  	v29 =	vand.u32 $0xFFFF, v14;
	v22 =	vld.idx.msk [tilespmem:v22+s3+$0x0], $0xffff  }
0xfb: {  	v2 =	vshrl.u32 v2, $0x10;
	v24 =	vld.idx.msk [tilespmem:v24+s3+$0x0], $0xffff  }
0xfc: {  	v3 =	vshrl.u32 v3, $0x10;
	v26 =	vld.idx.msk [tilespmem:v26+s3+$0x0], $0xffff  }
0xfd: {  	v4 =	vshrl.u32 v4, $0x10;
	v27 =	vld.idx.msk [tilespmem:v27+s3+$0x0], $0xffff  }
0xfe: {  	v5 =	vshrl.u32 v5, $0x10;
	v28 =	vld.idx.msk [tilespmem:v28+s3+$0x0], $0xffff  }
0xff: {  	v6 =	vshrl.u32 v6, $0x10;
	v29 =	vld.idx.msk [tilespmem:v29+s3+$0x0], $0xffff  }
0x100: {  	v30 =	vand.u32 $0xFFFF, v15;
	v32 =	vld.idx.msk [tilespmem:v2+s22+$0x0], $0xffff  }
0x101: {  	v31 =	vand.u32 $0xFFFF, v16;
	v33 =	vld.idx.msk [tilespmem:v3+s22+$0x0], $0xffff  }
0x102: {  	v34 =	vld.idx.msk [tilespmem:v4+s22+$0x0], $0xffff  }
0x103: {  	v7 =	vmul.bf16 v18, v7;
	v18 =	vld.idx.msk [tilespmem:v5+s22+$0x0], $0xffff  }
0x104: {  	v8 =	vmul.bf16 v20, v8;
	v20 =	vld.idx.msk [tilespmem:v6+s22+$0x0], $0xffff  }
0x105: {  	v11 =	vshrl.u32 v11, $0x10;
	v30 =	vld.idx.msk [tilespmem:v30+s3+$0x0], $0xffff;
	v9 =	vmul.bf16 v22, v9;
	v49 =	vmax.bf16 v32, v7  }
0x106: {  	v22 =	vld.idx.msk [tilespmem:v31+s3+$0x0], $0xffff;
	v10 =	vmul.bf16 v24, v10;
	v50 =	vmax.bf16 v33, v8;
	[tilespmem:v2+s22+$0x0] =	vst.idx.msk $0xffff, v49  }
0x107: {  	v12 =	vshrl.u32 v12, $0x10;
	v13 =	vmul.bf16 v26, v13;
	v51 =	vmax.bf16 v34, v9;
	[tilespmem:v3+s22+$0x0] =	vst.idx.msk $0xffff, v50  }
0x108: {  	v14 =	vshrl.u32 v14, $0x10;
	[tilespmem:v4+s22+$0x0] =	vst.idx.msk $0xffff, v51;
	v18 =	vmax.bf16 v18, v10  }
0x109: {  	v15 =	vshrl.u32 v15, $0x10;
	[tilespmem:v5+s22+$0x0] =	vst.idx.msk $0xffff, v18;
	v18 =	vmax.bf16 v20, v13  }
0x10a: {  	v16 =	vshrl.u32 v16, $0x10;
	[tilespmem:v6+s22+$0x0] =	vst.idx.msk $0xffff, v18  }
0x10b: {  	v20 =	vld.idx.msk [tilespmem:v11+s22+$0x0], $0xffff  }
0x10c: {  	v24 =	vld.idx.msk [tilespmem:v12+s22+$0x0], $0xffff  }
0x10d: {  	v52 =	vld.idx.msk [tilespmem:v14+s22+$0x0], $0xffff  }
0x10e: {  	v17 =	vmul.bf16 v27, v17;
	v53 =	vld.idx.msk [tilespmem:v15+s22+$0x0], $0xffff  }
0x10f: {  	v18 =	vmul.bf16 v28, v19;
	v54 =	vld.idx.msk [tilespmem:v16+s22+$0x0], $0xffff  }
0x110: {  	v19 =	vmul.bf16 v29, v21;
	v21 =	vmax.bf16 v20, v17  }
0x111: {  	v20 =	vmul.bf16 v30, v23;
	v23 =	vmax.bf16 v24, v18;
	[tilespmem:v11+s22+$0x0] =	vst.idx.msk $0xffff, v21  }
0x112: {  	v21 =	vmul.bf16 v22, v25;
	v22 =	vmax.bf16 v52, v19;
	[tilespmem:v12+s22+$0x0] =	vst.idx.msk $0xffff, v23  }
0x113: {  	[tilespmem:v14+s22+$0x0] =	vst.idx.msk $0xffff, v22;
	v22 =	vmax.bf16 v53, v20  }
0x114: {  	[tilespmem:v15+s22+$0x0] =	vst.idx.msk $0xffff, v22;
	v22 =	vmax.bf16 v54, v21  }
0x115: {  	[tilespmem:v16+s22+$0x0] =	vst.idx.msk $0xffff, v22  }
0x116: {  	v22 =	vld.idx.msk [tilespmem:v2+s22+$0x0], $0xffff  }
0x117: {  	v23 =	vld.idx.msk [tilespmem:v3+s22+$0x0], $0xffff  }
0x118: {  	v55 =	vld.idx.msk [tilespmem:v4+s22+$0x0], $0xffff  }
0x119: {  	v56 =	vld.idx.msk [tilespmem:v5+s22+$0x0], $0xffff  }
0x11a: {  	v57 =	vld.idx.msk [tilespmem:v6+s22+$0x0], $0xffff  }
0x11b: {  	v58 =	vld.idx.msk [tilespmem:v11+s22+$0x0], $0xffff  }
0x11c: {  	v61 =	vld.idx.msk [tilespmem:v12+s22+$0x0], $0xffff;
	v59 =	vmax.bf16 v22, v7;
	v60 =	vmax.bf16 v23, v8  }
0x11d: {  	vm0 =	vne.s32 v22, v59;
	vm1 =	vne.s32 v23, v60;
	v22 =	vmax.bf16 v55, v9;
	v23 =	vld.idx.msk [tilespmem:v14+s22+$0x0], $0xffff  }
0x11e: {  	v62 =	vld.idx.msk [tilespmem:v15+s22+$0x0], $0xffff;
	vm0 =	vmor vm0, vm1;
	vm8 =	vne.s32 v55, v22;
	v22 =	vmax.bf16 v56, v10  }
0x11f: {  	v63 =	vld.idx.msk [tilespmem:v16+s22+$0x0], $0xffff;
	vm0 =	vmor vm0, vm8;
	vm9 =	vne.s32 v56, v22;
	v22 =	vmax.bf16 v57, v13  }
0x120: {  	vm0 =	vmor vm0, vm9;
	vm10 =	vne.s32 v57, v22;
	v22 =	vmax.bf16 v58, v17  }
0x121: {  	vm0 =	vmor vm0, vm10;
	vm11 =	vne.s32 v58, v22;
	v22 =	vmax.bf16 v61, v18  }
0x122: {  	vm0 =	vmor vm0, vm11;
	vm12 =	vne.s32 v61, v22;
	v22 =	vmax.bf16 v23, v19  }
0x123: {  	vm0 =	vmor vm0, vm12;
	vm13 =	vne.s32 v23, v22;
	v22 =	vmax.bf16 v62, v20  }
0x124: {  	vm0 =	vmor vm0, vm13;
	vm14 =	vne.s32 v62, v22;
	v22 =	vmax.bf16 v63, v21  }
0x125: {  	vm0 =	vmor vm0, vm14;
	vm15 =	vne.s32 v63, v22  }
0x126: {  	vm0 =	vmor vm0, vm15  }
0x127: {  	v22 =	vsel vm0, $0x1, v1  }
0x128: {  	v22 =	vor.u32 $0x80000000, v22  }
0x129: {  	(xrf0) =	vmax.scan.msk.u32 $0xffff, v22;
	_ =	sdelay $0x5  }
0x12a: {  	v22, _, _ =	vpop (xrf0)  }
0x12b: {  	(v2sf) =	vpush v22, $0xF;
	_ =	sdelay $0xe  }
0x12c: {  	s31 =	spop (v2sf)  }
0x12d: {  	p2 =	slt.u32 s31, $0x80000001  }
.Ltmp10:
0x12e: {  	_ = 	snop;
	(pc) =	sbr.rel @p2 .LBB2_11-.Ltmp10, $1  }
0x12f: {  	_ =	sdelay $0x3  }
.LBB2_10:
0x130: {  	v22 =	vld.idx.msk [tilespmem:v2+s22+$0x0], $0xffff;
	_ =	sdelay $0x4  }
0x131: {  	v23 =	vmax.bf16 v22, v7  }
0x132: {  	vm0 =	vne.s32 v22, v23;
	_ =	sdelay $0x5  }
0x133: {  	[tilespmem:v2+s22+$0x0] =	vst.idx.msk vm0, v23  }
0x134: {  	v22 =	vld.idx.msk [tilespmem:v3+s22+$0x0], $0xffff;
	_ =	sdelay $0x4  }
0x135: {  	v23 =	vmax.bf16 v22, v8  }
0x136: {  	vm10 =	vne.s32 v22, v23;
	_ =	sdelay $0x5  }
0x137: {  	[tilespmem:v3+s22+$0x0] =	vst.idx.msk vm10, v23  }
0x138: {  	v22 =	vld.idx.msk [tilespmem:v4+s22+$0x0], $0xffff;
	_ =	sdelay $0x4  }
0x139: {  	v23 =	vmax.bf16 v22, v9  }
0x13a: {  	vm11 =	vne.s32 v22, v23;
	_ =	sdelay $0x5  }
0x13b: {  	[tilespmem:v4+s22+$0x0] =	vst.idx.msk vm11, v23  }
0x13c: {  	v22 =	vld.idx.msk [tilespmem:v5+s22+$0x0], $0xffff;
	_ =	sdelay $0x4  }
0x13d: {  	v23 =	vmax.bf16 v22, v10  }
0x13e: {  	vm12 =	vne.s32 v22, v23;
	_ =	sdelay $0x5  }
0x13f: {  	[tilespmem:v5+s22+$0x0] =	vst.idx.msk vm12, v23  }
0x140: {  	v22 =	vld.idx.msk [tilespmem:v6+s22+$0x0], $0xffff;
	_ =	sdelay $0x4  }
0x141: {  	v23 =	vmax.bf16 v22, v13  }
0x142: {  	vm13 =	vne.s32 v22, v23;
	_ =	sdelay $0x5  }
0x143: {  	[tilespmem:v6+s22+$0x0] =	vst.idx.msk vm13, v23  }
0x144: {  	v22 =	vld.idx.msk [tilespmem:v11+s22+$0x0], $0xffff;
	_ =	sdelay $0x4  }
0x145: {  	v23 =	vmax.bf16 v22, v17  }
0x146: {  	vm14 =	vne.s32 v22, v23;
	_ =	sdelay $0x5  }
0x147: {  	[tilespmem:v11+s22+$0x0] =	vst.idx.msk vm14, v23  }
0x148: {  	v22 =	vld.idx.msk [tilespmem:v12+s22+$0x0], $0xffff;
	_ =	sdelay $0x4  }
0x149: {  	v23 =	vmax.bf16 v22, v18  }
0x14a: {  	vm15 =	vne.s32 v22, v23;
	_ =	sdelay $0x5  }
0x14b: {  	[tilespmem:v12+s22+$0x0] =	vst.idx.msk vm15, v23  }
0x14c: {  	v22 =	vld.idx.msk [tilespmem:v14+s22+$0x0], $0xffff;
	_ =	sdelay $0x4  }
0x14d: {  	v23 =	vmax.bf16 v22, v19  }
0x14e: {  	vm4 =	vne.s32 v22, v23;
	_ =	sdelay $0x5  }
0x14f: {  	[tilespmem:v14+s22+$0x0] =	vst.idx.msk vm4, v23  }
0x150: {  	v22 =	vld.idx.msk [tilespmem:v15+s22+$0x0], $0xffff;
	_ =	sdelay $0x4  }
0x151: {  	v23 =	vmax.bf16 v22, v20  }
0x152: {  	vm5 =	vne.s32 v22, v23;
	_ =	sdelay $0x5  }
0x153: {  	[tilespmem:v15+s22+$0x0] =	vst.idx.msk vm5, v23  }
0x154: {  	v22 =	vld.idx.msk [tilespmem:v16+s22+$0x0], $0xffff;
	_ =	sdelay $0x4  }
0x155: {  	v23 =	vmax.bf16 v22, v21  }
0x156: {  	vm6 =	vne.s32 v22, v23;
	_ =	sdelay $0x5  }
0x157: {  	[tilespmem:v16+s22+$0x0] =	vst.idx.msk vm6, v23  }
0x158: {  	v22 =	vld.idx.msk [tilespmem:v2+s22+$0x0], $0xffff  }
0x159: {  	v23 =	vld.idx.msk [tilespmem:v3+s22+$0x0], $0xffff  }
0x15a: {  	v24 =	vld.idx.msk [tilespmem:v4+s22+$0x0], $0xffff  }
0x15b: {  	v25 =	vld.idx.msk [tilespmem:v5+s22+$0x0], $0xffff  }
0x15c: {  	v26 =	vld.idx.msk [tilespmem:v6+s22+$0x0], $0xffff  }
0x15d: {  	v27 =	vld.idx.msk [tilespmem:v11+s22+$0x0], $0xffff  }
0x15e: {  	v30 =	vld.idx.msk [tilespmem:v12+s22+$0x0], $0xffff;
	v28 =	vmax.bf16 v22, v7;
	v29 =	vmax.bf16 v23, v8  }
0x15f: {  	vm7 =	vne.s32 v22, v28;
	vm1 =	vne.s32 v23, v29;
	v22 =	vmax.bf16 v24, v9;
	v23 =	vld.idx.msk [tilespmem:v14+s22+$0x0], $0xffff  }
0x160: {  	v62 =	vld.idx.msk [tilespmem:v15+s22+$0x0], $0xffff;
	vm0 =	vmor vm7, vm1;
	vm8 =	vne.s32 v24, v22;
	v22 =	vmax.bf16 v25, v10  }
0x161: {  	v63 =	vld.idx.msk [tilespmem:v16+s22+$0x0], $0xffff;
	vm0 =	vmor vm0, vm8;
	vm9 =	vne.s32 v25, v22;
	v22 =	vmax.bf16 v26, v13  }
0x162: {  	vm0 =	vmor vm0, vm9;
	vm10 =	vne.s32 v26, v22;
	v22 =	vmax.bf16 v27, v17  }
0x163: {  	vm0 =	vmor vm0, vm10;
	vm11 =	vne.s32 v27, v22;
	v22 =	vmax.bf16 v30, v18  }
0x164: {  	vm0 =	vmor vm0, vm11;
	vm12 =	vne.s32 v30, v22;
	v22 =	vmax.bf16 v23, v19  }
0x165: {  	vm0 =	vmor vm0, vm12;
	vm13 =	vne.s32 v23, v22;
	v22 =	vmax.bf16 v62, v20  }
0x166: {  	vm0 =	vmor vm0, vm13;
	vm14 =	vne.s32 v62, v22;
	v22 =	vmax.bf16 v63, v21  }
0x167: {  	vm0 =	vmor vm0, vm14;
	vm15 =	vne.s32 v63, v22  }
0x168: {  	vm0 =	vmor vm0, vm15  }
0x169: {  	v22 =	vsel vm0, $0x1, v1  }
0x16a: {  	v22 =	vor.u32 $0x80000000, v22  }
0x16b: {  	(xrf0) =	vmax.scan.msk.u32 $0xffff, v22;
	_ =	sdelay $0x5  }
0x16c: {  	v22, _, _ =	vpop (xrf0)  }
0x16d: {  	(v2sf) =	vpush v22, $0xF;
	_ =	sdelay $0xe  }
0x16e: {  	s29 =	spop (v2sf)  }
0x16f: {  	p2 =	sgt.u32 s29, $0x80000000  }
.Ltmp11:
0x170: {  	_ = 	snop;
	(pc) =	sbr.rel @p2 .LBB2_10-.Ltmp11, $1  }
0x171: {  	_ =	sdelay $0x3  }
.Ltmp12:
0x172: {  	_ = 	snop;
	(pc) =	sbr.rel .LBB2_11-.Ltmp12, $1  }
0x173: {  	_ =	sdelay $0x3  }
.LBB2_13:
0x174: {  	s25 =	simm.s32 @!p0 $0x80;
	s26 =	simm.s32 @!p0 $0x400;
	s28 =	simm.s32 @!p0 $0xC380  }
0x175: {  	[hbm4b:s10+s25] =	stream.strided.scatter @!p0 [tilespmem:s28], [sflag:$0x3], $0xC380, s26, s25, $0x38;
	[tilespmem:$0x1B900] =	vst v63  }
0x176: {  	s25 =	simm.s32 @!p0 $0x3  }
0x177: {  	_ =	swait.ge @!p0 [sflag:s25], $0xC380  }
0x178: {  	[sflag:s25] =	ssyncset.done @!p0 $0x0  }
0x179: {  	[sflag:s25] =	ssyncadd.s32 @!p0 $0xFFFF3C80  }
0x17a: {  	s31 =	simm.s32 $0x0;
	[bflag:$0x0] =	sbarrier.arrive $0xFFFF  }
0x17b: {  	[tilespmem:s31], [sflag:$0x3] =	stream.strided.gather [hbm4b:s10+s14], $0xC380, s15, s14, $0x38;
	[tilespmem:$0x1B900] =	vst v63  }
0x17c: {  	_ =	swait.ge [sflag:s16], $0xC380  }
0x17d: {  	[sflag:s16] =	ssyncset.done $0x0  }
0x17e: {  	s25 =	simm.s32 $0x0;
	[sflag:s16] =	ssyncadd.s32 $0xFFFF3C80  }
0x17f: {  	v8 =	vld [tilespmem:s25+$0x0]  }
0x180: {  	v13 =	vld [tilespmem:s25+$0x10]  }
0x181: {  	v7 =	vld [tilespmem:s25+$0x20]  }
0x182: {  	v6 =	vld [tilespmem:s25+$0x30]  }
0x183: {  	v5 =	vld [tilespmem:s25+$0x40]  }
0x184: {  	v4 =	vld [tilespmem:s25+$0x50]  }
0x185: {  	v3 =	vld [tilespmem:s25+$0x60]  }
0x186: {  	v2 =	vld [tilespmem:s25+$0x70]  }
0x187: {  	v14 =	vld [tilespmem:s25+$0xC380]  }
0x188: {  	v15 =	vld [tilespmem:s25+$0xC390]  }
0x189: {  	v12 =	vld [tilespmem:s25+$0xC3A0]  }
0x18a: {  	v11 =	vld [tilespmem:s25+$0xC3B0]  }
0x18b: {  	v10 =	vld [tilespmem:s25+$0xC3C0]  }
0x18c: {  	v9 =	vld [tilespmem:s25+$0xC3D0];
	v14 =	vmax.bf16 v14, v8  }
0x18d: {  	s28 =	simm.s32 $0x200;
	s26 =	simm.s32 $0x0;
	v8 =	vld [tilespmem:s25+$0xC3E0];
	v13 =	vmax.bf16 v15, v13;
	[tilespmem:s25+$0xC380] =	vst v14  }
.LBB2_14:
0x18e: {  	s29 =	sshra.s32 s28, $0x2;
	p2 =	sne.s32 s28, $0x30C00;
	v14 =	vld [tilespmem:s26+$0xC3F0];
	[tilespmem:s26+$0xC390] =	vst v13;
	v7 =	vmax.bf16 v12, v7  }
0x18f: {  	v13 =	vld [tilespmem:s29+$0x0];
	[tilespmem:s26+$0xC3A0] =	vst v7;
	v6 =	vmax.bf16 v11, v6  }
0x190: {  	v15 =	vld [tilespmem:s29+$0x10];
	[tilespmem:s26+$0xC3B0] =	vst v6;
	v5 =	vmax.bf16 v10, v5  }
0x191: {  	v7 =	vld [tilespmem:s29+$0x20];
	[tilespmem:s26+$0xC3C0] =	vst v5;
	v4 =	vmax.bf16 v9, v4  }
0x192: {  	v6 =	vld [tilespmem:s29+$0x30];
	[tilespmem:s26+$0xC3D0] =	vst v4;
	v3 =	vmax.bf16 v8, v3  }
0x193: {  	v5 =	vld [tilespmem:s29+$0x40];
	[tilespmem:s26+$0xC3E0] =	vst v3;
	v2 =	vmax.bf16 v14, v2  }
0x194: {  	v4 =	vld [tilespmem:s29+$0x50];
	[tilespmem:s26+$0xC3F0] =	vst v2;
	s26 =	smov.u32 s29  }
0x195: {  	v3 =	vld [tilespmem:s26+$0x60]  }
0x196: {  	v2 =	vld [tilespmem:s26+$0x70]  }
0x197: {  	v8 =	vld [tilespmem:s26+$0xC380]  }
0x198: {  	v14 =	vld [tilespmem:s26+$0xC390]  }
.Ltmp13:
0x199: {  	v12 =	vld [tilespmem:s26+$0xC3A0];
	(pc) =	sbr.rel @p2 .LBB2_14-.Ltmp13, $4  }
0x19a: {  	v11 =	vld [tilespmem:s26+$0xC3B0]  }
0x19b: {  	v10 =	vld [tilespmem:s26+$0xC3C0]  }
0x19c: {  	v9 =	vld [tilespmem:s26+$0xC3D0];
	v13 =	vmax.bf16 v8, v13  }
0x19d: {  	s28 =	sadd.s32 $0x200, s28;
	v8 =	vld [tilespmem:s26+$0xC3E0];
	[tilespmem:s26+$0xC380] =	vst v13;
	v13 =	vmax.bf16 v14, v15  }
0x19e: {  	v14 =	vld [tilespmem:s26+$0xC3F0];
	[tilespmem:s26+$0xC390] =	vst v13;
	v7 =	vmax.bf16 v12, v7  }
0x19f: {  	[tilespmem:s26+$0xC3A0] =	vst v7;
	v6 =	vmax.bf16 v11, v6  }
0x1a0: {  	[tilespmem:s26+$0xC3B0] =	vst v6;
	v5 =	vmax.bf16 v10, v5  }
0x1a1: {  	[tilespmem:s26+$0xC3C0] =	vst v5;
	v4 =	vmax.bf16 v9, v4  }
0x1a2: {  	[tilespmem:s26+$0xC3D0] =	vst v4;
	v3 =	vmax.bf16 v8, v3  }
0x1a3: {  	[tilespmem:s26+$0xC3E0] =	vst v3;
	v2 =	vmax.bf16 v14, v2  }
0x1a4: {  	[tilespmem:s26+$0xC3F0] =	vst v2  }
0x1a5: {  	v2 =	vld [tilespmem:s25+$0xC3F0]  }
0x1a6: {  	v3 =	vld [tilespmem:s25+$0xC380]  }
0x1a7: {  	v8 =	vld [tilespmem:s25+$0xC390]  }
0x1a8: {  	v6 =	vld [tilespmem:s25+$0xC3A0]  }
0x1a9: {  	v5 =	vld [tilespmem:s25+$0xC3B0]  }
0x1aa: {  	v4 =	vld [tilespmem:s25+$0xC3C0];
	v9 =	vshll.u32 v2, $0x10  }
0x1ab: {  	v2 =	vld [tilespmem:s25+$0xC3D0];
	v7 =	vshll.u32 v3, $0x10;
	vm1 =	veq.f32 v9, $-Inf  }
0x1ac: {  	s28 =	simm.s32 $0x400;
	s26 =	simm.s32 $0x80;
	v3 =	vld [tilespmem:s25+$0xC3E0];
	v8 =	vshll.u32 v8, $0x10;
	vm0 =	veq.f32 v7, $-Inf;
	v9 =	vsel vm1, $0x0, v9  }
.LBB2_16:
0x1ad: {  	p2 =	sne.s32 s28, $0x30C00;
	v10 =	vld [tilespmem:s26+$0xC3F0];
	v7 =	vsel vm0, $0x0, v7;
	vm0 =	veq.f32 v8, $-Inf;
	v6 =	vshll.u32 v6, $0x10;
	[tilespmem:s25+$0x70] =	vst v9  }
0x1ae: {  	v9 =	vld [tilespmem:s26+$0xC380];
	[tilespmem:s25+$0x0] =	vst v7;
	v7 =	vsel vm0, $0x0, v8;
	vm0 =	veq.f32 v6, $-Inf;
	v5 =	vshll.u32 v5, $0x10  }
0x1af: {  	v8 =	vld [tilespmem:s26+$0xC390];
	[tilespmem:s25+$0x10] =	vst v7;
	v7 =	vsel vm0, $0x0, v6;
	vm0 =	veq.f32 v5, $-Inf;
	v4 =	vshll.u32 v4, $0x10  }
.Ltmp14:
0x1b0: {  	v6 =	vld [tilespmem:s26+$0xC3A0];
	[tilespmem:s25+$0x20] =	vst v7;
	v7 =	vsel vm0, $0x0, v5;
	vm0 =	veq.f32 v4, $-Inf;
	v2 =	vshll.u32 v2, $0x10;
	(pc) =	sbr.rel @p2 .LBB2_16-.Ltmp14, $4  }
0x1b1: {  	v5 =	vld [tilespmem:s26+$0xC3B0];
	[tilespmem:s25+$0x30] =	vst v7;
	v7 =	vsel vm0, $0x0, v4;
	vm0 =	veq.f32 v2, $-Inf;
	v3 =	vshll.u32 v3, $0x10  }
0x1b2: {  	v4 =	vld [tilespmem:s26+$0xC3C0];
	v10 =	vshll.u32 v10, $0x10;
	[tilespmem:s25+$0x40] =	vst v7;
	v11 =	vsel vm0, $0x0, v2;
	vm0 =	veq.f32 v3, $-Inf  }
0x1b3: {  	v2 =	vld [tilespmem:s26+$0xC3D0];
	v7 =	vshll.u32 v9, $0x10;
	vm1 =	veq.f32 v10, $-Inf;
	[tilespmem:s25+$0x50] =	vst v11;
	v11 =	vsel vm0, $0x0, v3  }
0x1b4: {  	v3 =	vld [tilespmem:s26+$0xC3E0];
	vm0 =	veq.f32 v7, $-Inf;
	v8 =	vshll.u32 v8, $0x10;
	v9 =	vsel vm1, $0x0, v10;
	[tilespmem:s25+$0x60] =	vst v11;
	s25 =	smov.u32 s26;
	s26 =	sshra.s32 s28, $0x2;
	s28 =	sadd.s32 $0x200, s28  }
0x1b5: {  	v10 =	vld [tilespmem:s26+$0xC3F0];
	[tilespmem:s25+$0x70] =	vst v9;
	v7 =	vsel vm0, $0x0, v7;
	vm0 =	veq.f32 v8, $-Inf;
	v6 =	vshll.u32 v6, $0x10  }
0x1b6: {  	v9 =	vld [tilespmem:s26+$0xC380];
	[tilespmem:s25+$0x0] =	vst v7;
	v7 =	vsel vm0, $0x0, v8;
	vm0 =	veq.f32 v6, $-Inf;
	v5 =	vshll.u32 v5, $0x10  }
0x1b7: {  	v8 =	vld [tilespmem:s26+$0xC390];
	[tilespmem:s25+$0x10] =	vst v7;
	v6 =	vsel vm0, $0x0, v6;
	vm0 =	veq.f32 v5, $-Inf;
	v4 =	vshll.u32 v4, $0x10  }
0x1b8: {  	v7 =	vld [tilespmem:s26+$0xC3A0];
	[tilespmem:s25+$0x20] =	vst v6;
	v5 =	vsel vm0, $0x0, v5;
	vm0 =	veq.f32 v4, $-Inf;
	v2 =	vshll.u32 v2, $0x10  }
0x1b9: {  	v6 =	vld [tilespmem:s26+$0xC3B0];
	[tilespmem:s25+$0x30] =	vst v5;
	v4 =	vsel vm0, $0x0, v4;
	vm0 =	veq.f32 v2, $-Inf;
	v3 =	vshll.u32 v3, $0x10  }
0x1ba: {  	v5 =	vld [tilespmem:s26+$0xC3C0];
	[tilespmem:s25+$0x40] =	vst v4;
	v2 =	vsel vm0, $0x0, v2;
	v10 =	vshll.u32 v10, $0x10;
	vm0 =	veq.f32 v3, $-Inf  }
0x1bb: {  	v4 =	vld [tilespmem:s26+$0xC3D0];
	[tilespmem:s25+$0x50] =	vst v2;
	v2 =	vshll.u32 v9, $0x10;
	vm1 =	veq.f32 v10, $-Inf;
	v3 =	vsel vm0, $0x0, v3  }
0x1bc: {  	v9 =	vld [tilespmem:s26+$0xC3E0];
	vm0 =	veq.f32 v2, $-Inf;
	v8 =	vshll.u32 v8, $0x10;
	v10 =	vsel vm1, $0x0, v10;
	[tilespmem:s25+$0x60] =	vst v3  }
0x1bd: {  	v2 =	vsel vm0, $0x0, v2;
	vm0 =	veq.f32 v8, $-Inf;
	v3 =	vshll.u32 v7, $0x10;
	[tilespmem:s26+$0x70] =	vst v10  }
0x1be: {  	[tilespmem:s26+$0x0] =	vst v2;
	v2 =	vsel vm0, $0x0, v8;
	vm0 =	veq.f32 v3, $-Inf;
	v6 =	vshll.u32 v6, $0x10  }
0x1bf: {  	[tilespmem:s26+$0x10] =	vst v2;
	v2 =	vsel vm0, $0x0, v3;
	vm0 =	veq.f32 v6, $-Inf;
	v3 =	vshll.u32 v5, $0x10  }
0x1c0: {  	[tilespmem:s26+$0x20] =	vst v2;
	v2 =	vsel vm0, $0x0, v6;
	vm0 =	veq.f32 v3, $-Inf;
	v4 =	vshll.u32 v4, $0x10  }
0x1c1: {  	[tilespmem:s26+$0x30] =	vst v2;
	v2 =	vsel vm0, $0x0, v3;
	vm0 =	veq.f32 v4, $-Inf;
	v3 =	vshll.u32 v9, $0x10  }
0x1c2: {  	[tilespmem:s26+$0x40] =	vst v2;
	v2 =	vsel vm0, $0x0, v4;
	vm0 =	veq.f32 v3, $-Inf  }
0x1c3: {  	[tilespmem:s26+$0x50] =	vst v2;
	v2 =	vsel vm0, $0x0, v3  }
0x1c4: {  	s28 =	simm.s32 @!p1 $0x0;
	s25 =	simm.s32 @!p1 $0x80;
	[tilespmem:s26+$0x60] =	vst v2;
	s26 =	simm.s32 @!p1 $0x400  }
0x1c5: {  	[hbm4b:s11+s25] =	stream.strided.scatter @!p1 [tilespmem:s28], [sflag:$0x3], $0xC380, s26, s25, $0x38;
	[tilespmem:$0x1B900] =	vst v63  }
0x1c6: {  	s25 =	simm.s32 @!p1 $0x3  }
0x1c7: {  	_ =	swait.ge @!p1 [sflag:s25], $0xC380  }
0x1c8: {  	[sflag:s25] =	ssyncset.done @!p1 $0x0  }
0x1c9: {  	s26 =	simm.s32 $0x0;
	[sflag:s25] =	ssyncadd.s32 @!p1 $0xFFFF3C80  }
0x1ca: {  	v2 =	vld [tilespmem:s26+$0xC3F0]  }
0x1cb: {  	v3 =	vld [tilespmem:s26+$0xC380]  }
0x1cc: {  	v8 =	vld [tilespmem:s26+$0xC390]  }
0x1cd: {  	v6 =	vld [tilespmem:s26+$0xC3A0]  }
0x1ce: {  	v5 =	vld [tilespmem:s26+$0xC3B0]  }
0x1cf: {  	v4 =	vld [tilespmem:s26+$0xC3C0];
	v9 =	vand.u32 $0xFFFF0000, v2  }
0x1d0: {  	v2 =	vld [tilespmem:s26+$0xC3D0];
	v7 =	vand.u32 $0xFFFF0000, v3;
	vm1 =	veq.f32 v9, $-Inf  }
0x1d1: {  	s28 =	simm.s32 $0x400;
	s25 =	simm.s32 $0x80;
	v3 =	vld [tilespmem:s26+$0xC3E0];
	v8 =	vand.u32 $0xFFFF0000, v8;
	vm0 =	veq.f32 v7, $-Inf;
	v9 =	vsel vm1, $0x0, v9  }
.LBB2_18:
0x1d2: {  	p2 =	sne.s32 s28, $0x30C00;
	v10 =	vld [tilespmem:s25+$0xC3F0];
	v7 =	vsel vm0, $0x0, v7;
	vm0 =	veq.f32 v8, $-Inf;
	v6 =	vand.u32 $0xFFFF0000, v6;
	[tilespmem:s26+$0x70] =	vst v9  }
0x1d3: {  	v9 =	vld [tilespmem:s25+$0xC380];
	[tilespmem:s26+$0x0] =	vst v7;
	v7 =	vsel vm0, $0x0, v8;
	vm0 =	veq.f32 v6, $-Inf;
	v5 =	vand.u32 $0xFFFF0000, v5  }
0x1d4: {  	v8 =	vld [tilespmem:s25+$0xC390];
	[tilespmem:s26+$0x10] =	vst v7;
	v7 =	vsel vm0, $0x0, v6;
	vm0 =	veq.f32 v5, $-Inf;
	v4 =	vand.u32 $0xFFFF0000, v4  }
.Ltmp15:
0x1d5: {  	v6 =	vld [tilespmem:s25+$0xC3A0];
	[tilespmem:s26+$0x20] =	vst v7;
	v7 =	vsel vm0, $0x0, v5;
	vm0 =	veq.f32 v4, $-Inf;
	v2 =	vand.u32 $0xFFFF0000, v2;
	(pc) =	sbr.rel @p2 .LBB2_18-.Ltmp15, $4  }
0x1d6: {  	v5 =	vld [tilespmem:s25+$0xC3B0];
	[tilespmem:s26+$0x30] =	vst v7;
	v7 =	vsel vm0, $0x0, v4;
	vm0 =	veq.f32 v2, $-Inf;
	v3 =	vand.u32 $0xFFFF0000, v3  }
0x1d7: {  	v4 =	vld [tilespmem:s25+$0xC3C0];
	v10 =	vand.u32 $0xFFFF0000, v10;
	[tilespmem:s26+$0x40] =	vst v7;
	v11 =	vsel vm0, $0x0, v2;
	vm0 =	veq.f32 v3, $-Inf  }
0x1d8: {  	v2 =	vld [tilespmem:s25+$0xC3D0];
	v7 =	vand.u32 $0xFFFF0000, v9;
	vm1 =	veq.f32 v10, $-Inf;
	[tilespmem:s26+$0x50] =	vst v11;
	v11 =	vsel vm0, $0x0, v3  }
0x1d9: {  	v3 =	vld [tilespmem:s25+$0xC3E0];
	vm0 =	veq.f32 v7, $-Inf;
	v8 =	vand.u32 $0xFFFF0000, v8;
	v9 =	vsel vm1, $0x0, v10;
	[tilespmem:s26+$0x60] =	vst v11;
	s26 =	smov.u32 s25;
	s25 =	sshra.s32 s28, $0x2;
	s28 =	sadd.s32 $0x200, s28  }
0x1da: {  	v10 =	vld [tilespmem:s25+$0xC3F0];
	[tilespmem:s26+$0x70] =	vst v9;
	v7 =	vsel vm0, $0x0, v7;
	vm15 =	veq.f32 v8, $-Inf;
	v6 =	vand.u32 $0xFFFF0000, v6  }
0x1db: {  	v9 =	vld [tilespmem:s25+$0xC380];
	[tilespmem:s26+$0x0] =	vst v7;
	v61 =	vsel vm15, $0x0, v8;
	vm4 =	veq.f32 v6, $-Inf;
	v5 =	vand.u32 $0xFFFF0000, v5  }
0x1dc: {  	v62 =	vld [tilespmem:s25+$0xC390];
	[tilespmem:s26+$0x10] =	vst v61;
	v6 =	vsel vm4, $0x0, v6;
	vm5 =	veq.f32 v5, $-Inf;
	v4 =	vand.u32 $0xFFFF0000, v4  }
0x1dd: {  	v7 =	vld [tilespmem:s25+$0xC3A0];
	[tilespmem:s26+$0x20] =	vst v6;
	v5 =	vsel vm5, $0x0, v5;
	vm6 =	veq.f32 v4, $-Inf;
	v2 =	vand.u32 $0xFFFF0000, v2  }
0x1de: {  	v6 =	vld [tilespmem:s25+$0xC3B0];
	[tilespmem:s26+$0x30] =	vst v5;
	v4 =	vsel vm6, $0x0, v4;
	vm7 =	veq.f32 v2, $-Inf;
	v3 =	vand.u32 $0xFFFF0000, v3  }
0x1df: {  	v5 =	vld [tilespmem:s25+$0xC3C0];
	[tilespmem:s26+$0x40] =	vst v4;
	v2 =	vsel vm7, $0x0, v2;
	v10 =	vand.u32 $0xFFFF0000, v10;
	vm8 =	veq.f32 v3, $-Inf  }
0x1e0: {  	v4 =	vld [tilespmem:s25+$0xC3D0];
	[tilespmem:s26+$0x50] =	vst v2;
	v2 =	vand.u32 $0xFFFF0000, v9;
	vm1 =	veq.f32 v10, $-Inf;
	v3 =	vsel vm8, $0x0, v3  }
0x1e1: {  	v63 =	vld [tilespmem:s25+$0xC3E0];
	vm9 =	veq.f32 v2, $-Inf;
	v8 =	vand.u32 $0xFFFF0000, v62;
	v10 =	vsel vm1, $0x0, v10;
	[tilespmem:s26+$0x60] =	vst v3  }
0x1e2: {  	v2 =	vsel vm9, $0x0, v2;
	vm10 =	veq.f32 v8, $-Inf;
	v3 =	vand.u32 $0xFFFF0000, v7;
	[tilespmem:s25+$0x70] =	vst v10  }
0x1e3: {  	[tilespmem:s25+$0x0] =	vst v2;
	v2 =	vsel vm10, $0x0, v8;
	vm11 =	veq.f32 v3, $-Inf;
	v6 =	vand.u32 $0xFFFF0000, v6  }
0x1e4: {  	[tilespmem:s25+$0x10] =	vst v2;
	v2 =	vsel vm11, $0x0, v3;
	vm12 =	veq.f32 v6, $-Inf;
	v3 =	vand.u32 $0xFFFF0000, v5  }
0x1e5: {  	[tilespmem:s25+$0x20] =	vst v2;
	v2 =	vsel vm12, $0x0, v6;
	vm13 =	veq.f32 v3, $-Inf;
	v4 =	vand.u32 $0xFFFF0000, v4  }
0x1e6: {  	[tilespmem:s25+$0x30] =	vst v2;
	v2 =	vsel vm13, $0x0, v3;
	vm14 =	veq.f32 v4, $-Inf;
	v3 =	vand.u32 $0xFFFF0000, v63  }
0x1e7: {  	[tilespmem:s25+$0x40] =	vst v2;
	v2 =	vsel vm14, $0x0, v4;
	vm15 =	veq.f32 v3, $-Inf  }
0x1e8: {  	s28 =	simm.s32 @!p1 $0x0;
	s24 =	sadd.s32 $0x1, s24;
	[tilespmem:s25+$0x50] =	vst v2;
	v2 =	vsel vm15, $0x0, v3  }
0x1e9: {  	p2 =	sne.s32 s24, s13;
	s26 =	simm.s32 @!p1 $0x400;
	[tilespmem:s25+$0x60] =	vst v2;
	s25 =	simm.s32 @!p1 $0x80  }
0x1ea: {  	[hbm4b:s12+s25] =	stream.strided.scatter @!p1 [tilespmem:s28], [sflag:$0x3], $0xC380, s26, s25, $0x38;
	[tilespmem:$0x1B900] =	vst v63  }
.Ltmp16:
0x1eb: {  	_ = 	snop;
	(pc) =	sbr.rel @p2 .LBB2_1-.Ltmp16, $4  }
0x1ec: {  	s25 =	simm.s32 @!p1 $0x3  }
0x1ed: {  	_ =	swait.ge @!p1 [sflag:s25], $0xC380  }
0x1ee: {  	[sflag:s25] =	ssyncset.done @!p1 $0x0  }
0x1ef: {  	[sflag:s25] =	ssyncadd.s32 @!p1 $0xFFFF3C80  }
0x1f0: {  	_ =	sfence.sel $0x180000  }
0x1f1: {  	[bflag:$0x0] =	sbarrier.arrive $0xFFFF  }
0x1f2: {  	p0 =	sne.s32 s1, $0x0;
	_ =	strace $0x90000047  }
0x1f3: {  	s0 =	sadd.s32 @!p0 $0x100000, s0;
	[bflag:$0x2] =	sbarrier.arrive $0xFFFF  }
0x1f4: {  	[sflag:s0] =	ssyncadd.tile.s32 @!p0 $0x1;
	_ =	shalt  }
.Lfunc_end2:
_tile_overlayer_lowered:
.L_overlay_start_2:
0x1f5: {  	(tag) =	ssettag $0x2  }
0x1f6: {  	s0 =	rddreg [dreg:$0x0];
	s2 =	stileid.u32  }
0x1f7: {  	s1 =	rddreg [dreg:$0x1];
	p0 =	sne.s32 s2, $0x0  }
0x1f8: {  	s3 =	rddreg [dreg:$0x2];
	[bflag:$0x3] =	sbarrier.arrive $0xFFFF;
	s2 =	simm.s32 @!p0 $0x1C03  }
0x1f9: {  	[timem:s3], [sflag:s2] =	dma.local @!p0 [hbm:s0], s1  }
0x1fa: {  	s0 =	simm.s32 @!p0 $0x3  }
0x1fb: {  	_ =	swait.ge @!p0 [sflag:s0], s1  }
0x1fc: {  	s1 =	ssub.s32 @!p0 $0x0, s1;
	[sflag:s0] =	ssyncset.done @!p0 $0x0  }
0x1fd: {  	[sflag:s0] =	ssyncadd.s32 @!p0 s1  }
0x1fe: {  	[bflag:$0x3] =	sbarrier.arrive $0xFFFF  }
0x1ff: {  	_ =	shalt  }

</sc_bundles>
